<compile_context>
chip_gen: v7x
topology: tpu7x:2x2x1
jax: 0.10.2.dev20260603
libtpu: 0.0.44.dev20260713+nightly
codegen_flags: <defaults>
</compile_context>

<pallas_src>
import functools

import jax
import jax.numpy as jnp
from jax import lax
from jax.experimental import pallas as pl
from jax.experimental.pallas import tpu as pltpu
from jax.experimental.pallas import tpu_sc as plsc

N = 10000
E = 320000
D_IN = 128
HID = 128
NCLS = 16

NC = 2
NS = 16
NW = NC * NS
EPW = E // NW
CH = 32
PADE = 240
EPWP = EPW + PADE
NCHUNK = EPWP // CH
NDUM = 64
NACC = N + NDUM
SLAB = 624
TAIL = N - NS * SLAB
TAIL_OFF = NS * SLAB
NPAD = 10240
DSLAB = NPAD // NS
NBUF = 5
LA = 4
DCH = 80
DNCHUNK = EPW // DCH

_mesh = plsc.VectorSubcoreMesh(core_axis_name="c", subcore_axis_name="s")



@functools.partial(
    pl.kernel,
    out_type=jax.ShapeDtypeStruct((NC, NPAD), jnp.float32),
    mesh=_mesh,
    compiler_params=pltpu.CompilerParams(use_tc_tiling_on_sc=False),
    scratch_types=[pltpu.VMEM_SHARED((NPAD,), jnp.float32)],
)
def _deg_kernel(dst_hbm, out_hbm, acc_sh):
    cid = lax.axis_index("c")
    sid = lax.axis_index("s")
    wid = sid * NC + cid

    def run(dst_v, ones_v, z_v, sem):
        pltpu.async_copy(dst_hbm.at[wid], dst_v, sem).wait()
        for i in range(DCH // 16):
            ones_v[pl.ds(i * 16, 16)] = jnp.full((16,), 1.0, jnp.float32)

        @pl.when(sid == 0)
        def _():
            def zrow(i, c):
                z_v[pl.ds(i * 16, 16)] = jnp.zeros((16,), jnp.float32)
                return c
            lax.fori_loop(0, NPAD // 16, zrow, 0)
            pltpu.sync_copy(z_v, acc_sh)

        plsc.subcore_barrier()

        grp = 25
        def group(gi, c):
            def fire(j, c2):
                pltpu.async_copy(ones_v, acc_sh.at[dst_v.at[gi * grp + j]],
                                 sem, add=True)
                return c2
            lax.fori_loop(0, grp, fire, 0)

            def drain(j, c2):
                pltpu.make_async_copy(ones_v, acc_sh.at[dst_v.at[gi * grp + j]],
                                      sem).wait()
                return c2
            lax.fori_loop(0, grp, drain, 0)
            return c
        lax.fori_loop(0, DNCHUNK // grp, group, 0)
        plsc.subcore_barrier()
        pltpu.sync_copy(acc_sh.at[pl.ds(sid * DSLAB, DSLAB)],
                        out_hbm.at[cid, pl.ds(sid * DSLAB, DSLAB)])

    pl.run_scoped(
        run,
        pltpu.VMEM((DNCHUNK, DCH), jnp.int32),
        pltpu.VMEM((DCH,), jnp.float32),
        pltpu.VMEM((NPAD,), jnp.float32),
        pltpu.SemaphoreType.DMA,
    )



def _make_agg_kernel(d, ch, nbuf, la):
    nchunk = EPWP // ch
    @functools.partial(
        pl.kernel,
        out_type=jax.ShapeDtypeStruct((NC, N, d), jnp.float32),
        mesh=_mesh,
        compiler_params=pltpu.CompilerParams(use_tc_tiling_on_sc=False),
        scratch_types=[pltpu.VMEM_SHARED((NACC, d), jnp.float32)],
    )
    def agg(h_hbm, src_hbm, dst_hbm, out_hbm, acc_sh):
        cid = lax.axis_index("c")
        sid = lax.axis_index("s")
        wid = sid * NC + cid

        def run(*refs):
            src_v, dst_v, sem = refs[0], refs[1], refs[2]
            rows = list(refs[3:3 + nbuf])
            gs = list(refs[3 + nbuf:3 + 2 * nbuf])
            ss = list(refs[3 + 2 * nbuf:3 + 3 * nbuf])
            pltpu.async_copy(src_hbm.at[wid], src_v, sem).wait()
            pltpu.async_copy(dst_hbm.at[wid], dst_v, sem).wait()
            for b in range(la):
                pltpu.async_copy(h_hbm.at[src_v.at[b]], rows[b], gs[b])
            pltpu.sync_copy(h_hbm.at[pl.ds(sid * SLAB, SLAB)],
                            acc_sh.at[pl.ds(sid * SLAB, SLAB)])

            @pl.when(sid == 0)
            def _():
                pltpu.sync_copy(h_hbm.at[pl.ds(TAIL_OFF, TAIL)],
                                acc_sh.at[pl.ds(TAIL_OFF, TAIL)])

            plsc.subcore_barrier()

            def outer(i, c):
                g0 = i * nbuf
                for b in range(nbuf):
                    g = g0 + b
                    bb = (b + la) % nbuf
                    gla = g + la

                    @pl.when(gla < nchunk)
                    def _():
                        @pl.when(gla >= nbuf)
                        def _():
                            pltpu.make_async_copy(
                                rows[bb], acc_sh.at[dst_v.at[gla - nbuf]],
                                ss[bb]).wait()
                        pltpu.async_copy(h_hbm.at[src_v.at[gla]],
                                         rows[bb], gs[bb])

                    pltpu.make_async_copy(h_hbm.at[src_v.at[g]],
                                          rows[b], gs[b]).wait()
                    pltpu.async_copy(rows[b], acc_sh.at[dst_v.at[g]],
                                     ss[b], add=True)
                return c
            lax.fori_loop(0, nchunk // nbuf, outer, 0)
            for b in range(nbuf):
                g = nchunk - nbuf + b
                pltpu.make_async_copy(rows[b], acc_sh.at[dst_v.at[g]],
                                      ss[b]).wait()
            plsc.subcore_barrier()
            pltpu.sync_copy(acc_sh.at[pl.ds(sid * SLAB, SLAB)],
                            out_hbm.at[cid, pl.ds(sid * SLAB, SLAB)])

            @pl.when(sid == 0)
            def _():
                pltpu.sync_copy(acc_sh.at[pl.ds(TAIL_OFF, TAIL)],
                                out_hbm.at[cid, pl.ds(TAIL_OFF, TAIL)])

        pl.run_scoped(
            run,
            pltpu.VMEM((nchunk, ch), jnp.int32),
            pltpu.VMEM((nchunk, ch), jnp.int32),
            pltpu.SemaphoreType.DMA,
            *[pltpu.VMEM((ch, d), jnp.float32) for _ in range(nbuf)],
            *[pltpu.SemaphoreType.DMA for _ in range(2 * nbuf)],
        )

    return agg


_agg128 = _make_agg_kernel(HID, CH, 5, 4)
_agg16 = _make_agg_kernel(NCLS, 128, 10, 9)



def _row_scale(dinv_row, ncols):
    ones = jnp.ones((1, ncols), jnp.float32)
    return lax.dot_general(dinv_row, ones, (((0,), (0,)), ((), ())),
                           precision=lax.Precision.HIGHEST,
                           preferred_element_type=jnp.float32)


def _tc_mm_body(x_ref, w1_ref, mm_ref):
    mm_ref[...] = jnp.dot(x_ref[...], w1_ref[...],
                          preferred_element_type=jnp.float32)


def _tc_mm(x, W1):
    return pl.pallas_call(
        _tc_mm_body,
        out_shape=jax.ShapeDtypeStruct((N, HID), jnp.float32),
    )(x, W1)


def _tc1_body(deg2_ref, mm_ref, h1s_ref, dinvf_ref):
    deg = deg2_ref[0:1, :N] + deg2_ref[1:2, :N] + 1.0
    dinv = lax.rsqrt(deg)
    dinvf = _row_scale(dinv, HID)
    dinvf_ref[...] = dinvf
    h1s_ref[...] = mm_ref[...] * dinvf


def _tc1(deg2, mm):
    return pl.pallas_call(
        _tc1_body,
        out_shape=[
            jax.ShapeDtypeStruct((N, HID), jnp.float32),
            jax.ShapeDtypeStruct((N, HID), jnp.float32),
        ],
    )(deg2, mm)


def _tc2_body(p_ref, h1s_ref, dinvf_ref, b1_ref, w2_ref, h2s_ref, dinv16_ref):
    dinv16 = dinvf_ref[:, :NCLS]
    agg = p_ref[0] + p_ref[1] - h1s_ref[...]
    h1 = jnp.maximum(agg * dinvf_ref[...] + b1_ref[...], 0.0)
    h2 = jnp.dot(h1, w2_ref[...], preferred_element_type=jnp.float32)
    h2s_ref[...] = h2 * dinv16
    dinv16_ref[...] = dinv16


def _tc2(p1, h1s, dinvf, b1, W2):
    return pl.pallas_call(
        _tc2_body,
        out_shape=[
            jax.ShapeDtypeStruct((N, NCLS), jnp.float32),
            jax.ShapeDtypeStruct((N, NCLS), jnp.float32),
        ],
    )(p1, h1s, dinvf, b1, W2)


def _tc3_body(p_ref, h2s_ref, dinv16_ref, b2_ref, out_ref):
    agg = p_ref[0] + p_ref[1] - h2s_ref[...]
    out_ref[...] = agg * dinv16_ref[...] + b2_ref[...]


def _tc3(p2, h2s, dinv, b2):
    return pl.pallas_call(
        _tc3_body,
        out_shape=jax.ShapeDtypeStruct((N, NCLS), jnp.float32),
    )(p2, h2s, dinv, b2)



def kernel(x, edge_index, W1, b1, W2, b2):
    srcw = edge_index[0].astype(jnp.int32).reshape(NW, EPW)
    dstw = edge_index[1].astype(jnp.int32).reshape(NW, EPW)
    padi = jnp.arange(PADE, dtype=jnp.int32)
    spad = jnp.broadcast_to((padi * 131) % N, (NW, PADE))
    dpad = jnp.broadcast_to(N + (padi % NDUM), (NW, PADE))
    srcp = jnp.concatenate([srcw, spad], axis=1)
    dstp = jnp.concatenate([dstw, dpad], axis=1)
    src = srcp.reshape(NW, NCHUNK, CH)
    dst = dstp.reshape(NW, NCHUNK, CH)
    srcL = srcp.reshape(NW, EPWP // 128, 128)
    dstL = dstp.reshape(NW, EPWP // 128, 128)

    dstd = dstw.reshape(NW, DNCHUNK, DCH)
    deg2 = _deg_kernel(dstd)
    mm = _tc_mm(x, W1)

    h1s, dinvf = _tc1(deg2, mm)
    p1 = _agg128(h1s, src, dst)
    h2s, dinv16 = _tc2(p1, h1s, dinvf, b1.reshape(1, HID), W2)
    p2 = _agg16(h2s, srcL, dstL)
    out = _tc3(p2, h2s, dinv16, b2.reshape(1, NCLS))
    return out

# --- scband reference (transcript-rebuilt; emitter-appended) ---
"""Pipeline reference for scband-gcn-6777458393752 (READ-ONLY COPY).

The authoritative reference and input builder live on the scoring server;
editing this copy changes nothing except your own understanding.
"""

import jax, jax.numpy as jnp
import numpy as np

N_NODES = 10000
N_EDGES = 320000
D_FEAT = 128
HIDDEN = 128
N_CLASSES = 16


def setup_inputs(seed: int = 0) -> dict:
    key = jax.random.key(seed)
    k1, k2, k3, k4, k5, k6 = jax.random.split(key, 6)
    x = jax.random.normal(k1, (N_NODES, D_FEAT), dtype=jnp.float32)
    edge_index = jax.random.randint(k2, (2, N_EDGES), 0, N_NODES, dtype=jnp.int64)
    s1 = 1.0 / np.sqrt(D_FEAT)
    s2 = 1.0 / np.sqrt(HIDDEN)
    W1 = jax.random.uniform(k3, (D_FEAT, HIDDEN), dtype=jnp.float32, minval=-s1, maxval=s1)
    b1 = jax.random.uniform(k4, (HIDDEN,), dtype=jnp.float32, minval=-s1, maxval=s1)
    W2 = jax.random.uniform(k5, (HIDDEN, N_CLASSES), dtype=jnp.float32, minval=-s2, maxval=s2)
    b2 = jax.random.uniform(k6, (N_CLASSES,), dtype=jnp.float32, minval=-s2, maxval=s2)
    return {"x": x, "edge_index": edge_index, "W1": W1, "b1": b1, "W2": W2, "b2": b2}


def gcn_conv(x, edge_index, W, b):
    # PyG GCNConv: add self-loops, symmetric normalization, linear transform, scatter-add aggregate
    n = x.shape[0]
    loop = jnp.arange(n, dtype=edge_index.dtype)
    src = jnp.concatenate([edge_index[0], loop])
    dst = jnp.concatenate([edge_index[1], loop])
    h = x @ W
    deg = jnp.zeros((n,), dtype=h.dtype).at[dst].add(1.0)
    dinv = jnp.where(deg > 0, jax.lax.rsqrt(deg), 0.0)
    norm = dinv[src] * dinv[dst]
    msg = h[src] * norm[:, None]
    out = jnp.zeros((n, h.shape[1]), dtype=h.dtype).at[dst].add(msg)
    return out + b


def reference(x, edge_index, W1, b1, W2, b2):
    h = gcn_conv(x, edge_index, W1, b1)
    h = jax.nn.relu(h)
    # dropout(p=0.5) is identity in eval mode
    out = gcn_conv(h, edge_index, W2, b2)
    return out

if __name__ == "__main__":
    import jax
    _d = setup_inputs()
    print(jax.jit(kernel)(*tuple(_d.values())))

</pallas_src>

<mosaic_0001>
#map = affine_map<(d0, d1) -> (0, 0, 0)>
#map1 = affine_map<(d0, d1) -> (0, 0)>
module attributes {stable_mosaic.version = 14 : i64} {
  func.func @_deg_kernel(%arg0: i32, %arg1: i32, %arg2: memref<32x125x80xi32, #tpu.memory_space<hbm>>, %arg3: memref<2x10240xf32, #tpu.memory_space<hbm>>, %arg4: memref<10240xf32, #tpu.memory_space<vmem_shared>>) attributes {dimension_semantics = [#tpu.dimension_semantics<core_parallel>, #tpu.dimension_semantics<subcore_parallel>], iteration_bounds = array<i64: 2, 16>, scalar_prefetch = 0 : i64, scratch_operands = 1 : i64, tpu.core_type = #tpu.core_type<sc_vector_subcore>, window_params = [{transform_indices = #map}, {transform_indices = #map1}]} {
    %mul3A = arith.constant 2 : i32
    %mul3A_0 = arith.muli %arg1, %mul3A : i32
    %add3A = arith.addi %mul3A_0, %arg0 : i32
    "tpu.region"() ({
      %run_scoped3A = memref.alloca() : memref<125x80xi32, #tpu.memory_space<vmem>>
      %run_scoped3A_1 = memref.alloca() : memref<80xf32, #tpu.memory_space<vmem>>
      %run_scoped3A_2 = memref.alloca() : memref<10240xf32, #tpu.memory_space<vmem>>
      %run_scoped3A_3 = tpu.sem_alloc : memref<!tpu.dma_semaphore, #tpu.memory_space<semaphore_mem>>
      %dma_start3A = arith.constant 0 : i32
      %dma_start3A_4 = arith.constant 0 : i32
      %dma_start3A_5 = tpu.memref_slice %arg2[%add3A, %dma_start3A, %dma_start3A_4] : memref<32x125x80xi32, #tpu.memory_space<hbm>> -> memref<1x125x80xi32, #tpu.memory_space<hbm>>
      %dma_start3A_6 = tpu.memref_squeeze %dma_start3A_5 : memref<1x125x80xi32, #tpu.memory_space<hbm>> -> memref<125x80xi32, #tpu.memory_space<hbm>>
      %dma_start3A_7 = arith.constant 0 : i32
      %dma_start3A_8 = arith.constant 0 : i32
      %dma_start3A_9 = tpu.memref_slice %arg2[%add3A, %dma_start3A_7, %dma_start3A_8] : memref<32x125x80xi32, #tpu.memory_space<hbm>> -> memref<1x125x80xi32, #tpu.memory_space<hbm>>
      %dma_start3A_10 = tpu.memref_squeeze %dma_start3A_9 : memref<1x125x80xi32, #tpu.memory_space<hbm>> -> memref<125x80xi32, #tpu.memory_space<hbm>>
      tpu.enqueue_dma source(%dma_start3A_10 : memref<125x80xi32, #tpu.memory_space<hbm>>) target(%run_scoped3A : memref<125x80xi32, #tpu.memory_space<vmem>>) target_semaphore(%run_scoped3A_3 : memref<!tpu.dma_semaphore, #tpu.memory_space<semaphore_mem>>)
      %dma_wait3A = arith.constant 0 : i32
      %dma_wait3A_11 = arith.constant 0 : i32
      %dma_wait3A_12 = tpu.memref_slice %arg2[%add3A, %dma_wait3A, %dma_wait3A_11] : memref<32x125x80xi32, #tpu.memory_space<hbm>> -> memref<1x125x80xi32, #tpu.memory_space<hbm>>
      %dma_wait3A_13 = tpu.memref_squeeze %dma_wait3A_12 : memref<1x125x80xi32, #tpu.memory_space<hbm>> -> memref<125x80xi32, #tpu.memory_space<hbm>>
      %dma_wait3A_14 = arith.constant 0 : i32
      %dma_wait3A_15 = arith.constant 0 : i32
      %dma_wait3A_16 = tpu.memref_slice %arg2[%add3A, %dma_wait3A_14, %dma_wait3A_15] : memref<32x125x80xi32, #tpu.memory_space<hbm>> -> memref<1x125x80xi32, #tpu.memory_space<hbm>>
      %dma_wait3A_17 = tpu.memref_squeeze %dma_wait3A_16 : memref<1x125x80xi32, #tpu.memory_space<hbm>> -> memref<125x80xi32, #tpu.memory_space<hbm>>
      tpu.wait_dma2 semaphore(%run_scoped3A_3 : memref<!tpu.dma_semaphore, #tpu.memory_space<semaphore_mem>>) src(%dma_wait3A_17 : memref<125x80xi32, #tpu.memory_space<hbm>>) dst(%run_scoped3A : memref<125x80xi32, #tpu.memory_space<vmem>>)
      %broadcast_in_dim3A = arith.constant 1.000000e+00 : f32
      %broadcast_in_dim3A_18 = vector.broadcast %broadcast_in_dim3A : f32 to vector<16xf32>
      %swap3A = arith.constant 0 : index
      %swap3A_19 = tpu.vector_load %run_scoped3A_1[%swap3A] {strides = array<i32>} : memref<80xf32, #tpu.memory_space<vmem>>, vector<16xf32>,
      %swap3A_20 = vector.shape_cast %swap3A_19 : vector<16xf32> to vector<16xf32>
      %swap3A_21 = vector.shape_cast %broadcast_in_dim3A_18 : vector<16xf32> to vector<16xf32>
      tpu.vector_store %run_scoped3A_1[%swap3A], %swap3A_21 {strides = array<i32>} : memref<80xf32, #tpu.memory_space<vmem>>, vector<16xf32>,
      %broadcast_in_dim3A_22 = arith.constant 1.000000e+00 : f32
      %broadcast_in_dim3A_23 = vector.broadcast %broadcast_in_dim3A_22 : f32 to vector<16xf32>
      %swap3A_24 = arith.constant 16 : index
      %swap3A_25 = tpu.vector_load %run_scoped3A_1[%swap3A_24] {strides = array<i32>} : memref<80xf32, #tpu.memory_space<vmem>>, vector<16xf32>,
      %swap3A_26 = vector.shape_cast %swap3A_25 : vector<16xf32> to vector<16xf32>
      %swap3A_27 = vector.shape_cast %broadcast_in_dim3A_23 : vector<16xf32> to vector<16xf32>
      tpu.vector_store %run_scoped3A_1[%swap3A_24], %swap3A_27 {strides = array<i32>} : memref<80xf32, #tpu.memory_space<vmem>>, vector<16xf32>,
      %broadcast_in_dim3A_28 = arith.constant 1.000000e+00 : f32
      %broadcast_in_dim3A_29 = vector.broadcast %broadcast_in_dim3A_28 : f32 to vector<16xf32>
      %swap3A_30 = arith.constant 32 : index
      %swap3A_31 = tpu.vector_load %run_scoped3A_1[%swap3A_30] {strides = array<i32>} : memref<80xf32, #tpu.memory_space<vmem>>, vector<16xf32>,
      %swap3A_32 = vector.shape_cast %swap3A_31 : vector<16xf32> to vector<16xf32>
      %swap3A_33 = vector.shape_cast %broadcast_in_dim3A_29 : vector<16xf32> to vector<16xf32>
      tpu.vector_store %run_scoped3A_1[%swap3A_30], %swap3A_33 {strides = array<i32>} : memref<80xf32, #tpu.memory_space<vmem>>, vector<16xf32>,
      %broadcast_in_dim3A_34 = arith.constant 1.000000e+00 : f32
      %broadcast_in_dim3A_35 = vector.broadcast %broadcast_in_dim3A_34 : f32 to vector<16xf32>
      %swap3A_36 = arith.constant 48 : index
      %swap3A_37 = tpu.vector_load %run_scoped3A_1[%swap3A_36] {strides = array<i32>} : memref<80xf32, #tpu.memory_space<vmem>>, vector<16xf32>,
      %swap3A_38 = vector.shape_cast %swap3A_37 : vector<16xf32> to vector<16xf32>
      %swap3A_39 = vector.shape_cast %broadcast_in_dim3A_35 : vector<16xf32> to vector<16xf32>
      tpu.vector_store %run_scoped3A_1[%swap3A_36], %swap3A_39 {strides = array<i32>} : memref<80xf32, #tpu.memory_space<vmem>>, vector<16xf32>,
      %broadcast_in_dim3A_40 = arith.constant 1.000000e+00 : f32
      %broadcast_in_dim3A_41 = vector.broadcast %broadcast_in_dim3A_40 : f32 to vector<16xf32>
      %swap3A_42 = arith.constant 64 : index
      %swap3A_43 = tpu.vector_load %run_scoped3A_1[%swap3A_42] {strides = array<i32>} : memref<80xf32, #tpu.memory_space<vmem>>, vector<16xf32>,
      %swap3A_44 = vector.shape_cast %swap3A_43 : vector<16xf32> to vector<16xf32>
      %swap3A_45 = vector.shape_cast %broadcast_in_dim3A_41 : vector<16xf32> to vector<16xf32>
      tpu.vector_store %run_scoped3A_1[%swap3A_42], %swap3A_45 {strides = array<i32>} : memref<80xf32, #tpu.memory_space<vmem>>, vector<16xf32>,
      %eq3A = arith.constant 0 : i32
      %eq3A_46 = arith.cmpi eq, %arg1, %eq3A : i32
      %convert_element_type3A = arith.extui %eq3A_46 : i1 to i32
      %cond3A = arith.constant 0 : i32
      %cond3A_47 = arith.cmpi ne, %convert_element_type3A, %cond3A : i32
      scf.if %cond3A_47 {
        %scan3A_58 = arith.constant 0 : i32
        %scan3A_59 = arith.constant 0 : i32
        %scan3A_60 = arith.constant 640 : i32
        %scan3A_61 = arith.addi %scan3A_59, %scan3A_60 : i32
        %scan3A_62 = arith.constant 1 : i32
        scf.for %scan3A_64 = %scan3A_59 to %scan3A_61 step %scan3A_62  : i32 {
          %broadcast_in_dim3A_65 = arith.constant 0.000000e+00 : f32
          %broadcast_in_dim3A_66 = vector.broadcast %broadcast_in_dim3A_65 : f32 to vector<16xf32>
          %mul3A_67 = arith.constant 16 : i32
          %mul3A_68 = arith.muli %scan3A_64, %mul3A_67 : i32
          %swap3A_69 = arith.index_cast %mul3A_68 : i32 to index
          %swap3A_70 = tpu.vector_load %run_scoped3A_2[%swap3A_69] {strides = array<i32>} : memref<10240xf32, #tpu.memory_space<vmem>>, vector<16xf32>,
          %swap3A_71 = vector.shape_cast %swap3A_70 : vector<16xf32> to vector<16xf32>
          %swap3A_72 = vector.shape_cast %broadcast_in_dim3A_66 : vector<16xf32> to vector<16xf32>
          tpu.vector_store %run_scoped3A_2[%swap3A_69], %swap3A_72 {strides = array<i32>} : memref<10240xf32, #tpu.memory_space<vmem>>, vector<16xf32>,
        }
        %scan3A_63 = arith.constant 640 : i32
        "tpu.region"() ({
          %run_scoped3A_64 = tpu.sem_alloc : memref<!tpu.dma_semaphore, #tpu.memory_space<semaphore_mem>>
          tpu.enqueue_dma source(%run_scoped3A_2 : memref<10240xf32, #tpu.memory_space<vmem>>) target(%arg4 : memref<10240xf32, #tpu.memory_space<vmem_shared>>) target_semaphore(%run_scoped3A_64 : memref<!tpu.dma_semaphore, #tpu.memory_space<semaphore_mem>>)
          tpu.wait_dma2 semaphore(%run_scoped3A_64 : memref<!tpu.dma_semaphore, #tpu.memory_space<semaphore_mem>>) src(%run_scoped3A_2 : memref<10240xf32, #tpu.memory_space<vmem>>) dst(%arg4 : memref<10240xf32, #tpu.memory_space<vmem_shared>>)
          tpu.yield
        }) : () -> ()
      } else {
      }
      %barrier3A = arith.constant 0 : index
      tpu.barrier barrier_id(%barrier3A)
      %scan3A = arith.constant 0 : i32
      %scan3A_48 = arith.constant 0 : i32
      %scan3A_49 = arith.constant 5 : i32
      %scan3A_50 = arith.addi %scan3A_48, %scan3A_49 : i32
      %scan3A_51 = arith.constant 1 : i32
      scf.for %scan3A_58 = %scan3A_48 to %scan3A_50 step %scan3A_51  : i32 {
        %scan3A_59 = arith.constant 0 : i32
        %scan3A_60 = arith.constant 0 : i32
        %scan3A_61 = arith.constant 25 : i32
        %scan3A_62 = arith.addi %scan3A_60, %scan3A_61 : i32
        %scan3A_63 = arith.constant 1 : i32
        scf.for %scan3A_71 = %scan3A_60 to %scan3A_62 step %scan3A_63  : i32 {
          %mul3A_72 = arith.constant 25 : i32
          %mul3A_73 = arith.muli %scan3A_58, %mul3A_72 : i32
          %add3A_74 = arith.addi %mul3A_73, %scan3A_71 : i32
          %dma_start3A_75 = arith.constant 0 : i32
          %dma_start3A_76 = tpu.memref_slice %run_scoped3A[%add3A_74, %dma_start3A_75] : memref<125x80xi32, #tpu.memory_space<vmem>> -> memref<1x80xi32, #tpu.memory_space<vmem>>
          %dma_start3A_77 = tpu.memref_squeeze %dma_start3A_76 : memref<1x80xi32, #tpu.memory_space<vmem>> -> memref<80xi32, #tpu.memory_space<vmem>>
          %dma_start3A_78 = arith.constant 0 : i32
          %dma_start3A_79 = tpu.memref_slice %arg4[%dma_start3A_78] : memref<10240xf32, #tpu.memory_space<vmem_shared>> -> memref<10240xf32, #tpu.memory_space<vmem_shared>>
          tpu.enqueue_indirect_dma source(%run_scoped3A_1 : memref<80xf32, #tpu.memory_space<vmem>>) target(%dma_start3A_79 : memref<10240xf32, #tpu.memory_space<vmem_shared>>) offsets(%dma_start3A_77 : memref<80xi32, #tpu.memory_space<vmem>>) semaphore(%run_scoped3A_3 : memref<!tpu.dma_semaphore, #tpu.memory_space<semaphore_mem>>) {add = true}
        }
        %scan3A_64 = arith.constant 25 : i32
        %scan3A_65 = arith.constant 0 : i32
        %scan3A_66 = arith.constant 0 : i32
        %scan3A_67 = arith.constant 25 : i32
        %scan3A_68 = arith.addi %scan3A_66, %scan3A_67 : i32
        %scan3A_69 = arith.constant 1 : i32
        scf.for %scan3A_71 = %scan3A_66 to %scan3A_68 step %scan3A_69  : i32 {
          %mul3A_72 = arith.constant 25 : i32
          %mul3A_73 = arith.muli %scan3A_58, %mul3A_72 : i32
          %add3A_74 = arith.addi %mul3A_73, %scan3A_71 : i32
          %dma_wait3A_75 = arith.constant 0 : i32
          %dma_wait3A_76 = tpu.memref_slice %run_scoped3A[%add3A_74, %dma_wait3A_75] : memref<125x80xi32, #tpu.memory_space<vmem>> -> memref<1x80xi32, #tpu.memory_space<vmem>>
          %dma_wait3A_77 = tpu.memref_squeeze %dma_wait3A_76 : memref<1x80xi32, #tpu.memory_space<vmem>> -> memref<80xi32, #tpu.memory_space<vmem>>
          %dma_wait3A_78 = arith.constant 0 : i32
          %dma_wait3A_79 = tpu.memref_slice %arg4[%dma_wait3A_78] : memref<10240xf32, #tpu.memory_space<vmem_shared>> -> memref<10240xf32, #tpu.memory_space<vmem_shared>>
          tpu.wait_indirect_dma semaphore(%run_scoped3A_3 : memref<!tpu.dma_semaphore, #tpu.memory_space<semaphore_mem>>) src(%run_scoped3A_1 : memref<80xf32, #tpu.memory_space<vmem>>) dst(%dma_wait3A_79 : memref<10240xf32, #tpu.memory_space<vmem_shared>>)
        }
        %scan3A_70 = arith.constant 25 : i32
      }
      %scan3A_52 = arith.constant 5 : i32
      %barrier3A_53 = arith.constant 0 : index
      tpu.barrier barrier_id(%barrier3A_53)
      %mul3A_54 = arith.constant 640 : i32
      %mul3A_55 = arith.muli %arg1, %mul3A_54 : i32
      %mul3A_56 = arith.constant 640 : i32
      %mul3A_57 = arith.muli %arg1, %mul3A_56 : i32
      "tpu.region"() ({
        %run_scoped3A_58 = tpu.sem_alloc : memref<!tpu.dma_semaphore, #tpu.memory_space<semaphore_mem>>
        %dma_start3A_59 = tpu.memref_slice %arg3[%arg0, %mul3A_57] : memref<2x10240xf32, #tpu.memory_space<hbm>> -> memref<1x640xf32, #tpu.memory_space<hbm>>
        %dma_start3A_60 = tpu.memref_squeeze %dma_start3A_59 : memref<1x640xf32, #tpu.memory_space<hbm>> -> memref<640xf32, #tpu.memory_space<hbm>>
        %dma_start3A_61 = tpu.memref_slice %arg4[%mul3A_55] : memref<10240xf32, #tpu.memory_space<vmem_shared>> -> memref<640xf32, #tpu.memory_space<vmem_shared>>
        tpu.enqueue_dma source(%dma_start3A_61 : memref<640xf32, #tpu.memory_space<vmem_shared>>) target(%dma_start3A_60 : memref<640xf32, #tpu.memory_space<hbm>>) target_semaphore(%run_scoped3A_58 : memref<!tpu.dma_semaphore, #tpu.memory_space<semaphore_mem>>)
        %dma_wait3A_62 = tpu.memref_slice %arg3[%arg0, %mul3A_57] : memref<2x10240xf32, #tpu.memory_space<hbm>> -> memref<1x640xf32, #tpu.memory_space<hbm>>
        %dma_wait3A_63 = tpu.memref_squeeze %dma_wait3A_62 : memref<1x640xf32, #tpu.memory_space<hbm>> -> memref<640xf32, #tpu.memory_space<hbm>>
        %dma_wait3A_64 = tpu.memref_slice %arg4[%mul3A_55] : memref<10240xf32, #tpu.memory_space<vmem_shared>> -> memref<640xf32, #tpu.memory_space<vmem_shared>>
        tpu.wait_dma2 semaphore(%run_scoped3A_58 : memref<!tpu.dma_semaphore, #tpu.memory_space<semaphore_mem>>) src(%dma_wait3A_64 : memref<640xf32, #tpu.memory_space<vmem_shared>>) dst(%dma_wait3A_63 : memref<640xf32, #tpu.memory_space<hbm>>)
        tpu.yield
      }) : () -> ()
      tpu.yield
    }) : () -> ()
    return
  }
}

#map = affine_map<(d0, d1) -> (0, 0)>
#map1 = affine_map<(d0, d1) -> (0, 0, 0)>
module attributes {stable_mosaic.version = 14 : i64} {
  func.func @agg(%arg0: i32, %arg1: i32, %arg2: memref<10000x16xf32, #tpu.memory_space<hbm>>, %arg3: memref<32x80x128xi32, #tpu.memory_space<hbm>>, %arg4: memref<32x80x128xi32, #tpu.memory_space<hbm>>, %arg5: memref<2x10000x16xf32, #tpu.memory_space<hbm>>, %arg6: memref<10064x16xf32, #tpu.memory_space<vmem_shared>>) attributes {dimension_semantics = [#tpu.dimension_semantics<core_parallel>, #tpu.dimension_semantics<subcore_parallel>], iteration_bounds = array<i64: 2, 16>, scalar_prefetch = 0 : i64, scratch_operands = 1 : i64, tpu.core_type = #tpu.core_type<sc_vector_subcore>, window_params = [{transform_indices = #map}, {transform_indices = #map1}, {transform_indices = #map1}, {transform_indices = #map1}]} {
    %mul3A = arith.constant 2 : i32
    %mul3A_0 = arith.muli %arg1, %mul3A : i32
    %add3A = arith.addi %mul3A_0, %arg0 : i32
    "tpu.region"() ({
      %run_scoped3A = memref.alloca() : memref<80x128xi32, #tpu.memory_space<vmem>>
      %run_scoped3A_1 = memref.alloca() : memref<80x128xi32, #tpu.memory_space<vmem>>
      %run_scoped3A_2 = tpu.sem_alloc : memref<!tpu.dma_semaphore, #tpu.memory_space<semaphore_mem>>
      %run_scoped3A_3 = memref.alloca() : memref<128x16xf32, #tpu.memory_space<vmem>>
      %run_scoped3A_4 = memref.alloca() : memref<128x16xf32, #tpu.memory_space<vmem>>
      %run_scoped3A_5 = memref.alloca() : memref<128x16xf32, #tpu.memory_space<vmem>>
      %run_scoped3A_6 = memref.alloca() : memref<128x16xf32, #tpu.memory_space<vmem>>
      %run_scoped3A_7 = memref.alloca() : memref<128x16xf32, #tpu.memory_space<vmem>>
      %run_scoped3A_8 = memref.alloca() : memref<128x16xf32, #tpu.memory_space<vmem>>
      %run_scoped3A_9 = memref.alloca() : memref<128x16xf32, #tpu.memory_space<vmem>>
      %run_scoped3A_10 = memref.alloca() : memref<128x16xf32, #tpu.memory_space<vmem>>
      %run_scoped3A_11 = memref.alloca() : memref<128x16xf32, #tpu.memory_space<vmem>>
      %run_scoped3A_12 = memref.alloca() : memref<128x16xf32, #tpu.memory_space<vmem>>
      %run_scoped3A_13 = tpu.sem_alloc : memref<!tpu.dma_semaphore, #tpu.memory_space<semaphore_mem>>
      %run_scoped3A_14 = tpu.sem_alloc : memref<!tpu.dma_semaphore, #tpu.memory_space<semaphore_mem>>
      %run_scoped3A_15 = tpu.sem_alloc : memref<!tpu.dma_semaphore, #tpu.memory_space<semaphore_mem>>
      %run_scoped3A_16 = tpu.sem_alloc : memref<!tpu.dma_semaphore, #tpu.memory_space<semaphore_mem>>
      %run_scoped3A_17 = tpu.sem_alloc : memref<!tpu.dma_semaphore, #tpu.memory_space<semaphore_mem>>
      %run_scoped3A_18 = tpu.sem_alloc : memref<!tpu.dma_semaphore, #tpu.memory_space<semaphore_mem>>
      %run_scoped3A_19 = tpu.sem_alloc : memref<!tpu.dma_semaphore, #tpu.memory_space<semaphore_mem>>
      %run_scoped3A_20 = tpu.sem_alloc : memref<!tpu.dma_semaphore, #tpu.memory_space<semaphore_mem>>
      %run_scoped3A_21 = tpu.sem_alloc : memref<!tpu.dma_semaphore, #tpu.memory_space<semaphore_mem>>
      %run_scoped3A_22 = tpu.sem_alloc : memref<!tpu.dma_semaphore, #tpu.memory_space<semaphore_mem>>
      %run_scoped3A_23 = tpu.sem_alloc : memref<!tpu.dma_semaphore, #tpu.memory_space<semaphore_mem>>
      %run_scoped3A_24 = tpu.sem_alloc : memref<!tpu.dma_semaphore, #tpu.memory_space<semaphore_mem>>
      %run_scoped3A_25 = tpu.sem_alloc : memref<!tpu.dma_semaphore, #tpu.memory_space<semaphore_mem>>
      %run_scoped3A_26 = tpu.sem_alloc : memref<!tpu.dma_semaphore, #tpu.memory_space<semaphore_mem>>
      %run_scoped3A_27 = tpu.sem_alloc : memref<!tpu.dma_semaphore, #tpu.memory_space<semaphore_mem>>
      %run_scoped3A_28 = tpu.sem_alloc : memref<!tpu.dma_semaphore, #tpu.memory_space<semaphore_mem>>
      %run_scoped3A_29 = tpu.sem_alloc : memref<!tpu.dma_semaphore, #tpu.memory_space<semaphore_mem>>
      %run_scoped3A_30 = tpu.sem_alloc : memref<!tpu.dma_semaphore, #tpu.memory_space<semaphore_mem>>
      %run_scoped3A_31 = tpu.sem_alloc : memref<!tpu.dma_semaphore, #tpu.memory_space<semaphore_mem>>
      %run_scoped3A_32 = tpu.sem_alloc : memref<!tpu.dma_semaphore, #tpu.memory_space<semaphore_mem>>
      %dma_start3A = arith.constant 0 : i32
      %dma_start3A_33 = arith.constant 0 : i32
      %dma_start3A_34 = tpu.memref_slice %arg3[%add3A, %dma_start3A, %dma_start3A_33] : memref<32x80x128xi32, #tpu.memory_space<hbm>> -> memref<1x80x128xi32, #tpu.memory_space<hbm>>
      %dma_start3A_35 = tpu.memref_squeeze %dma_start3A_34 : memref<1x80x128xi32, #tpu.memory_space<hbm>> -> memref<80x128xi32, #tpu.memory_space<hbm>>
      %dma_start3A_36 = arith.constant 0 : i32
      %dma_start3A_37 = arith.constant 0 : i32
      %dma_start3A_38 = tpu.memref_slice %arg3[%add3A, %dma_start3A_36, %dma_start3A_37] : memref<32x80x128xi32, #tpu.memory_space<hbm>> -> memref<1x80x128xi32, #tpu.memory_space<hbm>>
      %dma_start3A_39 = tpu.memref_squeeze %dma_start3A_38 : memref<1x80x128xi32, #tpu.memory_space<hbm>> -> memref<80x128xi32, #tpu.memory_space<hbm>>
      tpu.enqueue_dma source(%dma_start3A_39 : memref<80x128xi32, #tpu.memory_space<hbm>>) target(%run_scoped3A : memref<80x128xi32, #tpu.memory_space<vmem>>) target_semaphore(%run_scoped3A_2 : memref<!tpu.dma_semaphore, #tpu.memory_space<semaphore_mem>>)
      %dma_wait3A = arith.constant 0 : i32
      %dma_wait3A_40 = arith.constant 0 : i32
      %dma_wait3A_41 = tpu.memref_slice %arg3[%add3A, %dma_wait3A, %dma_wait3A_40] : memref<32x80x128xi32, #tpu.memory_space<hbm>> -> memref<1x80x128xi32, #tpu.memory_space<hbm>>
      %dma_wait3A_42 = tpu.memref_squeeze %dma_wait3A_41 : memref<1x80x128xi32, #tpu.memory_space<hbm>> -> memref<80x128xi32, #tpu.memory_space<hbm>>
      %dma_wait3A_43 = arith.constant 0 : i32
      %dma_wait3A_44 = arith.constant 0 : i32
      %dma_wait3A_45 = tpu.memref_slice %arg3[%add3A, %dma_wait3A_43, %dma_wait3A_44] : memref<32x80x128xi32, #tpu.memory_space<hbm>> -> memref<1x80x128xi32, #tpu.memory_space<hbm>>
      %dma_wait3A_46 = tpu.memref_squeeze %dma_wait3A_45 : memref<1x80x128xi32, #tpu.memory_space<hbm>> -> memref<80x128xi32, #tpu.memory_space<hbm>>
      tpu.wait_dma2 semaphore(%run_scoped3A_2 : memref<!tpu.dma_semaphore, #tpu.memory_space<semaphore_mem>>) src(%dma_wait3A_46 : memref<80x128xi32, #tpu.memory_space<hbm>>) dst(%run_scoped3A : memref<80x128xi32, #tpu.memory_space<vmem>>)
      %dma_start3A_47 = arith.constant 0 : i32
      %dma_start3A_48 = arith.constant 0 : i32
      %dma_start3A_49 = tpu.memref_slice %arg4[%add3A, %dma_start3A_47, %dma_start3A_48] : memref<32x80x128xi32, #tpu.memory_space<hbm>> -> memref<1x80x128xi32, #tpu.memory_space<hbm>>
      %dma_start3A_50 = tpu.memref_squeeze %dma_start3A_49 : memref<1x80x128xi32, #tpu.memory_space<hbm>> -> memref<80x128xi32, #tpu.memory_space<hbm>>
      %dma_start3A_51 = arith.constant 0 : i32
      %dma_start3A_52 = arith.constant 0 : i32
      %dma_start3A_53 = tpu.memref_slice %arg4[%add3A, %dma_start3A_51, %dma_start3A_52] : memref<32x80x128xi32, #tpu.memory_space<hbm>> -> memref<1x80x128xi32, #tpu.memory_space<hbm>>
      %dma_start3A_54 = tpu.memref_squeeze %dma_start3A_53 : memref<1x80x128xi32, #tpu.memory_space<hbm>> -> memref<80x128xi32, #tpu.memory_space<hbm>>
      tpu.enqueue_dma source(%dma_start3A_54 : memref<80x128xi32, #tpu.memory_space<hbm>>) target(%run_scoped3A_1 : memref<80x128xi32, #tpu.memory_space<vmem>>) target_semaphore(%run_scoped3A_2 : memref<!tpu.dma_semaphore, #tpu.memory_space<semaphore_mem>>)
      %dma_wait3A_55 = arith.constant 0 : i32
      %dma_wait3A_56 = arith.constant 0 : i32
      %dma_wait3A_57 = tpu.memref_slice %arg4[%add3A, %dma_wait3A_55, %dma_wait3A_56] : memref<32x80x128xi32, #tpu.memory_space<hbm>> -> memref<1x80x128xi32, #tpu.memory_space<hbm>>
      %dma_wait3A_58 = tpu.memref_squeeze %dma_wait3A_57 : memref<1x80x128xi32, #tpu.memory_space<hbm>> -> memref<80x128xi32, #tpu.memory_space<hbm>>
      %dma_wait3A_59 = arith.constant 0 : i32
      %dma_wait3A_60 = arith.constant 0 : i32
      %dma_wait3A_61 = tpu.memref_slice %arg4[%add3A, %dma_wait3A_59, %dma_wait3A_60] : memref<32x80x128xi32, #tpu.memory_space<hbm>> -> memref<1x80x128xi32, #tpu.memory_space<hbm>>
      %dma_wait3A_62 = tpu.memref_squeeze %dma_wait3A_61 : memref<1x80x128xi32, #tpu.memory_space<hbm>> -> memref<80x128xi32, #tpu.memory_space<hbm>>
      tpu.wait_dma2 semaphore(%run_scoped3A_2 : memref<!tpu.dma_semaphore, #tpu.memory_space<semaphore_mem>>) src(%dma_wait3A_62 : memref<80x128xi32, #tpu.memory_space<hbm>>) dst(%run_scoped3A_1 : memref<80x128xi32, #tpu.memory_space<vmem>>)
      %dma_start3A_63 = arith.constant 0 : i32
      %dma_start3A_64 = arith.constant 0 : i32
      %dma_start3A_65 = tpu.memref_slice %run_scoped3A[%dma_start3A_63, %dma_start3A_64] : memref<80x128xi32, #tpu.memory_space<vmem>> -> memref<1x128xi32, #tpu.memory_space<vmem>>
      %dma_start3A_66 = tpu.memref_squeeze %dma_start3A_65 : memref<1x128xi32, #tpu.memory_space<vmem>> -> memref<128xi32, #tpu.memory_space<vmem>>
      %dma_start3A_67 = arith.constant 0 : i32
      %dma_start3A_68 = arith.constant 0 : i32
      %dma_start3A_69 = tpu.memref_slice %arg2[%dma_start3A_67, %dma_start3A_68] : memref<10000x16xf32, #tpu.memory_space<hbm>> -> memref<10000x16xf32, #tpu.memory_space<hbm>>
      tpu.enqueue_indirect_dma source(%dma_start3A_69 : memref<10000x16xf32, #tpu.memory_space<hbm>>) target(%run_scoped3A_3 : memref<128x16xf32, #tpu.memory_space<vmem>>) offsets(%dma_start3A_66 : memref<128xi32, #tpu.memory_space<vmem>>) semaphore(%run_scoped3A_13 : memref<!tpu.dma_semaphore, #tpu.memory_space<semaphore_mem>>)
      %dma_start3A_70 = arith.constant 1 : i32
      %dma_start3A_71 = arith.constant 0 : i32
      %dma_start3A_72 = tpu.memref_slice %run_scoped3A[%dma_start3A_70, %dma_start3A_71] : memref<80x128xi32, #tpu.memory_space<vmem>> -> memref<1x128xi32, #tpu.memory_space<vmem>>
      %dma_start3A_73 = tpu.memref_squeeze %dma_start3A_72 : memref<1x128xi32, #tpu.memory_space<vmem>> -> memref<128xi32, #tpu.memory_space<vmem>>
      %dma_start3A_74 = arith.constant 0 : i32
      %dma_start3A_75 = arith.constant 0 : i32
      %dma_start3A_76 = tpu.memref_slice %arg2[%dma_start3A_74, %dma_start3A_75] : memref<10000x16xf32, #tpu.memory_space<hbm>> -> memref<10000x16xf32, #tpu.memory_space<hbm>>
      tpu.enqueue_indirect_dma source(%dma_start3A_76 : memref<10000x16xf32, #tpu.memory_space<hbm>>) target(%run_scoped3A_4 : memref<128x16xf32, #tpu.memory_space<vmem>>) offsets(%dma_start3A_73 : memref<128xi32, #tpu.memory_space<vmem>>) semaphore(%run_scoped3A_14 : memref<!tpu.dma_semaphore, #tpu.memory_space<semaphore_mem>>)
      %dma_start3A_77 = arith.constant 2 : i32
      %dma_start3A_78 = arith.constant 0 : i32
      %dma_start3A_79 = tpu.memref_slice %run_scoped3A[%dma_start3A_77, %dma_start3A_78] : memref<80x128xi32, #tpu.memory_space<vmem>> -> memref<1x128xi32, #tpu.memory_space<vmem>>
      %dma_start3A_80 = tpu.memref_squeeze %dma_start3A_79 : memref<1x128xi32, #tpu.memory_space<vmem>> -> memref<128xi32, #tpu.memory_space<vmem>>
      %dma_start3A_81 = arith.constant 0 : i32
      %dma_start3A_82 = arith.constant 0 : i32
      %dma_start3A_83 = tpu.memref_slice %arg2[%dma_start3A_81, %dma_start3A_82] : memref<10000x16xf32, #tpu.memory_space<hbm>> -> memref<10000x16xf32, #tpu.memory_space<hbm>>
      tpu.enqueue_indirect_dma source(%dma_start3A_83 : memref<10000x16xf32, #tpu.memory_space<hbm>>) target(%run_scoped3A_5 : memref<128x16xf32, #tpu.memory_space<vmem>>) offsets(%dma_start3A_80 : memref<128xi32, #tpu.memory_space<vmem>>) semaphore(%run_scoped3A_15 : memref<!tpu.dma_semaphore, #tpu.memory_space<semaphore_mem>>)
      %dma_start3A_84 = arith.constant 3 : i32
      %dma_start3A_85 = arith.constant 0 : i32
      %dma_start3A_86 = tpu.memref_slice %run_scoped3A[%dma_start3A_84, %dma_start3A_85] : memref<80x128xi32, #tpu.memory_space<vmem>> -> memref<1x128xi32, #tpu.memory_space<vmem>>
      %dma_start3A_87 = tpu.memref_squeeze %dma_start3A_86 : memref<1x128xi32, #tpu.memory_space<vmem>> -> memref<128xi32, #tpu.memory_space<vmem>>
      %dma_start3A_88 = arith.constant 0 : i32
      %dma_start3A_89 = arith.constant 0 : i32
      %dma_start3A_90 = tpu.memref_slice %arg2[%dma_start3A_88, %dma_start3A_89] : memref<10000x16xf32, #tpu.memory_space<hbm>> -> memref<10000x16xf32, #tpu.memory_space<hbm>>
      tpu.enqueue_indirect_dma source(%dma_start3A_90 : memref<10000x16xf32, #tpu.memory_space<hbm>>) target(%run_scoped3A_6 : memref<128x16xf32, #tpu.memory_space<vmem>>) offsets(%dma_start3A_87 : memref<128xi32, #tpu.memory_space<vmem>>) semaphore(%run_scoped3A_16 : memref<!tpu.dma_semaphore, #tpu.memory_space<semaphore_mem>>)
      %dma_start3A_91 = arith.constant 4 : i32
      %dma_start3A_92 = arith.constant 0 : i32
      %dma_start3A_93 = tpu.memref_slice %run_scoped3A[%dma_start3A_91, %dma_start3A_92] : memref<80x128xi32, #tpu.memory_space<vmem>> -> memref<1x128xi32, #tpu.memory_space<vmem>>
      %dma_start3A_94 = tpu.memref_squeeze %dma_start3A_93 : memref<1x128xi32, #tpu.memory_space<vmem>> -> memref<128xi32, #tpu.memory_space<vmem>>
      %dma_start3A_95 = arith.constant 0 : i32
      %dma_start3A_96 = arith.constant 0 : i32
      %dma_start3A_97 = tpu.memref_slice %arg2[%dma_start3A_95, %dma_start3A_96] : memref<10000x16xf32, #tpu.memory_space<hbm>> -> memref<10000x16xf32, #tpu.memory_space<hbm>>
      tpu.enqueue_indirect_dma source(%dma_start3A_97 : memref<10000x16xf32, #tpu.memory_space<hbm>>) target(%run_scoped3A_7 : memref<128x16xf32, #tpu.memory_space<vmem>>) offsets(%dma_start3A_94 : memref<128xi32, #tpu.memory_space<vmem>>) semaphore(%run_scoped3A_17 : memref<!tpu.dma_semaphore, #tpu.memory_space<semaphore_mem>>)
      %dma_start3A_98 = arith.constant 5 : i32
      %dma_start3A_99 = arith.constant 0 : i32
      %dma_start3A_100 = tpu.memref_slice %run_scoped3A[%dma_start3A_98, %dma_start3A_99] : memref<80x128xi32, #tpu.memory_space<vmem>> -> memref<1x128xi32, #tpu.memory_space<vmem>>
      %dma_start3A_101 = tpu.memref_squeeze %dma_start3A_100 : memref<1x128xi32, #tpu.memory_space<vmem>> -> memref<128xi32, #tpu.memory_space<vmem>>
      %dma_start3A_102 = arith.constant 0 : i32
      %dma_start3A_103 = arith.constant 0 : i32
      %dma_start3A_104 = tpu.memref_slice %arg2[%dma_start3A_102, %dma_start3A_103] : memref<10000x16xf32, #tpu.memory_space<hbm>> -> memref<10000x16xf32, #tpu.memory_space<hbm>>
      tpu.enqueue_indirect_dma source(%dma_start3A_104 : memref<10000x16xf32, #tpu.memory_space<hbm>>) target(%run_scoped3A_8 : memref<128x16xf32, #tpu.memory_space<vmem>>) offsets(%dma_start3A_101 : memref<128xi32, #tpu.memory_space<vmem>>) semaphore(%run_scoped3A_18 : memref<!tpu.dma_semaphore, #tpu.memory_space<semaphore_mem>>)
      %dma_start3A_105 = arith.constant 6 : i32
      %dma_start3A_106 = arith.constant 0 : i32
      %dma_start3A_107 = tpu.memref_slice %run_scoped3A[%dma_start3A_105, %dma_start3A_106] : memref<80x128xi32, #tpu.memory_space<vmem>> -> memref<1x128xi32, #tpu.memory_space<vmem>>
      %dma_start3A_108 = tpu.memref_squeeze %dma_start3A_107 : memref<1x128xi32, #tpu.memory_space<vmem>> -> memref<128xi32, #tpu.memory_space<vmem>>
      %dma_start3A_109 = arith.constant 0 : i32
      %dma_start3A_110 = arith.constant 0 : i32
      %dma_start3A_111 = tpu.memref_slice %arg2[%dma_start3A_109, %dma_start3A_110] : memref<10000x16xf32, #tpu.memory_space<hbm>> -> memref<10000x16xf32, #tpu.memory_space<hbm>>
      tpu.enqueue_indirect_dma source(%dma_start3A_111 : memref<10000x16xf32, #tpu.memory_space<hbm>>) target(%run_scoped3A_9 : memref<128x16xf32, #tpu.memory_space<vmem>>) offsets(%dma_start3A_108 : memref<128xi32, #tpu.memory_space<vmem>>) semaphore(%run_scoped3A_19 : memref<!tpu.dma_semaphore, #tpu.memory_space<semaphore_mem>>)
      %dma_start3A_112 = arith.constant 7 : i32
      %dma_start3A_113 = arith.constant 0 : i32
      %dma_start3A_114 = tpu.memref_slice %run_scoped3A[%dma_start3A_112, %dma_start3A_113] : memref<80x128xi32, #tpu.memory_space<vmem>> -> memref<1x128xi32, #tpu.memory_space<vmem>>
      %dma_start3A_115 = tpu.memref_squeeze %dma_start3A_114 : memref<1x128xi32, #tpu.memory_space<vmem>> -> memref<128xi32, #tpu.memory_space<vmem>>
      %dma_start3A_116 = arith.constant 0 : i32
      %dma_start3A_117 = arith.constant 0 : i32
      %dma_start3A_118 = tpu.memref_slice %arg2[%dma_start3A_116, %dma_start3A_117] : memref<10000x16xf32, #tpu.memory_space<hbm>> -> memref<10000x16xf32, #tpu.memory_space<hbm>>
      tpu.enqueue_indirect_dma source(%dma_start3A_118 : memref<10000x16xf32, #tpu.memory_space<hbm>>) target(%run_scoped3A_10 : memref<128x16xf32, #tpu.memory_space<vmem>>) offsets(%dma_start3A_115 : memref<128xi32, #tpu.memory_space<vmem>>) semaphore(%run_scoped3A_20 : memref<!tpu.dma_semaphore, #tpu.memory_space<semaphore_mem>>)
      %dma_start3A_119 = arith.constant 8 : i32
      %dma_start3A_120 = arith.constant 0 : i32
      %dma_start3A_121 = tpu.memref_slice %run_scoped3A[%dma_start3A_119, %dma_start3A_120] : memref<80x128xi32, #tpu.memory_space<vmem>> -> memref<1x128xi32, #tpu.memory_space<vmem>>
      %dma_start3A_122 = tpu.memref_squeeze %dma_start3A_121 : memref<1x128xi32, #tpu.memory_space<vmem>> -> memref<128xi32, #tpu.memory_space<vmem>>
      %dma_start3A_123 = arith.constant 0 : i32
      %dma_start3A_124 = arith.constant 0 : i32
      %dma_start3A_125 = tpu.memref_slice %arg2[%dma_start3A_123, %dma_start3A_124] : memref<10000x16xf32, #tpu.memory_space<hbm>> -> memref<10000x16xf32, #tpu.memory_space<hbm>>
      tpu.enqueue_indirect_dma source(%dma_start3A_125 : memref<10000x16xf32, #tpu.memory_space<hbm>>) target(%run_scoped3A_11 : memref<128x16xf32, #tpu.memory_space<vmem>>) offsets(%dma_start3A_122 : memref<128xi32, #tpu.memory_space<vmem>>) semaphore(%run_scoped3A_21 : memref<!tpu.dma_semaphore, #tpu.memory_space<semaphore_mem>>)
      %mul3A_126 = arith.constant 624 : i32
      %mul3A_127 = arith.muli %arg1, %mul3A_126 : i32
      %mul3A_128 = arith.constant 624 : i32
      %mul3A_129 = arith.muli %arg1, %mul3A_128 : i32
      "tpu.region"() ({
        %run_scoped3A_217 = tpu.sem_alloc : memref<!tpu.dma_semaphore, #tpu.memory_space<semaphore_mem>>
        %dma_start3A_218 = arith.constant 0 : i32
        %dma_start3A_219 = tpu.memref_slice %arg6[%mul3A_129, %dma_start3A_218] : memref<10064x16xf32, #tpu.memory_space<vmem_shared>> -> memref<624x16xf32, #tpu.memory_space<vmem_shared>>
        %dma_start3A_220 = arith.constant 0 : i32
        %dma_start3A_221 = tpu.memref_slice %arg2[%mul3A_127, %dma_start3A_220] : memref<10000x16xf32, #tpu.memory_space<hbm>> -> memref<624x16xf32, #tpu.memory_space<hbm>>
        tpu.enqueue_dma source(%dma_start3A_221 : memref<624x16xf32, #tpu.memory_space<hbm>>) target(%dma_start3A_219 : memref<624x16xf32, #tpu.memory_space<vmem_shared>>) target_semaphore(%run_scoped3A_217 : memref<!tpu.dma_semaphore, #tpu.memory_space<semaphore_mem>>)
        %dma_wait3A_222 = arith.constant 0 : i32
        %dma_wait3A_223 = tpu.memref_slice %arg6[%mul3A_129, %dma_wait3A_222] : memref<10064x16xf32, #tpu.memory_space<vmem_shared>> -> memref<624x16xf32, #tpu.memory_space<vmem_shared>>
        %dma_wait3A_224 = arith.constant 0 : i32
        %dma_wait3A_225 = tpu.memref_slice %arg2[%mul3A_127, %dma_wait3A_224] : memref<10000x16xf32, #tpu.memory_space<hbm>> -> memref<624x16xf32, #tpu.memory_space<hbm>>
        tpu.wait_dma2 semaphore(%run_scoped3A_217 : memref<!tpu.dma_semaphore, #tpu.memory_space<semaphore_mem>>) src(%dma_wait3A_225 : memref<624x16xf32, #tpu.memory_space<hbm>>) dst(%dma_wait3A_223 : memref<624x16xf32, #tpu.memory_space<vmem_shared>>)
        tpu.yield
      }) : () -> ()
      %eq3A = arith.constant 0 : i32
      %eq3A_130 = arith.cmpi eq, %arg1, %eq3A : i32
      %convert_element_type3A = arith.extui %eq3A_130 : i1 to i32
      %cond3A = arith.constant 0 : i32
      %cond3A_131 = arith.cmpi ne, %convert_element_type3A, %cond3A : i32
      scf.if %cond3A_131 {
        "tpu.region"() ({
          %run_scoped3A_217 = tpu.sem_alloc : memref<!tpu.dma_semaphore, #tpu.memory_space<semaphore_mem>>
          %dma_start3A_218 = arith.constant 9984 : i32
          %dma_start3A_219 = arith.constant 0 : i32
          %dma_start3A_220 = tpu.memref_slice %arg6[%dma_start3A_218, %dma_start3A_219] : memref<10064x16xf32, #tpu.memory_space<vmem_shared>> -> memref<16x16xf32, #tpu.memory_space<vmem_shared>>
          %dma_start3A_221 = arith.constant 9984 : i32
          %dma_start3A_222 = arith.constant 0 : i32
          %dma_start3A_223 = tpu.memref_slice %arg2[%dma_start3A_221, %dma_start3A_222] : memref<10000x16xf32, #tpu.memory_space<hbm>> -> memref<16x16xf32, #tpu.memory_space<hbm>>
          tpu.enqueue_dma source(%dma_start3A_223 : memref<16x16xf32, #tpu.memory_space<hbm>>) target(%dma_start3A_220 : memref<16x16xf32, #tpu.memory_space<vmem_shared>>) target_semaphore(%run_scoped3A_217 : memref<!tpu.dma_semaphore, #tpu.memory_space<semaphore_mem>>)
          %dma_wait3A_224 = arith.constant 9984 : i32
          %dma_wait3A_225 = arith.constant 0 : i32
          %dma_wait3A_226 = tpu.memref_slice %arg6[%dma_wait3A_224, %dma_wait3A_225] : memref<10064x16xf32, #tpu.memory_space<vmem_shared>> -> memref<16x16xf32, #tpu.memory_space<vmem_shared>>
          %dma_wait3A_227 = arith.constant 9984 : i32
          %dma_wait3A_228 = arith.constant 0 : i32
          %dma_wait3A_229 = tpu.memref_slice %arg2[%dma_wait3A_227, %dma_wait3A_228] : memref<10000x16xf32, #tpu.memory_space<hbm>> -> memref<16x16xf32, #tpu.memory_space<hbm>>
          tpu.wait_dma2 semaphore(%run_scoped3A_217 : memref<!tpu.dma_semaphore, #tpu.memory_space<semaphore_mem>>) src(%dma_wait3A_229 : memref<16x16xf32, #tpu.memory_space<hbm>>) dst(%dma_wait3A_226 : memref<16x16xf32, #tpu.memory_space<vmem_shared>>)
          tpu.yield
        }) : () -> ()
      } else {
      }
      %barrier3A = arith.constant 0 : index
      tpu.barrier barrier_id(%barrier3A)
      %scan3A = arith.constant 0 : i32
      %scan3A_132 = arith.constant 0 : i32
      %scan3A_133 = arith.constant 8 : i32
      %scan3A_134 = arith.addi %scan3A_132, %scan3A_133 : i32
      %scan3A_135 = arith.constant 1 : i32
      scf.for %scan3A_217 = %scan3A_132 to %scan3A_134 step %scan3A_135  : i32 {
        %mul3A_218 = arith.constant 10 : i32
        %mul3A_219 = arith.muli %scan3A_217, %mul3A_218 : i32
        %add3A_220 = arith.constant 0 : i32
        %add3A_221 = arith.addi %mul3A_219, %add3A_220 : i32
        %add3A_222 = arith.constant 9 : i32
        %add3A_223 = arith.addi %add3A_221, %add3A_222 : i32
        %lt3A = arith.constant 80 : i32
        %lt3A_224 = arith.cmpi slt, %add3A_223, %lt3A : i32
        %convert_element_type3A_225 = arith.extui %lt3A_224 : i1 to i32
        %cond3A_226 = arith.constant 0 : i32
        %cond3A_227 = arith.cmpi ne, %convert_element_type3A_225, %cond3A_226 : i32
        scf.if %cond3A_227 {
          %ge3A = arith.constant 10 : i32
          %ge3A_429 = arith.cmpi sge, %add3A_223, %ge3A : i32
          %convert_element_type3A_430 = arith.extui %ge3A_429 : i1 to i32
          %cond3A_431 = arith.constant 0 : i32
          %cond3A_432 = arith.cmpi ne, %convert_element_type3A_430, %cond3A_431 : i32
          scf.if %cond3A_432 {
            %sub3A = arith.constant 10 : i32
            %sub3A_439 = arith.subi %add3A_223, %sub3A : i32
            %dma_wait3A_440 = arith.constant 0 : i32
            %dma_wait3A_441 = tpu.memref_slice %run_scoped3A_1[%sub3A_439, %dma_wait3A_440] : memref<80x128xi32, #tpu.memory_space<vmem>> -> memref<1x128xi32, #tpu.memory_space<vmem>>
            %dma_wait3A_442 = tpu.memref_squeeze %dma_wait3A_441 : memref<1x128xi32, #tpu.memory_space<vmem>> -> memref<128xi32, #tpu.memory_space<vmem>>
            %dma_wait3A_443 = arith.constant 0 : i32
            %dma_wait3A_444 = arith.constant 0 : i32
            %dma_wait3A_445 = tpu.memref_slice %arg6[%dma_wait3A_443, %dma_wait3A_444] : memref<10064x16xf32, #tpu.memory_space<vmem_shared>> -> memref<10064x16xf32, #tpu.memory_space<vmem_shared>>
            tpu.wait_indirect_dma semaphore(%run_scoped3A_32 : memref<!tpu.dma_semaphore, #tpu.memory_space<semaphore_mem>>) src(%run_scoped3A_12 : memref<128x16xf32, #tpu.memory_space<vmem>>) dst(%dma_wait3A_445 : memref<10064x16xf32, #tpu.memory_space<vmem_shared>>)
          } else {
          }
          %dma_start3A_433 = arith.constant 0 : i32
          %dma_start3A_434 = tpu.memref_slice %run_scoped3A[%add3A_223, %dma_start3A_433] : memref<80x128xi32, #tpu.memory_space<vmem>> -> memref<1x128xi32, #tpu.memory_space<vmem>>
          %dma_start3A_435 = tpu.memref_squeeze %dma_start3A_434 : memref<1x128xi32, #tpu.memory_space<vmem>> -> memref<128xi32, #tpu.memory_space<vmem>>
          %dma_start3A_436 = arith.constant 0 : i32
          %dma_start3A_437 = arith.constant 0 : i32
          %dma_start3A_438 = tpu.memref_slice %arg2[%dma_start3A_436, %dma_start3A_437] : memref<10000x16xf32, #tpu.memory_space<hbm>> -> memref<10000x16xf32, #tpu.memory_space<hbm>>
          tpu.enqueue_indirect_dma source(%dma_start3A_438 : memref<10000x16xf32, #tpu.memory_space<hbm>>) target(%run_scoped3A_12 : memref<128x16xf32, #tpu.memory_space<vmem>>) offsets(%dma_start3A_435 : memref<128xi32, #tpu.memory_space<vmem>>) semaphore(%run_scoped3A_22 : memref<!tpu.dma_semaphore, #tpu.memory_space<semaphore_mem>>)
        } else {
        }
        %dma_wait3A_228 = arith.constant 0 : i32
        %dma_wait3A_229 = tpu.memref_slice %run_scoped3A[%add3A_221, %dma_wait3A_228] : memref<80x128xi32, #tpu.memory_space<vmem>> -> memref<1x128xi32, #tpu.memory_space<vmem>>
        %dma_wait3A_230 = tpu.memref_squeeze %dma_wait3A_229 : memref<1x128xi32, #tpu.memory_space<vmem>> -> memref<128xi32, #tpu.memory_space<vmem>>
        %dma_wait3A_231 = arith.constant 0 : i32
        %dma_wait3A_232 = arith.constant 0 : i32
        %dma_wait3A_233 = tpu.memref_slice %arg2[%dma_wait3A_231, %dma_wait3A_232] : memref<10000x16xf32, #tpu.memory_space<hbm>> -> memref<10000x16xf32, #tpu.memory_space<hbm>>
        tpu.wait_indirect_dma semaphore(%run_scoped3A_13 : memref<!tpu.dma_semaphore, #tpu.memory_space<semaphore_mem>>) src(%dma_wait3A_233 : memref<10000x16xf32, #tpu.memory_space<hbm>>) dst(%run_scoped3A_3 : memref<128x16xf32, #tpu.memory_space<vmem>>)
        %dma_start3A_234 = arith.constant 0 : i32
        %dma_start3A_235 = tpu.memref_slice %run_scoped3A_1[%add3A_221, %dma_start3A_234] : memref<80x128xi32, #tpu.memory_space<vmem>> -> memref<1x128xi32, #tpu.memory_space<vmem>>
        %dma_start3A_236 = tpu.memref_squeeze %dma_start3A_235 : memref<1x128xi32, #tpu.memory_space<vmem>> -> memref<128xi32, #tpu.memory_space<vmem>>
        %dma_start3A_237 = arith.constant 0 : i32
        %dma_start3A_238 = arith.constant 0 : i32
        %dma_start3A_239 = tpu.memref_slice %arg6[%dma_start3A_237, %dma_start3A_238] : memref<10064x16xf32, #tpu.memory_space<vmem_shared>> -> memref<10064x16xf32, #tpu.memory_space<vmem_shared>>
        tpu.enqueue_indirect_dma source(%run_scoped3A_3 : memref<128x16xf32, #tpu.memory_space<vmem>>) target(%dma_start3A_239 : memref<10064x16xf32, #tpu.memory_space<vmem_shared>>) offsets(%dma_start3A_236 : memref<128xi32, #tpu.memory_space<vmem>>) semaphore(%run_scoped3A_23 : memref<!tpu.dma_semaphore, #tpu.memory_space<semaphore_mem>>) {add = true}
        %add3A_240 = arith.constant 1 : i32
        %add3A_241 = arith.addi %mul3A_219, %add3A_240 : i32
        %add3A_242 = arith.constant 9 : i32
        %add3A_243 = arith.addi %add3A_241, %add3A_242 : i32
        %lt3A_244 = arith.constant 80 : i32
        %lt3A_245 = arith.cmpi slt, %add3A_243, %lt3A_244 : i32
        %convert_element_type3A_246 = arith.extui %lt3A_245 : i1 to i32
        %cond3A_247 = arith.constant 0 : i32
        %cond3A_248 = arith.cmpi ne, %convert_element_type3A_246, %cond3A_247 : i32
        scf.if %cond3A_248 {
          %ge3A = arith.constant 10 : i32
          %ge3A_429 = arith.cmpi sge, %add3A_243, %ge3A : i32
          %convert_element_type3A_430 = arith.extui %ge3A_429 : i1 to i32
          %cond3A_431 = arith.constant 0 : i32
          %cond3A_432 = arith.cmpi ne, %convert_element_type3A_430, %cond3A_431 : i32
          scf.if %cond3A_432 {
            %sub3A = arith.constant 10 : i32
            %sub3A_439 = arith.subi %add3A_243, %sub3A : i32
            %dma_wait3A_440 = arith.constant 0 : i32
            %dma_wait3A_441 = tpu.memref_slice %run_scoped3A_1[%sub3A_439, %dma_wait3A_440] : memref<80x128xi32, #tpu.memory_space<vmem>> -> memref<1x128xi32, #tpu.memory_space<vmem>>
            %dma_wait3A_442 = tpu.memref_squeeze %dma_wait3A_441 : memref<1x128xi32, #tpu.memory_space<vmem>> -> memref<128xi32, #tpu.memory_space<vmem>>
            %dma_wait3A_443 = arith.constant 0 : i32
            %dma_wait3A_444 = arith.constant 0 : i32
            %dma_wait3A_445 = tpu.memref_slice %arg6[%dma_wait3A_443, %dma_wait3A_444] : memref<10064x16xf32, #tpu.memory_space<vmem_shared>> -> memref<10064x16xf32, #tpu.memory_space<vmem_shared>>
            tpu.wait_indirect_dma semaphore(%run_scoped3A_23 : memref<!tpu.dma_semaphore, #tpu.memory_space<semaphore_mem>>) src(%run_scoped3A_3 : memref<128x16xf32, #tpu.memory_space<vmem>>) dst(%dma_wait3A_445 : memref<10064x16xf32, #tpu.memory_space<vmem_shared>>)
          } else {
          }
          %dma_start3A_433 = arith.constant 0 : i32
          %dma_start3A_434 = tpu.memref_slice %run_scoped3A[%add3A_243, %dma_start3A_433] : memref<80x128xi32, #tpu.memory_space<vmem>> -> memref<1x128xi32, #tpu.memory_space<vmem>>
          %dma_start3A_435 = tpu.memref_squeeze %dma_start3A_434 : memref<1x128xi32, #tpu.memory_space<vmem>> -> memref<128xi32, #tpu.memory_space<vmem>>
          %dma_start3A_436 = arith.constant 0 : i32
          %dma_start3A_437 = arith.constant 0 : i32
          %dma_start3A_438 = tpu.memref_slice %arg2[%dma_start3A_436, %dma_start3A_437] : memref<10000x16xf32, #tpu.memory_space<hbm>> -> memref<10000x16xf32, #tpu.memory_space<hbm>>
          tpu.enqueue_indirect_dma source(%dma_start3A_438 : memref<10000x16xf32, #tpu.memory_space<hbm>>) target(%run_scoped3A_3 : memref<128x16xf32, #tpu.memory_space<vmem>>) offsets(%dma_start3A_435 : memref<128xi32, #tpu.memory_space<vmem>>) semaphore(%run_scoped3A_13 : memref<!tpu.dma_semaphore, #tpu.memory_space<semaphore_mem>>)
        } else {
        }
        %dma_wait3A_249 = arith.constant 0 : i32
        %dma_wait3A_250 = tpu.memref_slice %run_scoped3A[%add3A_241, %dma_wait3A_249] : memref<80x128xi32, #tpu.memory_space<vmem>> -> memref<1x128xi32, #tpu.memory_space<vmem>>
        %dma_wait3A_251 = tpu.memref_squeeze %dma_wait3A_250 : memref<1x128xi32, #tpu.memory_space<vmem>> -> memref<128xi32, #tpu.memory_space<vmem>>
        %dma_wait3A_252 = arith.constant 0 : i32
        %dma_wait3A_253 = arith.constant 0 : i32
        %dma_wait3A_254 = tpu.memref_slice %arg2[%dma_wait3A_252, %dma_wait3A_253] : memref<10000x16xf32, #tpu.memory_space<hbm>> -> memref<10000x16xf32, #tpu.memory_space<hbm>>
        tpu.wait_indirect_dma semaphore(%run_scoped3A_14 : memref<!tpu.dma_semaphore, #tpu.memory_space<semaphore_mem>>) src(%dma_wait3A_254 : memref<10000x16xf32, #tpu.memory_space<hbm>>) dst(%run_scoped3A_4 : memref<128x16xf32, #tpu.memory_space<vmem>>)
        %dma_start3A_255 = arith.constant 0 : i32
        %dma_start3A_256 = tpu.memref_slice %run_scoped3A_1[%add3A_241, %dma_start3A_255] : memref<80x128xi32, #tpu.memory_space<vmem>> -> memref<1x128xi32, #tpu.memory_space<vmem>>
        %dma_start3A_257 = tpu.memref_squeeze %dma_start3A_256 : memref<1x128xi32, #tpu.memory_space<vmem>> -> memref<128xi32, #tpu.memory_space<vmem>>
        %dma_start3A_258 = arith.constant 0 : i32
        %dma_start3A_259 = arith.constant 0 : i32
        %dma_start3A_260 = tpu.memref_slice %arg6[%dma_start3A_258, %dma_start3A_259] : memref<10064x16xf32, #tpu.memory_space<vmem_shared>> -> memref<10064x16xf32, #tpu.memory_space<vmem_shared>>
        tpu.enqueue_indirect_dma source(%run_scoped3A_4 : memref<128x16xf32, #tpu.memory_space<vmem>>) target(%dma_start3A_260 : memref<10064x16xf32, #tpu.memory_space<vmem_shared>>) offsets(%dma_start3A_257 : memref<128xi32, #tpu.memory_space<vmem>>) semaphore(%run_scoped3A_24 : memref<!tpu.dma_semaphore, #tpu.memory_space<semaphore_mem>>) {add = true}
        %add3A_261 = arith.constant 2 : i32
        %add3A_262 = arith.addi %mul3A_219, %add3A_261 : i32
        %add3A_263 = arith.constant 9 : i32
        %add3A_264 = arith.addi %add3A_262, %add3A_263 : i32
        %lt3A_265 = arith.constant 80 : i32
        %lt3A_266 = arith.cmpi slt, %add3A_264, %lt3A_265 : i32
        %convert_element_type3A_267 = arith.extui %lt3A_266 : i1 to i32
        %cond3A_268 = arith.constant 0 : i32
        %cond3A_269 = arith.cmpi ne, %convert_element_type3A_267, %cond3A_268 : i32
        scf.if %cond3A_269 {
          %ge3A = arith.constant 10 : i32
          %ge3A_429 = arith.cmpi sge, %add3A_264, %ge3A : i32
          %convert_element_type3A_430 = arith.extui %ge3A_429 : i1 to i32
          %cond3A_431 = arith.constant 0 : i32
          %cond3A_432 = arith.cmpi ne, %convert_element_type3A_430, %cond3A_431 : i32
          scf.if %cond3A_432 {
            %sub3A = arith.constant 10 : i32
            %sub3A_439 = arith.subi %add3A_264, %sub3A : i32
            %dma_wait3A_440 = arith.constant 0 : i32
            %dma_wait3A_441 = tpu.memref_slice %run_scoped3A_1[%sub3A_439, %dma_wait3A_440] : memref<80x128xi32, #tpu.memory_space<vmem>> -> memref<1x128xi32, #tpu.memory_space<vmem>>
            %dma_wait3A_442 = tpu.memref_squeeze %dma_wait3A_441 : memref<1x128xi32, #tpu.memory_space<vmem>> -> memref<128xi32, #tpu.memory_space<vmem>>
            %dma_wait3A_443 = arith.constant 0 : i32
            %dma_wait3A_444 = arith.constant 0 : i32
            %dma_wait3A_445 = tpu.memref_slice %arg6[%dma_wait3A_443, %dma_wait3A_444] : memref<10064x16xf32, #tpu.memory_space<vmem_shared>> -> memref<10064x16xf32, #tpu.memory_space<vmem_shared>>
            tpu.wait_indirect_dma semaphore(%run_scoped3A_24 : memref<!tpu.dma_semaphore, #tpu.memory_space<semaphore_mem>>) src(%run_scoped3A_4 : memref<128x16xf32, #tpu.memory_space<vmem>>) dst(%dma_wait3A_445 : memref<10064x16xf32, #tpu.memory_space<vmem_shared>>)
          } else {
          }
          %dma_start3A_433 = arith.constant 0 : i32
          %dma_start3A_434 = tpu.memref_slice %run_scoped3A[%add3A_264, %dma_start3A_433] : memref<80x128xi32, #tpu.memory_space<vmem>> -> memref<1x128xi32, #tpu.memory_space<vmem>>
          %dma_start3A_435 = tpu.memref_squeeze %dma_start3A_434 : memref<1x128xi32, #tpu.memory_space<vmem>> -> memref<128xi32, #tpu.memory_space<vmem>>
          %dma_start3A_436 = arith.constant 0 : i32
          %dma_start3A_437 = arith.constant 0 : i32
          %dma_start3A_438 = tpu.memref_slice %arg2[%dma_start3A_436, %dma_start3A_437] : memref<10000x16xf32, #tpu.memory_space<hbm>> -> memref<10000x16xf32, #tpu.memory_space<hbm>>
          tpu.enqueue_indirect_dma source(%dma_start3A_438 : memref<10000x16xf32, #tpu.memory_space<hbm>>) target(%run_scoped3A_4 : memref<128x16xf32, #tpu.memory_space<vmem>>) offsets(%dma_start3A_435 : memref<128xi32, #tpu.memory_space<vmem>>) semaphore(%run_scoped3A_14 : memref<!tpu.dma_semaphore, #tpu.memory_space<semaphore_mem>>)
        } else {
        }
        %dma_wait3A_270 = arith.constant 0 : i32
        %dma_wait3A_271 = tpu.memref_slice %run_scoped3A[%add3A_262, %dma_wait3A_270] : memref<80x128xi32, #tpu.memory_space<vmem>> -> memref<1x128xi32, #tpu.memory_space<vmem>>
        %dma_wait3A_272 = tpu.memref_squeeze %dma_wait3A_271 : memref<1x128xi32, #tpu.memory_space<vmem>> -> memref<128xi32, #tpu.memory_space<vmem>>
        %dma_wait3A_273 = arith.constant 0 : i32
        %dma_wait3A_274 = arith.constant 0 : i32
        %dma_wait3A_275 = tpu.memref_slice %arg2[%dma_wait3A_273, %dma_wait3A_274] : memref<10000x16xf32, #tpu.memory_space<hbm>> -> memref<10000x16xf32, #tpu.memory_space<hbm>>
        tpu.wait_indirect_dma semaphore(%run_scoped3A_15 : memref<!tpu.dma_semaphore, #tpu.memory_space<semaphore_mem>>) src(%dma_wait3A_275 : memref<10000x16xf32, #tpu.memory_space<hbm>>) dst(%run_scoped3A_5 : memref<128x16xf32, #tpu.memory_space<vmem>>)
        %dma_start3A_276 = arith.constant 0 : i32
        %dma_start3A_277 = tpu.memref_slice %run_scoped3A_1[%add3A_262, %dma_start3A_276] : memref<80x128xi32, #tpu.memory_space<vmem>> -> memref<1x128xi32, #tpu.memory_space<vmem>>
        %dma_start3A_278 = tpu.memref_squeeze %dma_start3A_277 : memref<1x128xi32, #tpu.memory_space<vmem>> -> memref<128xi32, #tpu.memory_space<vmem>>
        %dma_start3A_279 = arith.constant 0 : i32
        %dma_start3A_280 = arith.constant 0 : i32
        %dma_start3A_281 = tpu.memref_slice %arg6[%dma_start3A_279, %dma_start3A_280] : memref<10064x16xf32, #tpu.memory_space<vmem_shared>> -> memref<10064x16xf32, #tpu.memory_space<vmem_shared>>
        tpu.enqueue_indirect_dma source(%run_scoped3A_5 : memref<128x16xf32, #tpu.memory_space<vmem>>) target(%dma_start3A_281 : memref<10064x16xf32, #tpu.memory_space<vmem_shared>>) offsets(%dma_start3A_278 : memref<128xi32, #tpu.memory_space<vmem>>) semaphore(%run_scoped3A_25 : memref<!tpu.dma_semaphore, #tpu.memory_space<semaphore_mem>>) {add = true}
        %add3A_282 = arith.constant 3 : i32
        %add3A_283 = arith.addi %mul3A_219, %add3A_282 : i32
        %add3A_284 = arith.constant 9 : i32
        %add3A_285 = arith.addi %add3A_283, %add3A_284 : i32
        %lt3A_286 = arith.constant 80 : i32
        %lt3A_287 = arith.cmpi slt, %add3A_285, %lt3A_286 : i32
        %convert_element_type3A_288 = arith.extui %lt3A_287 : i1 to i32
        %cond3A_289 = arith.constant 0 : i32
        %cond3A_290 = arith.cmpi ne, %convert_element_type3A_288, %cond3A_289 : i32
        scf.if %cond3A_290 {
          %ge3A = arith.constant 10 : i32
          %ge3A_429 = arith.cmpi sge, %add3A_285, %ge3A : i32
          %convert_element_type3A_430 = arith.extui %ge3A_429 : i1 to i32
          %cond3A_431 = arith.constant 0 : i32
          %cond3A_432 = arith.cmpi ne, %convert_element_type3A_430, %cond3A_431 : i32
          scf.if %cond3A_432 {
            %sub3A = arith.constant 10 : i32
            %sub3A_439 = arith.subi %add3A_285, %sub3A : i32
            %dma_wait3A_440 = arith.constant 0 : i32
            %dma_wait3A_441 = tpu.memref_slice %run_scoped3A_1[%sub3A_439, %dma_wait3A_440] : memref<80x128xi32, #tpu.memory_space<vmem>> -> memref<1x128xi32, #tpu.memory_space<vmem>>
            %dma_wait3A_442 = tpu.memref_squeeze %dma_wait3A_441 : memref<1x128xi32, #tpu.memory_space<vmem>> -> memref<128xi32, #tpu.memory_space<vmem>>
            %dma_wait3A_443 = arith.constant 0 : i32
            %dma_wait3A_444 = arith.constant 0 : i32
            %dma_wait3A_445 = tpu.memref_slice %arg6[%dma_wait3A_443, %dma_wait3A_444] : memref<10064x16xf32, #tpu.memory_space<vmem_shared>> -> memref<10064x16xf32, #tpu.memory_space<vmem_shared>>
            tpu.wait_indirect_dma semaphore(%run_scoped3A_25 : memref<!tpu.dma_semaphore, #tpu.memory_space<semaphore_mem>>) src(%run_scoped3A_5 : memref<128x16xf32, #tpu.memory_space<vmem>>) dst(%dma_wait3A_445 : memref<10064x16xf32, #tpu.memory_space<vmem_shared>>)
          } else {
          }
          %dma_start3A_433 = arith.constant 0 : i32
          %dma_start3A_434 = tpu.memref_slice %run_scoped3A[%add3A_285, %dma_start3A_433] : memref<80x128xi32, #tpu.memory_space<vmem>> -> memref<1x128xi32, #tpu.memory_space<vmem>>
          %dma_start3A_435 = tpu.memref_squeeze %dma_start3A_434 : memref<1x128xi32, #tpu.memory_space<vmem>> -> memref<128xi32, #tpu.memory_space<vmem>>
          %dma_start3A_436 = arith.constant 0 : i32
          %dma_start3A_437 = arith.constant 0 : i32
          %dma_start3A_438 = tpu.memref_slice %arg2[%dma_start3A_436, %dma_start3A_437] : memref<10000x16xf32, #tpu.memory_space<hbm>> -> memref<10000x16xf32, #tpu.memory_space<hbm>>
          tpu.enqueue_indirect_dma source(%dma_start3A_438 : memref<10000x16xf32, #tpu.memory_space<hbm>>) target(%run_scoped3A_5 : memref<128x16xf32, #tpu.memory_space<vmem>>) offsets(%dma_start3A_435 : memref<128xi32, #tpu.memory_space<vmem>>) semaphore(%run_scoped3A_15 : memref<!tpu.dma_semaphore, #tpu.memory_space<semaphore_mem>>)
        } else {
        }
        %dma_wait3A_291 = arith.constant 0 : i32
        %dma_wait3A_292 = tpu.memref_slice %run_scoped3A[%add3A_283, %dma_wait3A_291] : memref<80x128xi32, #tpu.memory_space<vmem>> -> memref<1x128xi32, #tpu.memory_space<vmem>>
        %dma_wait3A_293 = tpu.memref_squeeze %dma_wait3A_292 : memref<1x128xi32, #tpu.memory_space<vmem>> -> memref<128xi32, #tpu.memory_space<vmem>>
        %dma_wait3A_294 = arith.constant 0 : i32
        %dma_wait3A_295 = arith.constant 0 : i32
        %dma_wait3A_296 = tpu.memref_slice %arg2[%dma_wait3A_294, %dma_wait3A_295] : memref<10000x16xf32, #tpu.memory_space<hbm>> -> memref<10000x16xf32, #tpu.memory_space<hbm>>
        tpu.wait_indirect_dma semaphore(%run_scoped3A_16 : memref<!tpu.dma_semaphore, #tpu.memory_space<semaphore_mem>>) src(%dma_wait3A_296 : memref<10000x16xf32, #tpu.memory_space<hbm>>) dst(%run_scoped3A_6 : memref<128x16xf32, #tpu.memory_space<vmem>>)
        %dma_start3A_297 = arith.constant 0 : i32
        %dma_start3A_298 = tpu.memref_slice %run_scoped3A_1[%add3A_283, %dma_start3A_297] : memref<80x128xi32, #tpu.memory_space<vmem>> -> memref<1x128xi32, #tpu.memory_space<vmem>>
        %dma_start3A_299 = tpu.memref_squeeze %dma_start3A_298 : memref<1x128xi32, #tpu.memory_space<vmem>> -> memref<128xi32, #tpu.memory_space<vmem>>
        %dma_start3A_300 = arith.constant 0 : i32
        %dma_start3A_301 = arith.constant 0 : i32
        %dma_start3A_302 = tpu.memref_slice %arg6[%dma_start3A_300, %dma_start3A_301] : memref<10064x16xf32, #tpu.memory_space<vmem_shared>> -> memref<10064x16xf32, #tpu.memory_space<vmem_shared>>
        tpu.enqueue_indirect_dma source(%run_scoped3A_6 : memref<128x16xf32, #tpu.memory_space<vmem>>) target(%dma_start3A_302 : memref<10064x16xf32, #tpu.memory_space<vmem_shared>>) offsets(%dma_start3A_299 : memref<128xi32, #tpu.memory_space<vmem>>) semaphore(%run_scoped3A_26 : memref<!tpu.dma_semaphore, #tpu.memory_space<semaphore_mem>>) {add = true}
        %add3A_303 = arith.constant 4 : i32
        %add3A_304 = arith.addi %mul3A_219, %add3A_303 : i32
        %add3A_305 = arith.constant 9 : i32
        %add3A_306 = arith.addi %add3A_304, %add3A_305 : i32
        %lt3A_307 = arith.constant 80 : i32
        %lt3A_308 = arith.cmpi slt, %add3A_306, %lt3A_307 : i32
        %convert_element_type3A_309 = arith.extui %lt3A_308 : i1 to i32
        %cond3A_310 = arith.constant 0 : i32
        %cond3A_311 = arith.cmpi ne, %convert_element_type3A_309, %cond3A_310 : i32
        scf.if %cond3A_311 {
          %ge3A = arith.constant 10 : i32
          %ge3A_429 = arith.cmpi sge, %add3A_306, %ge3A : i32
          %convert_element_type3A_430 = arith.extui %ge3A_429 : i1 to i32
          %cond3A_431 = arith.constant 0 : i32
          %cond3A_432 = arith.cmpi ne, %convert_element_type3A_430, %cond3A_431 : i32
          scf.if %cond3A_432 {
            %sub3A = arith.constant 10 : i32
            %sub3A_439 = arith.subi %add3A_306, %sub3A : i32
            %dma_wait3A_440 = arith.constant 0 : i32
            %dma_wait3A_441 = tpu.memref_slice %run_scoped3A_1[%sub3A_439, %dma_wait3A_440] : memref<80x128xi32, #tpu.memory_space<vmem>> -> memref<1x128xi32, #tpu.memory_space<vmem>>
            %dma_wait3A_442 = tpu.memref_squeeze %dma_wait3A_441 : memref<1x128xi32, #tpu.memory_space<vmem>> -> memref<128xi32, #tpu.memory_space<vmem>>
            %dma_wait3A_443 = arith.constant 0 : i32
            %dma_wait3A_444 = arith.constant 0 : i32
            %dma_wait3A_445 = tpu.memref_slice %arg6[%dma_wait3A_443, %dma_wait3A_444] : memref<10064x16xf32, #tpu.memory_space<vmem_shared>> -> memref<10064x16xf32, #tpu.memory_space<vmem_shared>>
            tpu.wait_indirect_dma semaphore(%run_scoped3A_26 : memref<!tpu.dma_semaphore, #tpu.memory_space<semaphore_mem>>) src(%run_scoped3A_6 : memref<128x16xf32, #tpu.memory_space<vmem>>) dst(%dma_wait3A_445 : memref<10064x16xf32, #tpu.memory_space<vmem_shared>>)
          } else {
          }
          %dma_start3A_433 = arith.constant 0 : i32
          %dma_start3A_434 = tpu.memref_slice %run_scoped3A[%add3A_306, %dma_start3A_433] : memref<80x128xi32, #tpu.memory_space<vmem>> -> memref<1x128xi32, #tpu.memory_space<vmem>>
          %dma_start3A_435 = tpu.memref_squeeze %dma_start3A_434 : memref<1x128xi32, #tpu.memory_space<vmem>> -> memref<128xi32, #tpu.memory_space<vmem>>
          %dma_start3A_436 = arith.constant 0 : i32
          %dma_start3A_437 = arith.constant 0 : i32
          %dma_start3A_438 = tpu.memref_slice %arg2[%dma_start3A_436, %dma_start3A_437] : memref<10000x16xf32, #tpu.memory_space<hbm>> -> memref<10000x16xf32, #tpu.memory_space<hbm>>
          tpu.enqueue_indirect_dma source(%dma_start3A_438 : memref<10000x16xf32, #tpu.memory_space<hbm>>) target(%run_scoped3A_6 : memref<128x16xf32, #tpu.memory_space<vmem>>) offsets(%dma_start3A_435 : memref<128xi32, #tpu.memory_space<vmem>>) semaphore(%run_scoped3A_16 : memref<!tpu.dma_semaphore, #tpu.memory_space<semaphore_mem>>)
        } else {
        }
        %dma_wait3A_312 = arith.constant 0 : i32
        %dma_wait3A_313 = tpu.memref_slice %run_scoped3A[%add3A_304, %dma_wait3A_312] : memref<80x128xi32, #tpu.memory_space<vmem>> -> memref<1x128xi32, #tpu.memory_space<vmem>>
        %dma_wait3A_314 = tpu.memref_squeeze %dma_wait3A_313 : memref<1x128xi32, #tpu.memory_space<vmem>> -> memref<128xi32, #tpu.memory_space<vmem>>
        %dma_wait3A_315 = arith.constant 0 : i32
        %dma_wait3A_316 = arith.constant 0 : i32
        %dma_wait3A_317 = tpu.memref_slice %arg2[%dma_wait3A_315, %dma_wait3A_316] : memref<10000x16xf32, #tpu.memory_space<hbm>> -> memref<10000x16xf32, #tpu.memory_space<hbm>>
        tpu.wait_indirect_dma semaphore(%run_scoped3A_17 : memref<!tpu.dma_semaphore, #tpu.memory_space<semaphore_mem>>) src(%dma_wait3A_317 : memref<10000x16xf32, #tpu.memory_space<hbm>>) dst(%run_scoped3A_7 : memref<128x16xf32, #tpu.memory_space<vmem>>)
        %dma_start3A_318 = arith.constant 0 : i32
        %dma_start3A_319 = tpu.memref_slice %run_scoped3A_1[%add3A_304, %dma_start3A_318] : memref<80x128xi32, #tpu.memory_space<vmem>> -> memref<1x128xi32, #tpu.memory_space<vmem>>
        %dma_start3A_320 = tpu.memref_squeeze %dma_start3A_319 : memref<1x128xi32, #tpu.memory_space<vmem>> -> memref<128xi32, #tpu.memory_space<vmem>>
        %dma_start3A_321 = arith.constant 0 : i32
        %dma_start3A_322 = arith.constant 0 : i32
        %dma_start3A_323 = tpu.memref_slice %arg6[%dma_start3A_321, %dma_start3A_322] : memref<10064x16xf32, #tpu.memory_space<vmem_shared>> -> memref<10064x16xf32, #tpu.memory_space<vmem_shared>>
        tpu.enqueue_indirect_dma source(%run_scoped3A_7 : memref<128x16xf32, #tpu.memory_space<vmem>>) target(%dma_start3A_323 : memref<10064x16xf32, #tpu.memory_space<vmem_shared>>) offsets(%dma_start3A_320 : memref<128xi32, #tpu.memory_space<vmem>>) semaphore(%run_scoped3A_27 : memref<!tpu.dma_semaphore, #tpu.memory_space<semaphore_mem>>) {add = true}
        %add3A_324 = arith.constant 5 : i32
        %add3A_325 = arith.addi %mul3A_219, %add3A_324 : i32
        %add3A_326 = arith.constant 9 : i32
        %add3A_327 = arith.addi %add3A_325, %add3A_326 : i32
        %lt3A_328 = arith.constant 80 : i32
        %lt3A_329 = arith.cmpi slt, %add3A_327, %lt3A_328 : i32
        %convert_element_type3A_330 = arith.extui %lt3A_329 : i1 to i32
        %cond3A_331 = arith.constant 0 : i32
        %cond3A_332 = arith.cmpi ne, %convert_element_type3A_330, %cond3A_331 : i32
        scf.if %cond3A_332 {
          %ge3A = arith.constant 10 : i32
          %ge3A_429 = arith.cmpi sge, %add3A_327, %ge3A : i32
          %convert_element_type3A_430 = arith.extui %ge3A_429 : i1 to i32
          %cond3A_431 = arith.constant 0 : i32
          %cond3A_432 = arith.cmpi ne, %convert_element_type3A_430, %cond3A_431 : i32
          scf.if %cond3A_432 {
            %sub3A = arith.constant 10 : i32
            %sub3A_439 = arith.subi %add3A_327, %sub3A : i32
            %dma_wait3A_440 = arith.constant 0 : i32
            %dma_wait3A_441 = tpu.memref_slice %run_scoped3A_1[%sub3A_439, %dma_wait3A_440] : memref<80x128xi32, #tpu.memory_space<vmem>> -> memref<1x128xi32, #tpu.memory_space<vmem>>
            %dma_wait3A_442 = tpu.memref_squeeze %dma_wait3A_441 : memref<1x128xi32, #tpu.memory_space<vmem>> -> memref<128xi32, #tpu.memory_space<vmem>>
            %dma_wait3A_443 = arith.constant 0 : i32
            %dma_wait3A_444 = arith.constant 0 : i32
            %dma_wait3A_445 = tpu.memref_slice %arg6[%dma_wait3A_443, %dma_wait3A_444] : memref<10064x16xf32, #tpu.memory_space<vmem_shared>> -> memref<10064x16xf32, #tpu.memory_space<vmem_shared>>
            tpu.wait_indirect_dma semaphore(%run_scoped3A_27 : memref<!tpu.dma_semaphore, #tpu.memory_space<semaphore_mem>>) src(%run_scoped3A_7 : memref<128x16xf32, #tpu.memory_space<vmem>>) dst(%dma_wait3A_445 : memref<10064x16xf32, #tpu.memory_space<vmem_shared>>)
          } else {
          }
          %dma_start3A_433 = arith.constant 0 : i32
          %dma_start3A_434 = tpu.memref_slice %run_scoped3A[%add3A_327, %dma_start3A_433] : memref<80x128xi32, #tpu.memory_space<vmem>> -> memref<1x128xi32, #tpu.memory_space<vmem>>
          %dma_start3A_435 = tpu.memref_squeeze %dma_start3A_434 : memref<1x128xi32, #tpu.memory_space<vmem>> -> memref<128xi32, #tpu.memory_space<vmem>>
          %dma_start3A_436 = arith.constant 0 : i32
          %dma_start3A_437 = arith.constant 0 : i32
          %dma_start3A_438 = tpu.memref_slice %arg2[%dma_start3A_436, %dma_start3A_437] : memref<10000x16xf32, #tpu.memory_space<hbm>> -> memref<10000x16xf32, #tpu.memory_space<hbm>>
          tpu.enqueue_indirect_dma source(%dma_start3A_438 : memref<10000x16xf32, #tpu.memory_space<hbm>>) target(%run_scoped3A_7 : memref<128x16xf32, #tpu.memory_space<vmem>>) offsets(%dma_start3A_435 : memref<128xi32, #tpu.memory_space<vmem>>) semaphore(%run_scoped3A_17 : memref<!tpu.dma_semaphore, #tpu.memory_space<semaphore_mem>>)
        } else {
        }
        %dma_wait3A_333 = arith.constant 0 : i32
        %dma_wait3A_334 = tpu.memref_slice %run_scoped3A[%add3A_325, %dma_wait3A_333] : memref<80x128xi32, #tpu.memory_space<vmem>> -> memref<1x128xi32, #tpu.memory_space<vmem>>
        %dma_wait3A_335 = tpu.memref_squeeze %dma_wait3A_334 : memref<1x128xi32, #tpu.memory_space<vmem>> -> memref<128xi32, #tpu.memory_space<vmem>>
        %dma_wait3A_336 = arith.constant 0 : i32
        %dma_wait3A_337 = arith.constant 0 : i32
        %dma_wait3A_338 = tpu.memref_slice %arg2[%dma_wait3A_336, %dma_wait3A_337] : memref<10000x16xf32, #tpu.memory_space<hbm>> -> memref<10000x16xf32, #tpu.memory_space<hbm>>
        tpu.wait_indirect_dma semaphore(%run_scoped3A_18 : memref<!tpu.dma_semaphore, #tpu.memory_space<semaphore_mem>>) src(%dma_wait3A_338 : memref<10000x16xf32, #tpu.memory_space<hbm>>) dst(%run_scoped3A_8 : memref<128x16xf32, #tpu.memory_space<vmem>>)
        %dma_start3A_339 = arith.constant 0 : i32
        %dma_start3A_340 = tpu.memref_slice %run_scoped3A_1[%add3A_325, %dma_start3A_339] : memref<80x128xi32, #tpu.memory_space<vmem>> -> memref<1x128xi32, #tpu.memory_space<vmem>>
        %dma_start3A_341 = tpu.memref_squeeze %dma_start3A_340 : memref<1x128xi32, #tpu.memory_space<vmem>> -> memref<128xi32, #tpu.memory_space<vmem>>
        %dma_start3A_342 = arith.constant 0 : i32
        %dma_start3A_343 = arith.constant 0 : i32
        %dma_start3A_344 = tpu.memref_slice %arg6[%dma_start3A_342, %dma_start3A_343] : memref<10064x16xf32, #tpu.memory_space<vmem_shared>> -> memref<10064x16xf32, #tpu.memory_space<vmem_shared>>
        tpu.enqueue_indirect_dma source(%run_scoped3A_8 : memref<128x16xf32, #tpu.memory_space<vmem>>) target(%dma_start3A_344 : memref<10064x16xf32, #tpu.memory_space<vmem_shared>>) offsets(%dma_start3A_341 : memref<128xi32, #tpu.memory_space<vmem>>) semaphore(%run_scoped3A_28 : memref<!tpu.dma_semaphore, #tpu.memory_space<semaphore_mem>>) {add = true}
        %add3A_345 = arith.constant 6 : i32
        %add3A_346 = arith.addi %mul3A_219, %add3A_345 : i32
        %add3A_347 = arith.constant 9 : i32
        %add3A_348 = arith.addi %add3A_346, %add3A_347 : i32
        %lt3A_349 = arith.constant 80 : i32
        %lt3A_350 = arith.cmpi slt, %add3A_348, %lt3A_349 : i32
        %convert_element_type3A_351 = arith.extui %lt3A_350 : i1 to i32
        %cond3A_352 = arith.constant 0 : i32
        %cond3A_353 = arith.cmpi ne, %convert_element_type3A_351, %cond3A_352 : i32
        scf.if %cond3A_353 {
          %ge3A = arith.constant 10 : i32
          %ge3A_429 = arith.cmpi sge, %add3A_348, %ge3A : i32
          %convert_element_type3A_430 = arith.extui %ge3A_429 : i1 to i32
          %cond3A_431 = arith.constant 0 : i32
          %cond3A_432 = arith.cmpi ne, %convert_element_type3A_430, %cond3A_431 : i32
          scf.if %cond3A_432 {
            %sub3A = arith.constant 10 : i32
            %sub3A_439 = arith.subi %add3A_348, %sub3A : i32
            %dma_wait3A_440 = arith.constant 0 : i32
            %dma_wait3A_441 = tpu.memref_slice %run_scoped3A_1[%sub3A_439, %dma_wait3A_440] : memref<80x128xi32, #tpu.memory_space<vmem>> -> memref<1x128xi32, #tpu.memory_space<vmem>>
            %dma_wait3A_442 = tpu.memref_squeeze %dma_wait3A_441 : memref<1x128xi32, #tpu.memory_space<vmem>> -> memref<128xi32, #tpu.memory_space<vmem>>
            %dma_wait3A_443 = arith.constant 0 : i32
            %dma_wait3A_444 = arith.constant 0 : i32
            %dma_wait3A_445 = tpu.memref_slice %arg6[%dma_wait3A_443, %dma_wait3A_444] : memref<10064x16xf32, #tpu.memory_space<vmem_shared>> -> memref<10064x16xf32, #tpu.memory_space<vmem_shared>>
            tpu.wait_indirect_dma semaphore(%run_scoped3A_28 : memref<!tpu.dma_semaphore, #tpu.memory_space<semaphore_mem>>) src(%run_scoped3A_8 : memref<128x16xf32, #tpu.memory_space<vmem>>) dst(%dma_wait3A_445 : memref<10064x16xf32, #tpu.memory_space<vmem_shared>>)
          } else {
          }
          %dma_start3A_433 = arith.constant 0 : i32
          %dma_start3A_434 = tpu.memref_slice %run_scoped3A[%add3A_348, %dma_start3A_433] : memref<80x128xi32, #tpu.memory_space<vmem>> -> memref<1x128xi32, #tpu.memory_space<vmem>>
          %dma_start3A_435 = tpu.memref_squeeze %dma_start3A_434 : memref<1x128xi32, #tpu.memory_space<vmem>> -> memref<128xi32, #tpu.memory_space<vmem>>
          %dma_start3A_436 = arith.constant 0 : i32
          %dma_start3A_437 = arith.constant 0 : i32
          %dma_start3A_438 = tpu.memref_slice %arg2[%dma_start3A_436, %dma_start3A_437] : memref<10000x16xf32, #tpu.memory_space<hbm>> -> memref<10000x16xf32, #tpu.memory_space<hbm>>
          tpu.enqueue_indirect_dma source(%dma_start3A_438 : memref<10000x16xf32, #tpu.memory_space<hbm>>) target(%run_scoped3A_8 : memref<128x16xf32, #tpu.memory_space<vmem>>) offsets(%dma_start3A_435 : memref<128xi32, #tpu.memory_space<vmem>>) semaphore(%run_scoped3A_18 : memref<!tpu.dma_semaphore, #tpu.memory_space<semaphore_mem>>)
        } else {
        }
        %dma_wait3A_354 = arith.constant 0 : i32
        %dma_wait3A_355 = tpu.memref_slice %run_scoped3A[%add3A_346, %dma_wait3A_354] : memref<80x128xi32, #tpu.memory_space<vmem>> -> memref<1x128xi32, #tpu.memory_space<vmem>>
        %dma_wait3A_356 = tpu.memref_squeeze %dma_wait3A_355 : memref<1x128xi32, #tpu.memory_space<vmem>> -> memref<128xi32, #tpu.memory_space<vmem>>
        %dma_wait3A_357 = arith.constant 0 : i32
        %dma_wait3A_358 = arith.constant 0 : i32
        %dma_wait3A_359 = tpu.memref_slice %arg2[%dma_wait3A_357, %dma_wait3A_358] : memref<10000x16xf32, #tpu.memory_space<hbm>> -> memref<10000x16xf32, #tpu.memory_space<hbm>>
        tpu.wait_indirect_dma semaphore(%run_scoped3A_19 : memref<!tpu.dma_semaphore, #tpu.memory_space<semaphore_mem>>) src(%dma_wait3A_359 : memref<10000x16xf32, #tpu.memory_space<hbm>>) dst(%run_scoped3A_9 : memref<128x16xf32, #tpu.memory_space<vmem>>)
        %dma_start3A_360 = arith.constant 0 : i32
        %dma_start3A_361 = tpu.memref_slice %run_scoped3A_1[%add3A_346, %dma_start3A_360] : memref<80x128xi32, #tpu.memory_space<vmem>> -> memref<1x128xi32, #tpu.memory_space<vmem>>
        %dma_start3A_362 = tpu.memref_squeeze %dma_start3A_361 : memref<1x128xi32, #tpu.memory_space<vmem>> -> memref<128xi32, #tpu.memory_space<vmem>>
        %dma_start3A_363 = arith.constant 0 : i32
        %dma_start3A_364 = arith.constant 0 : i32
        %dma_start3A_365 = tpu.memref_slice %arg6[%dma_start3A_363, %dma_start3A_364] : memref<10064x16xf32, #tpu.memory_space<vmem_shared>> -> memref<10064x16xf32, #tpu.memory_space<vmem_shared>>
        tpu.enqueue_indirect_dma source(%run_scoped3A_9 : memref<128x16xf32, #tpu.memory_space<vmem>>) target(%dma_start3A_365 : memref<10064x16xf32, #tpu.memory_space<vmem_shared>>) offsets(%dma_start3A_362 : memref<128xi32, #tpu.memory_space<vmem>>) semaphore(%run_scoped3A_29 : memref<!tpu.dma_semaphore, #tpu.memory_space<semaphore_mem>>) {add = true}
        %add3A_366 = arith.constant 7 : i32
        %add3A_367 = arith.addi %mul3A_219, %add3A_366 : i32
        %add3A_368 = arith.constant 9 : i32
        %add3A_369 = arith.addi %add3A_367, %add3A_368 : i32
        %lt3A_370 = arith.constant 80 : i32
        %lt3A_371 = arith.cmpi slt, %add3A_369, %lt3A_370 : i32
        %convert_element_type3A_372 = arith.extui %lt3A_371 : i1 to i32
        %cond3A_373 = arith.constant 0 : i32
        %cond3A_374 = arith.cmpi ne, %convert_element_type3A_372, %cond3A_373 : i32
        scf.if %cond3A_374 {
          %ge3A = arith.constant 10 : i32
          %ge3A_429 = arith.cmpi sge, %add3A_369, %ge3A : i32
          %convert_element_type3A_430 = arith.extui %ge3A_429 : i1 to i32
          %cond3A_431 = arith.constant 0 : i32
          %cond3A_432 = arith.cmpi ne, %convert_element_type3A_430, %cond3A_431 : i32
          scf.if %cond3A_432 {
            %sub3A = arith.constant 10 : i32
            %sub3A_439 = arith.subi %add3A_369, %sub3A : i32
            %dma_wait3A_440 = arith.constant 0 : i32
            %dma_wait3A_441 = tpu.memref_slice %run_scoped3A_1[%sub3A_439, %dma_wait3A_440] : memref<80x128xi32, #tpu.memory_space<vmem>> -> memref<1x128xi32, #tpu.memory_space<vmem>>
            %dma_wait3A_442 = tpu.memref_squeeze %dma_wait3A_441 : memref<1x128xi32, #tpu.memory_space<vmem>> -> memref<128xi32, #tpu.memory_space<vmem>>
            %dma_wait3A_443 = arith.constant 0 : i32
            %dma_wait3A_444 = arith.constant 0 : i32
            %dma_wait3A_445 = tpu.memref_slice %arg6[%dma_wait3A_443, %dma_wait3A_444] : memref<10064x16xf32, #tpu.memory_space<vmem_shared>> -> memref<10064x16xf32, #tpu.memory_space<vmem_shared>>
            tpu.wait_indirect_dma semaphore(%run_scoped3A_29 : memref<!tpu.dma_semaphore, #tpu.memory_space<semaphore_mem>>) src(%run_scoped3A_9 : memref<128x16xf32, #tpu.memory_space<vmem>>) dst(%dma_wait3A_445 : memref<10064x16xf32, #tpu.memory_space<vmem_shared>>)
          } else {
          }
          %dma_start3A_433 = arith.constant 0 : i32
          %dma_start3A_434 = tpu.memref_slice %run_scoped3A[%add3A_369, %dma_start3A_433] : memref<80x128xi32, #tpu.memory_space<vmem>> -> memref<1x128xi32, #tpu.memory_space<vmem>>
          %dma_start3A_435 = tpu.memref_squeeze %dma_start3A_434 : memref<1x128xi32, #tpu.memory_space<vmem>> -> memref<128xi32, #tpu.memory_space<vmem>>
          %dma_start3A_436 = arith.constant 0 : i32
          %dma_start3A_437 = arith.constant 0 : i32
          %dma_start3A_438 = tpu.memref_slice %arg2[%dma_start3A_436, %dma_start3A_437] : memref<10000x16xf32, #tpu.memory_space<hbm>> -> memref<10000x16xf32, #tpu.memory_space<hbm>>
          tpu.enqueue_indirect_dma source(%dma_start3A_438 : memref<10000x16xf32, #tpu.memory_space<hbm>>) target(%run_scoped3A_9 : memref<128x16xf32, #tpu.memory_space<vmem>>) offsets(%dma_start3A_435 : memref<128xi32, #tpu.memory_space<vmem>>) semaphore(%run_scoped3A_19 : memref<!tpu.dma_semaphore, #tpu.memory_space<semaphore_mem>>)
        } else {
        }
        %dma_wait3A_375 = arith.constant 0 : i32
        %dma_wait3A_376 = tpu.memref_slice %run_scoped3A[%add3A_367, %dma_wait3A_375] : memref<80x128xi32, #tpu.memory_space<vmem>> -> memref<1x128xi32, #tpu.memory_space<vmem>>
        %dma_wait3A_377 = tpu.memref_squeeze %dma_wait3A_376 : memref<1x128xi32, #tpu.memory_space<vmem>> -> memref<128xi32, #tpu.memory_space<vmem>>
        %dma_wait3A_378 = arith.constant 0 : i32
        %dma_wait3A_379 = arith.constant 0 : i32
        %dma_wait3A_380 = tpu.memref_slice %arg2[%dma_wait3A_378, %dma_wait3A_379] : memref<10000x16xf32, #tpu.memory_space<hbm>> -> memref<10000x16xf32, #tpu.memory_space<hbm>>
        tpu.wait_indirect_dma semaphore(%run_scoped3A_20 : memref<!tpu.dma_semaphore, #tpu.memory_space<semaphore_mem>>) src(%dma_wait3A_380 : memref<10000x16xf32, #tpu.memory_space<hbm>>) dst(%run_scoped3A_10 : memref<128x16xf32, #tpu.memory_space<vmem>>)
        %dma_start3A_381 = arith.constant 0 : i32
        %dma_start3A_382 = tpu.memref_slice %run_scoped3A_1[%add3A_367, %dma_start3A_381] : memref<80x128xi32, #tpu.memory_space<vmem>> -> memref<1x128xi32, #tpu.memory_space<vmem>>
        %dma_start3A_383 = tpu.memref_squeeze %dma_start3A_382 : memref<1x128xi32, #tpu.memory_space<vmem>> -> memref<128xi32, #tpu.memory_space<vmem>>
        %dma_start3A_384 = arith.constant 0 : i32
        %dma_start3A_385 = arith.constant 0 : i32
        %dma_start3A_386 = tpu.memref_slice %arg6[%dma_start3A_384, %dma_start3A_385] : memref<10064x16xf32, #tpu.memory_space<vmem_shared>> -> memref<10064x16xf32, #tpu.memory_space<vmem_shared>>
        tpu.enqueue_indirect_dma source(%run_scoped3A_10 : memref<128x16xf32, #tpu.memory_space<vmem>>) target(%dma_start3A_386 : memref<10064x16xf32, #tpu.memory_space<vmem_shared>>) offsets(%dma_start3A_383 : memref<128xi32, #tpu.memory_space<vmem>>) semaphore(%run_scoped3A_30 : memref<!tpu.dma_semaphore, #tpu.memory_space<semaphore_mem>>) {add = true}
        %add3A_387 = arith.constant 8 : i32
        %add3A_388 = arith.addi %mul3A_219, %add3A_387 : i32
        %add3A_389 = arith.constant 9 : i32
        %add3A_390 = arith.addi %add3A_388, %add3A_389 : i32
        %lt3A_391 = arith.constant 80 : i32
        %lt3A_392 = arith.cmpi slt, %add3A_390, %lt3A_391 : i32
        %convert_element_type3A_393 = arith.extui %lt3A_392 : i1 to i32
        %cond3A_394 = arith.constant 0 : i32
        %cond3A_395 = arith.cmpi ne, %convert_element_type3A_393, %cond3A_394 : i32
        scf.if %cond3A_395 {
          %ge3A = arith.constant 10 : i32
          %ge3A_429 = arith.cmpi sge, %add3A_390, %ge3A : i32
          %convert_element_type3A_430 = arith.extui %ge3A_429 : i1 to i32
          %cond3A_431 = arith.constant 0 : i32
          %cond3A_432 = arith.cmpi ne, %convert_element_type3A_430, %cond3A_431 : i32
          scf.if %cond3A_432 {
            %sub3A = arith.constant 10 : i32
            %sub3A_439 = arith.subi %add3A_390, %sub3A : i32
            %dma_wait3A_440 = arith.constant 0 : i32
            %dma_wait3A_441 = tpu.memref_slice %run_scoped3A_1[%sub3A_439, %dma_wait3A_440] : memref<80x128xi32, #tpu.memory_space<vmem>> -> memref<1x128xi32, #tpu.memory_space<vmem>>
            %dma_wait3A_442 = tpu.memref_squeeze %dma_wait3A_441 : memref<1x128xi32, #tpu.memory_space<vmem>> -> memref<128xi32, #tpu.memory_space<vmem>>
            %dma_wait3A_443 = arith.constant 0 : i32
            %dma_wait3A_444 = arith.constant 0 : i32
            %dma_wait3A_445 = tpu.memref_slice %arg6[%dma_wait3A_443, %dma_wait3A_444] : memref<10064x16xf32, #tpu.memory_space<vmem_shared>> -> memref<10064x16xf32, #tpu.memory_space<vmem_shared>>
            tpu.wait_indirect_dma semaphore(%run_scoped3A_30 : memref<!tpu.dma_semaphore, #tpu.memory_space<semaphore_mem>>) src(%run_scoped3A_10 : memref<128x16xf32, #tpu.memory_space<vmem>>) dst(%dma_wait3A_445 : memref<10064x16xf32, #tpu.memory_space<vmem_shared>>)
          } else {
          }
          %dma_start3A_433 = arith.constant 0 : i32
          %dma_start3A_434 = tpu.memref_slice %run_scoped3A[%add3A_390, %dma_start3A_433] : memref<80x128xi32, #tpu.memory_space<vmem>> -> memref<1x128xi32, #tpu.memory_space<vmem>>
          %dma_start3A_435 = tpu.memref_squeeze %dma_start3A_434 : memref<1x128xi32, #tpu.memory_space<vmem>> -> memref<128xi32, #tpu.memory_space<vmem>>
          %dma_start3A_436 = arith.constant 0 : i32
          %dma_start3A_437 = arith.constant 0 : i32
          %dma_start3A_438 = tpu.memref_slice %arg2[%dma_start3A_436, %dma_start3A_437] : memref<10000x16xf32, #tpu.memory_space<hbm>> -> memref<10000x16xf32, #tpu.memory_space<hbm>>
          tpu.enqueue_indirect_dma source(%dma_start3A_438 : memref<10000x16xf32, #tpu.memory_space<hbm>>) target(%run_scoped3A_10 : memref<128x16xf32, #tpu.memory_space<vmem>>) offsets(%dma_start3A_435 : memref<128xi32, #tpu.memory_space<vmem>>) semaphore(%run_scoped3A_20 : memref<!tpu.dma_semaphore, #tpu.memory_space<semaphore_mem>>)
        } else {
        }
        %dma_wait3A_396 = arith.constant 0 : i32
        %dma_wait3A_397 = tpu.memref_slice %run_scoped3A[%add3A_388, %dma_wait3A_396] : memref<80x128xi32, #tpu.memory_space<vmem>> -> memref<1x128xi32, #tpu.memory_space<vmem>>
        %dma_wait3A_398 = tpu.memref_squeeze %dma_wait3A_397 : memref<1x128xi32, #tpu.memory_space<vmem>> -> memref<128xi32, #tpu.memory_space<vmem>>
        %dma_wait3A_399 = arith.constant 0 : i32
        %dma_wait3A_400 = arith.constant 0 : i32
        %dma_wait3A_401 = tpu.memref_slice %arg2[%dma_wait3A_399, %dma_wait3A_400] : memref<10000x16xf32, #tpu.memory_space<hbm>> -> memref<10000x16xf32, #tpu.memory_space<hbm>>
        tpu.wait_indirect_dma semaphore(%run_scoped3A_21 : memref<!tpu.dma_semaphore, #tpu.memory_space<semaphore_mem>>) src(%dma_wait3A_401 : memref<10000x16xf32, #tpu.memory_space<hbm>>) dst(%run_scoped3A_11 : memref<128x16xf32, #tpu.memory_space<vmem>>)
        %dma_start3A_402 = arith.constant 0 : i32
        %dma_start3A_403 = tpu.memref_slice %run_scoped3A_1[%add3A_388, %dma_start3A_402] : memref<80x128xi32, #tpu.memory_space<vmem>> -> memref<1x128xi32, #tpu.memory_space<vmem>>
        %dma_start3A_404 = tpu.memref_squeeze %dma_start3A_403 : memref<1x128xi32, #tpu.memory_space<vmem>> -> memref<128xi32, #tpu.memory_space<vmem>>
        %dma_start3A_405 = arith.constant 0 : i32
        %dma_start3A_406 = arith.constant 0 : i32
        %dma_start3A_407 = tpu.memref_slice %arg6[%dma_start3A_405, %dma_start3A_406] : memref<10064x16xf32, #tpu.memory_space<vmem_shared>> -> memref<10064x16xf32, #tpu.memory_space<vmem_shared>>
        tpu.enqueue_indirect_dma source(%run_scoped3A_11 : memref<128x16xf32, #tpu.memory_space<vmem>>) target(%dma_start3A_407 : memref<10064x16xf32, #tpu.memory_space<vmem_shared>>) offsets(%dma_start3A_404 : memref<128xi32, #tpu.memory_space<vmem>>) semaphore(%run_scoped3A_31 : memref<!tpu.dma_semaphore, #tpu.memory_space<semaphore_mem>>) {add = true}
        %add3A_408 = arith.constant 9 : i32
        %add3A_409 = arith.addi %mul3A_219, %add3A_408 : i32
        %add3A_410 = arith.constant 9 : i32
        %add3A_411 = arith.addi %add3A_409, %add3A_410 : i32
        %lt3A_412 = arith.constant 80 : i32
        %lt3A_413 = arith.cmpi slt, %add3A_411, %lt3A_412 : i32
        %convert_element_type3A_414 = arith.extui %lt3A_413 : i1 to i32
        %cond3A_415 = arith.constant 0 : i32
        %cond3A_416 = arith.cmpi ne, %convert_element_type3A_414, %cond3A_415 : i32
        scf.if %cond3A_416 {
          %ge3A = arith.constant 10 : i32
          %ge3A_429 = arith.cmpi sge, %add3A_411, %ge3A : i32
          %convert_element_type3A_430 = arith.extui %ge3A_429 : i1 to i32
          %cond3A_431 = arith.constant 0 : i32
          %cond3A_432 = arith.cmpi ne, %convert_element_type3A_430, %cond3A_431 : i32
          scf.if %cond3A_432 {
            %sub3A = arith.constant 10 : i32
            %sub3A_439 = arith.subi %add3A_411, %sub3A : i32
            %dma_wait3A_440 = arith.constant 0 : i32
            %dma_wait3A_441 = tpu.memref_slice %run_scoped3A_1[%sub3A_439, %dma_wait3A_440] : memref<80x128xi32, #tpu.memory_space<vmem>> -> memref<1x128xi32, #tpu.memory_space<vmem>>
            %dma_wait3A_442 = tpu.memref_squeeze %dma_wait3A_441 : memref<1x128xi32, #tpu.memory_space<vmem>> -> memref<128xi32, #tpu.memory_space<vmem>>
            %dma_wait3A_443 = arith.constant 0 : i32
            %dma_wait3A_444 = arith.constant 0 : i32
            %dma_wait3A_445 = tpu.memref_slice %arg6[%dma_wait3A_443, %dma_wait3A_444] : memref<10064x16xf32, #tpu.memory_space<vmem_shared>> -> memref<10064x16xf32, #tpu.memory_space<vmem_shared>>
            tpu.wait_indirect_dma semaphore(%run_scoped3A_31 : memref<!tpu.dma_semaphore, #tpu.memory_space<semaphore_mem>>) src(%run_scoped3A_11 : memref<128x16xf32, #tpu.memory_space<vmem>>) dst(%dma_wait3A_445 : memref<10064x16xf32, #tpu.memory_space<vmem_shared>>)
          } else {
          }
          %dma_start3A_433 = arith.constant 0 : i32
          %dma_start3A_434 = tpu.memref_slice %run_scoped3A[%add3A_411, %dma_start3A_433] : memref<80x128xi32, #tpu.memory_space<vmem>> -> memref<1x128xi32, #tpu.memory_space<vmem>>
          %dma_start3A_435 = tpu.memref_squeeze %dma_start3A_434 : memref<1x128xi32, #tpu.memory_space<vmem>> -> memref<128xi32, #tpu.memory_space<vmem>>
          %dma_start3A_436 = arith.constant 0 : i32
          %dma_start3A_437 = arith.constant 0 : i32
          %dma_start3A_438 = tpu.memref_slice %arg2[%dma_start3A_436, %dma_start3A_437] : memref<10000x16xf32, #tpu.memory_space<hbm>> -> memref<10000x16xf32, #tpu.memory_space<hbm>>
          tpu.enqueue_indirect_dma source(%dma_start3A_438 : memref<10000x16xf32, #tpu.memory_space<hbm>>) target(%run_scoped3A_11 : memref<128x16xf32, #tpu.memory_space<vmem>>) offsets(%dma_start3A_435 : memref<128xi32, #tpu.memory_space<vmem>>) semaphore(%run_scoped3A_21 : memref<!tpu.dma_semaphore, #tpu.memory_space<semaphore_mem>>)
        } else {
        }
        %dma_wait3A_417 = arith.constant 0 : i32
        %dma_wait3A_418 = tpu.memref_slice %run_scoped3A[%add3A_409, %dma_wait3A_417] : memref<80x128xi32, #tpu.memory_space<vmem>> -> memref<1x128xi32, #tpu.memory_space<vmem>>
        %dma_wait3A_419 = tpu.memref_squeeze %dma_wait3A_418 : memref<1x128xi32, #tpu.memory_space<vmem>> -> memref<128xi32, #tpu.memory_space<vmem>>
        %dma_wait3A_420 = arith.constant 0 : i32
        %dma_wait3A_421 = arith.constant 0 : i32
        %dma_wait3A_422 = tpu.memref_slice %arg2[%dma_wait3A_420, %dma_wait3A_421] : memref<10000x16xf32, #tpu.memory_space<hbm>> -> memref<10000x16xf32, #tpu.memory_space<hbm>>
        tpu.wait_indirect_dma semaphore(%run_scoped3A_22 : memref<!tpu.dma_semaphore, #tpu.memory_space<semaphore_mem>>) src(%dma_wait3A_422 : memref<10000x16xf32, #tpu.memory_space<hbm>>) dst(%run_scoped3A_12 : memref<128x16xf32, #tpu.memory_space<vmem>>)
        %dma_start3A_423 = arith.constant 0 : i32
        %dma_start3A_424 = tpu.memref_slice %run_scoped3A_1[%add3A_409, %dma_start3A_423] : memref<80x128xi32, #tpu.memory_space<vmem>> -> memref<1x128xi32, #tpu.memory_space<vmem>>
        %dma_start3A_425 = tpu.memref_squeeze %dma_start3A_424 : memref<1x128xi32, #tpu.memory_space<vmem>> -> memref<128xi32, #tpu.memory_space<vmem>>
        %dma_start3A_426 = arith.constant 0 : i32
        %dma_start3A_427 = arith.constant 0 : i32
        %dma_start3A_428 = tpu.memref_slice %arg6[%dma_start3A_426, %dma_start3A_427] : memref<10064x16xf32, #tpu.memory_space<vmem_shared>> -> memref<10064x16xf32, #tpu.memory_space<vmem_shared>>
        tpu.enqueue_indirect_dma source(%run_scoped3A_12 : memref<128x16xf32, #tpu.memory_space<vmem>>) target(%dma_start3A_428 : memref<10064x16xf32, #tpu.memory_space<vmem_shared>>) offsets(%dma_start3A_425 : memref<128xi32, #tpu.memory_space<vmem>>) semaphore(%run_scoped3A_32 : memref<!tpu.dma_semaphore, #tpu.memory_space<semaphore_mem>>) {add = true}
      }
      %scan3A_136 = arith.constant 8 : i32
      %dma_wait3A_137 = arith.constant 70 : i32
      %dma_wait3A_138 = arith.constant 0 : i32
      %dma_wait3A_139 = tpu.memref_slice %run_scoped3A_1[%dma_wait3A_137, %dma_wait3A_138] : memref<80x128xi32, #tpu.memory_space<vmem>> -> memref<1x128xi32, #tpu.memory_space<vmem>>
      %dma_wait3A_140 = tpu.memref_squeeze %dma_wait3A_139 : memref<1x128xi32, #tpu.memory_space<vmem>> -> memref<128xi32, #tpu.memory_space<vmem>>
      %dma_wait3A_141 = arith.constant 0 : i32
      %dma_wait3A_142 = arith.constant 0 : i32
      %dma_wait3A_143 = tpu.memref_slice %arg6[%dma_wait3A_141, %dma_wait3A_142] : memref<10064x16xf32, #tpu.memory_space<vmem_shared>> -> memref<10064x16xf32, #tpu.memory_space<vmem_shared>>
      tpu.wait_indirect_dma semaphore(%run_scoped3A_23 : memref<!tpu.dma_semaphore, #tpu.memory_space<semaphore_mem>>) src(%run_scoped3A_3 : memref<128x16xf32, #tpu.memory_space<vmem>>) dst(%dma_wait3A_143 : memref<10064x16xf32, #tpu.memory_space<vmem_shared>>)
      %dma_wait3A_144 = arith.constant 71 : i32
      %dma_wait3A_145 = arith.constant 0 : i32
      %dma_wait3A_146 = tpu.memref_slice %run_scoped3A_1[%dma_wait3A_144, %dma_wait3A_145] : memref<80x128xi32, #tpu.memory_space<vmem>> -> memref<1x128xi32, #tpu.memory_space<vmem>>
      %dma_wait3A_147 = tpu.memref_squeeze %dma_wait3A_146 : memref<1x128xi32, #tpu.memory_space<vmem>> -> memref<128xi32, #tpu.memory_space<vmem>>
      %dma_wait3A_148 = arith.constant 0 : i32
      %dma_wait3A_149 = arith.constant 0 : i32
      %dma_wait3A_150 = tpu.memref_slice %arg6[%dma_wait3A_148, %dma_wait3A_149] : memref<10064x16xf32, #tpu.memory_space<vmem_shared>> -> memref<10064x16xf32, #tpu.memory_space<vmem_shared>>
      tpu.wait_indirect_dma semaphore(%run_scoped3A_24 : memref<!tpu.dma_semaphore, #tpu.memory_space<semaphore_mem>>) src(%run_scoped3A_4 : memref<128x16xf32, #tpu.memory_space<vmem>>) dst(%dma_wait3A_150 : memref<10064x16xf32, #tpu.memory_space<vmem_shared>>)
      %dma_wait3A_151 = arith.constant 72 : i32
      %dma_wait3A_152 = arith.constant 0 : i32
      %dma_wait3A_153 = tpu.memref_slice %run_scoped3A_1[%dma_wait3A_151, %dma_wait3A_152] : memref<80x128xi32, #tpu.memory_space<vmem>> -> memref<1x128xi32, #tpu.memory_space<vmem>>
      %dma_wait3A_154 = tpu.memref_squeeze %dma_wait3A_153 : memref<1x128xi32, #tpu.memory_space<vmem>> -> memref<128xi32, #tpu.memory_space<vmem>>
      %dma_wait3A_155 = arith.constant 0 : i32
      %dma_wait3A_156 = arith.constant 0 : i32
      %dma_wait3A_157 = tpu.memref_slice %arg6[%dma_wait3A_155, %dma_wait3A_156] : memref<10064x16xf32, #tpu.memory_space<vmem_shared>> -> memref<10064x16xf32, #tpu.memory_space<vmem_shared>>
      tpu.wait_indirect_dma semaphore(%run_scoped3A_25 : memref<!tpu.dma_semaphore, #tpu.memory_space<semaphore_mem>>) src(%run_scoped3A_5 : memref<128x16xf32, #tpu.memory_space<vmem>>) dst(%dma_wait3A_157 : memref<10064x16xf32, #tpu.memory_space<vmem_shared>>)
      %dma_wait3A_158 = arith.constant 73 : i32
      %dma_wait3A_159 = arith.constant 0 : i32
      %dma_wait3A_160 = tpu.memref_slice %run_scoped3A_1[%dma_wait3A_158, %dma_wait3A_159] : memref<80x128xi32, #tpu.memory_space<vmem>> -> memref<1x128xi32, #tpu.memory_space<vmem>>
      %dma_wait3A_161 = tpu.memref_squeeze %dma_wait3A_160 : memref<1x128xi32, #tpu.memory_space<vmem>> -> memref<128xi32, #tpu.memory_space<vmem>>
      %dma_wait3A_162 = arith.constant 0 : i32
      %dma_wait3A_163 = arith.constant 0 : i32
      %dma_wait3A_164 = tpu.memref_slice %arg6[%dma_wait3A_162, %dma_wait3A_163] : memref<10064x16xf32, #tpu.memory_space<vmem_shared>> -> memref<10064x16xf32, #tpu.memory_space<vmem_shared>>
      tpu.wait_indirect_dma semaphore(%run_scoped3A_26 : memref<!tpu.dma_semaphore, #tpu.memory_space<semaphore_mem>>) src(%run_scoped3A_6 : memref<128x16xf32, #tpu.memory_space<vmem>>) dst(%dma_wait3A_164 : memref<10064x16xf32, #tpu.memory_space<vmem_shared>>)
      %dma_wait3A_165 = arith.constant 74 : i32
      %dma_wait3A_166 = arith.constant 0 : i32
      %dma_wait3A_167 = tpu.memref_slice %run_scoped3A_1[%dma_wait3A_165, %dma_wait3A_166] : memref<80x128xi32, #tpu.memory_space<vmem>> -> memref<1x128xi32, #tpu.memory_space<vmem>>
      %dma_wait3A_168 = tpu.memref_squeeze %dma_wait3A_167 : memref<1x128xi32, #tpu.memory_space<vmem>> -> memref<128xi32, #tpu.memory_space<vmem>>
      %dma_wait3A_169 = arith.constant 0 : i32
      %dma_wait3A_170 = arith.constant 0 : i32
      %dma_wait3A_171 = tpu.memref_slice %arg6[%dma_wait3A_169, %dma_wait3A_170] : memref<10064x16xf32, #tpu.memory_space<vmem_shared>> -> memref<10064x16xf32, #tpu.memory_space<vmem_shared>>
      tpu.wait_indirect_dma semaphore(%run_scoped3A_27 : memref<!tpu.dma_semaphore, #tpu.memory_space<semaphore_mem>>) src(%run_scoped3A_7 : memref<128x16xf32, #tpu.memory_space<vmem>>) dst(%dma_wait3A_171 : memref<10064x16xf32, #tpu.memory_space<vmem_shared>>)
      %dma_wait3A_172 = arith.constant 75 : i32
      %dma_wait3A_173 = arith.constant 0 : i32
      %dma_wait3A_174 = tpu.memref_slice %run_scoped3A_1[%dma_wait3A_172, %dma_wait3A_173] : memref<80x128xi32, #tpu.memory_space<vmem>> -> memref<1x128xi32, #tpu.memory_space<vmem>>
      %dma_wait3A_175 = tpu.memref_squeeze %dma_wait3A_174 : memref<1x128xi32, #tpu.memory_space<vmem>> -> memref<128xi32, #tpu.memory_space<vmem>>
      %dma_wait3A_176 = arith.constant 0 : i32
      %dma_wait3A_177 = arith.constant 0 : i32
      %dma_wait3A_178 = tpu.memref_slice %arg6[%dma_wait3A_176, %dma_wait3A_177] : memref<10064x16xf32, #tpu.memory_space<vmem_shared>> -> memref<10064x16xf32, #tpu.memory_space<vmem_shared>>
      tpu.wait_indirect_dma semaphore(%run_scoped3A_28 : memref<!tpu.dma_semaphore, #tpu.memory_space<semaphore_mem>>) src(%run_scoped3A_8 : memref<128x16xf32, #tpu.memory_space<vmem>>) dst(%dma_wait3A_178 : memref<10064x16xf32, #tpu.memory_space<vmem_shared>>)
      %dma_wait3A_179 = arith.constant 76 : i32
      %dma_wait3A_180 = arith.constant 0 : i32
      %dma_wait3A_181 = tpu.memref_slice %run_scoped3A_1[%dma_wait3A_179, %dma_wait3A_180] : memref<80x128xi32, #tpu.memory_space<vmem>> -> memref<1x128xi32, #tpu.memory_space<vmem>>
      %dma_wait3A_182 = tpu.memref_squeeze %dma_wait3A_181 : memref<1x128xi32, #tpu.memory_space<vmem>> -> memref<128xi32, #tpu.memory_space<vmem>>
      %dma_wait3A_183 = arith.constant 0 : i32
      %dma_wait3A_184 = arith.constant 0 : i32
      %dma_wait3A_185 = tpu.memref_slice %arg6[%dma_wait3A_183, %dma_wait3A_184] : memref<10064x16xf32, #tpu.memory_space<vmem_shared>> -> memref<10064x16xf32, #tpu.memory_space<vmem_shared>>
      tpu.wait_indirect_dma semaphore(%run_scoped3A_29 : memref<!tpu.dma_semaphore, #tpu.memory_space<semaphore_mem>>) src(%run_scoped3A_9 : memref<128x16xf32, #tpu.memory_space<vmem>>) dst(%dma_wait3A_185 : memref<10064x16xf32, #tpu.memory_space<vmem_shared>>)
      %dma_wait3A_186 = arith.constant 77 : i32
      %dma_wait3A_187 = arith.constant 0 : i32
      %dma_wait3A_188 = tpu.memref_slice %run_scoped3A_1[%dma_wait3A_186, %dma_wait3A_187] : memref<80x128xi32, #tpu.memory_space<vmem>> -> memref<1x128xi32, #tpu.memory_space<vmem>>
      %dma_wait3A_189 = tpu.memref_squeeze %dma_wait3A_188 : memref<1x128xi32, #tpu.memory_space<vmem>> -> memref<128xi32, #tpu.memory_space<vmem>>
      %dma_wait3A_190 = arith.constant 0 : i32
      %dma_wait3A_191 = arith.constant 0 : i32
      %dma_wait3A_192 = tpu.memref_slice %arg6[%dma_wait3A_190, %dma_wait3A_191] : memref<10064x16xf32, #tpu.memory_space<vmem_shared>> -> memref<10064x16xf32, #tpu.memory_space<vmem_shared>>
      tpu.wait_indirect_dma semaphore(%run_scoped3A_30 : memref<!tpu.dma_semaphore, #tpu.memory_space<semaphore_mem>>) src(%run_scoped3A_10 : memref<128x16xf32, #tpu.memory_space<vmem>>) dst(%dma_wait3A_192 : memref<10064x16xf32, #tpu.memory_space<vmem_shared>>)
      %dma_wait3A_193 = arith.constant 78 : i32
      %dma_wait3A_194 = arith.constant 0 : i32
      %dma_wait3A_195 = tpu.memref_slice %run_scoped3A_1[%dma_wait3A_193, %dma_wait3A_194] : memref<80x128xi32, #tpu.memory_space<vmem>> -> memref<1x128xi32, #tpu.memory_space<vmem>>
      %dma_wait3A_196 = tpu.memref_squeeze %dma_wait3A_195 : memref<1x128xi32, #tpu.memory_space<vmem>> -> memref<128xi32, #tpu.memory_space<vmem>>
      %dma_wait3A_197 = arith.constant 0 : i32
      %dma_wait3A_198 = arith.constant 0 : i32
      %dma_wait3A_199 = tpu.memref_slice %arg6[%dma_wait3A_197, %dma_wait3A_198] : memref<10064x16xf32, #tpu.memory_space<vmem_shared>> -> memref<10064x16xf32, #tpu.memory_space<vmem_shared>>
      tpu.wait_indirect_dma semaphore(%run_scoped3A_31 : memref<!tpu.dma_semaphore, #tpu.memory_space<semaphore_mem>>) src(%run_scoped3A_11 : memref<128x16xf32, #tpu.memory_space<vmem>>) dst(%dma_wait3A_199 : memref<10064x16xf32, #tpu.memory_space<vmem_shared>>)
      %dma_wait3A_200 = arith.constant 79 : i32
      %dma_wait3A_201 = arith.constant 0 : i32
      %dma_wait3A_202 = tpu.memref_slice %run_scoped3A_1[%dma_wait3A_200, %dma_wait3A_201] : memref<80x128xi32, #tpu.memory_space<vmem>> -> memref<1x128xi32, #tpu.memory_space<vmem>>
      %dma_wait3A_203 = tpu.memref_squeeze %dma_wait3A_202 : memref<1x128xi32, #tpu.memory_space<vmem>> -> memref<128xi32, #tpu.memory_space<vmem>>
      %dma_wait3A_204 = arith.constant 0 : i32
      %dma_wait3A_205 = arith.constant 0 : i32
      %dma_wait3A_206 = tpu.memref_slice %arg6[%dma_wait3A_204, %dma_wait3A_205] : memref<10064x16xf32, #tpu.memory_space<vmem_shared>> -> memref<10064x16xf32, #tpu.memory_space<vmem_shared>>
      tpu.wait_indirect_dma semaphore(%run_scoped3A_32 : memref<!tpu.dma_semaphore, #tpu.memory_space<semaphore_mem>>) src(%run_scoped3A_12 : memref<128x16xf32, #tpu.memory_space<vmem>>) dst(%dma_wait3A_206 : memref<10064x16xf32, #tpu.memory_space<vmem_shared>>)
      %barrier3A_207 = arith.constant 0 : index
      tpu.barrier barrier_id(%barrier3A_207)
      %mul3A_208 = arith.constant 624 : i32
      %mul3A_209 = arith.muli %arg1, %mul3A_208 : i32
      %mul3A_210 = arith.constant 624 : i32
      %mul3A_211 = arith.muli %arg1, %mul3A_210 : i32
      "tpu.region"() ({
        %run_scoped3A_217 = tpu.sem_alloc : memref<!tpu.dma_semaphore, #tpu.memory_space<semaphore_mem>>
        %dma_start3A_218 = arith.constant 0 : i32
        %dma_start3A_219 = tpu.memref_slice %arg5[%arg0, %mul3A_211, %dma_start3A_218] : memref<2x10000x16xf32, #tpu.memory_space<hbm>> -> memref<1x624x16xf32, #tpu.memory_space<hbm>>
        %dma_start3A_220 = tpu.memref_squeeze %dma_start3A_219 : memref<1x624x16xf32, #tpu.memory_space<hbm>> -> memref<624x16xf32, #tpu.memory_space<hbm>>
        %dma_start3A_221 = arith.constant 0 : i32
        %dma_start3A_222 = tpu.memref_slice %arg6[%mul3A_209, %dma_start3A_221] : memref<10064x16xf32, #tpu.memory_space<vmem_shared>> -> memref<624x16xf32, #tpu.memory_space<vmem_shared>>
        tpu.enqueue_dma source(%dma_start3A_222 : memref<624x16xf32, #tpu.memory_space<vmem_shared>>) target(%dma_start3A_220 : memref<624x16xf32, #tpu.memory_space<hbm>>) target_semaphore(%run_scoped3A_217 : memref<!tpu.dma_semaphore, #tpu.memory_space<semaphore_mem>>)
        %dma_wait3A_223 = arith.constant 0 : i32
        %dma_wait3A_224 = tpu.memref_slice %arg5[%arg0, %mul3A_211, %dma_wait3A_223] : memref<2x10000x16xf32, #tpu.memory_space<hbm>> -> memref<1x624x16xf32, #tpu.memory_space<hbm>>
        %dma_wait3A_225 = tpu.memref_squeeze %dma_wait3A_224 : memref<1x624x16xf32, #tpu.memory_space<hbm>> -> memref<624x16xf32, #tpu.memory_space<hbm>>
        %dma_wait3A_226 = arith.constant 0 : i32
        %dma_wait3A_227 = tpu.memref_slice %arg6[%mul3A_209, %dma_wait3A_226] : memref<10064x16xf32, #tpu.memory_space<vmem_shared>> -> memref<624x16xf32, #tpu.memory_space<vmem_shared>>
        tpu.wait_dma2 semaphore(%run_scoped3A_217 : memref<!tpu.dma_semaphore, #tpu.memory_space<semaphore_mem>>) src(%dma_wait3A_227 : memref<624x16xf32, #tpu.memory_space<vmem_shared>>) dst(%dma_wait3A_225 : memref<624x16xf32, #tpu.memory_space<hbm>>)
        tpu.yield
      }) : () -> ()
      %eq3A_212 = arith.constant 0 : i32
      %eq3A_213 = arith.cmpi eq, %arg1, %eq3A_212 : i32
      %convert_element_type3A_214 = arith.extui %eq3A_213 : i1 to i32
      %cond3A_215 = arith.constant 0 : i32
      %cond3A_216 = arith.cmpi ne, %convert_element_type3A_214, %cond3A_215 : i32
      scf.if %cond3A_216 {
        "tpu.region"() ({
          %run_scoped3A_217 = tpu.sem_alloc : memref<!tpu.dma_semaphore, #tpu.memory_space<semaphore_mem>>
          %dma_start3A_218 = arith.constant 9984 : i32
          %dma_start3A_219 = arith.constant 0 : i32
          %dma_start3A_220 = tpu.memref_slice %arg5[%arg0, %dma_start3A_218, %dma_start3A_219] : memref<2x10000x16xf32, #tpu.memory_space<hbm>> -> memref<1x16x16xf32, #tpu.memory_space<hbm>>
          %dma_start3A_221 = tpu.memref_squeeze %dma_start3A_220 : memref<1x16x16xf32, #tpu.memory_space<hbm>> -> memref<16x16xf32, #tpu.memory_space<hbm>>
          %dma_start3A_222 = arith.constant 9984 : i32
          %dma_start3A_223 = arith.constant 0 : i32
          %dma_start3A_224 = tpu.memref_slice %arg6[%dma_start3A_222, %dma_start3A_223] : memref<10064x16xf32, #tpu.memory_space<vmem_shared>> -> memref<16x16xf32, #tpu.memory_space<vmem_shared>>
          tpu.enqueue_dma source(%dma_start3A_224 : memref<16x16xf32, #tpu.memory_space<vmem_shared>>) target(%dma_start3A_221 : memref<16x16xf32, #tpu.memory_space<hbm>>) target_semaphore(%run_scoped3A_217 : memref<!tpu.dma_semaphore, #tpu.memory_space<semaphore_mem>>)
          %dma_wait3A_225 = arith.constant 9984 : i32
          %dma_wait3A_226 = arith.constant 0 : i32
          %dma_wait3A_227 = tpu.memref_slice %arg5[%arg0, %dma_wait3A_225, %dma_wait3A_226] : memref<2x10000x16xf32, #tpu.memory_space<hbm>> -> memref<1x16x16xf32, #tpu.memory_space<hbm>>
          %dma_wait3A_228 = tpu.memref_squeeze %dma_wait3A_227 : memref<1x16x16xf32, #tpu.memory_space<hbm>> -> memref<16x16xf32, #tpu.memory_space<hbm>>
          %dma_wait3A_229 = arith.constant 9984 : i32
          %dma_wait3A_230 = arith.constant 0 : i32
          %dma_wait3A_231 = tpu.memref_slice %arg6[%dma_wait3A_229, %dma_wait3A_230] : memref<10064x16xf32, #tpu.memory_space<vmem_shared>> -> memref<16x16xf32, #tpu.memory_space<vmem_shared>>
          tpu.wait_dma2 semaphore(%run_scoped3A_217 : memref<!tpu.dma_semaphore, #tpu.memory_space<semaphore_mem>>) src(%dma_wait3A_231 : memref<16x16xf32, #tpu.memory_space<vmem_shared>>) dst(%dma_wait3A_228 : memref<16x16xf32, #tpu.memory_space<hbm>>)
          tpu.yield
        }) : () -> ()
      } else {
      }
      tpu.yield
    }) : () -> ()
    return
  }
}

#map = affine_map<(d0, d1) -> (0, 0)>
#map1 = affine_map<(d0, d1) -> (0, 0, 0)>
module attributes {stable_mosaic.version = 14 : i64} {
  func.func @agg(%arg0: i32, %arg1: i32, %arg2: memref<10000x128xf32, #tpu.memory_space<hbm>>, %arg3: memref<32x320x32xi32, #tpu.memory_space<hbm>>, %arg4: memref<32x320x32xi32, #tpu.memory_space<hbm>>, %arg5: memref<2x10000x128xf32, #tpu.memory_space<hbm>>, %arg6: memref<10064x128xf32, #tpu.memory_space<vmem_shared>>) attributes {dimension_semantics = [#tpu.dimension_semantics<core_parallel>, #tpu.dimension_semantics<subcore_parallel>], iteration_bounds = array<i64: 2, 16>, scalar_prefetch = 0 : i64, scratch_operands = 1 : i64, tpu.core_type = #tpu.core_type<sc_vector_subcore>, window_params = [{transform_indices = #map}, {transform_indices = #map1}, {transform_indices = #map1}, {transform_indices = #map1}]} {
    %mul3A = arith.constant 2 : i32
    %mul3A_0 = arith.muli %arg1, %mul3A : i32
    %add3A = arith.addi %mul3A_0, %arg0 : i32
    "tpu.region"() ({
      %run_scoped3A = memref.alloca() : memref<320x32xi32, #tpu.memory_space<vmem>>
      %run_scoped3A_1 = memref.alloca() : memref<320x32xi32, #tpu.memory_space<vmem>>
      %run_scoped3A_2 = tpu.sem_alloc : memref<!tpu.dma_semaphore, #tpu.memory_space<semaphore_mem>>
      %run_scoped3A_3 = memref.alloca() : memref<32x128xf32, #tpu.memory_space<vmem>>
      %run_scoped3A_4 = memref.alloca() : memref<32x128xf32, #tpu.memory_space<vmem>>
      %run_scoped3A_5 = memref.alloca() : memref<32x128xf32, #tpu.memory_space<vmem>>
      %run_scoped3A_6 = memref.alloca() : memref<32x128xf32, #tpu.memory_space<vmem>>
      %run_scoped3A_7 = memref.alloca() : memref<32x128xf32, #tpu.memory_space<vmem>>
      %run_scoped3A_8 = tpu.sem_alloc : memref<!tpu.dma_semaphore, #tpu.memory_space<semaphore_mem>>
      %run_scoped3A_9 = tpu.sem_alloc : memref<!tpu.dma_semaphore, #tpu.memory_space<semaphore_mem>>
      %run_scoped3A_10 = tpu.sem_alloc : memref<!tpu.dma_semaphore, #tpu.memory_space<semaphore_mem>>
      %run_scoped3A_11 = tpu.sem_alloc : memref<!tpu.dma_semaphore, #tpu.memory_space<semaphore_mem>>
      %run_scoped3A_12 = tpu.sem_alloc : memref<!tpu.dma_semaphore, #tpu.memory_space<semaphore_mem>>
      %run_scoped3A_13 = tpu.sem_alloc : memref<!tpu.dma_semaphore, #tpu.memory_space<semaphore_mem>>
      %run_scoped3A_14 = tpu.sem_alloc : memref<!tpu.dma_semaphore, #tpu.memory_space<semaphore_mem>>
      %run_scoped3A_15 = tpu.sem_alloc : memref<!tpu.dma_semaphore, #tpu.memory_space<semaphore_mem>>
      %run_scoped3A_16 = tpu.sem_alloc : memref<!tpu.dma_semaphore, #tpu.memory_space<semaphore_mem>>
      %run_scoped3A_17 = tpu.sem_alloc : memref<!tpu.dma_semaphore, #tpu.memory_space<semaphore_mem>>
      %dma_start3A = arith.constant 0 : i32
      %dma_start3A_18 = arith.constant 0 : i32
      %dma_start3A_19 = tpu.memref_slice %arg3[%add3A, %dma_start3A, %dma_start3A_18] : memref<32x320x32xi32, #tpu.memory_space<hbm>> -> memref<1x320x32xi32, #tpu.memory_space<hbm>>
      %dma_start3A_20 = tpu.memref_squeeze %dma_start3A_19 : memref<1x320x32xi32, #tpu.memory_space<hbm>> -> memref<320x32xi32, #tpu.memory_space<hbm>>
      %dma_start3A_21 = arith.constant 0 : i32
      %dma_start3A_22 = arith.constant 0 : i32
      %dma_start3A_23 = tpu.memref_slice %arg3[%add3A, %dma_start3A_21, %dma_start3A_22] : memref<32x320x32xi32, #tpu.memory_space<hbm>> -> memref<1x320x32xi32, #tpu.memory_space<hbm>>
      %dma_start3A_24 = tpu.memref_squeeze %dma_start3A_23 : memref<1x320x32xi32, #tpu.memory_space<hbm>> -> memref<320x32xi32, #tpu.memory_space<hbm>>
      tpu.enqueue_dma source(%dma_start3A_24 : memref<320x32xi32, #tpu.memory_space<hbm>>) target(%run_scoped3A : memref<320x32xi32, #tpu.memory_space<vmem>>) target_semaphore(%run_scoped3A_2 : memref<!tpu.dma_semaphore, #tpu.memory_space<semaphore_mem>>)
      %dma_wait3A = arith.constant 0 : i32
      %dma_wait3A_25 = arith.constant 0 : i32
      %dma_wait3A_26 = tpu.memref_slice %arg3[%add3A, %dma_wait3A, %dma_wait3A_25] : memref<32x320x32xi32, #tpu.memory_space<hbm>> -> memref<1x320x32xi32, #tpu.memory_space<hbm>>
      %dma_wait3A_27 = tpu.memref_squeeze %dma_wait3A_26 : memref<1x320x32xi32, #tpu.memory_space<hbm>> -> memref<320x32xi32, #tpu.memory_space<hbm>>
      %dma_wait3A_28 = arith.constant 0 : i32
      %dma_wait3A_29 = arith.constant 0 : i32
      %dma_wait3A_30 = tpu.memref_slice %arg3[%add3A, %dma_wait3A_28, %dma_wait3A_29] : memref<32x320x32xi32, #tpu.memory_space<hbm>> -> memref<1x320x32xi32, #tpu.memory_space<hbm>>
      %dma_wait3A_31 = tpu.memref_squeeze %dma_wait3A_30 : memref<1x320x32xi32, #tpu.memory_space<hbm>> -> memref<320x32xi32, #tpu.memory_space<hbm>>
      tpu.wait_dma2 semaphore(%run_scoped3A_2 : memref<!tpu.dma_semaphore, #tpu.memory_space<semaphore_mem>>) src(%dma_wait3A_31 : memref<320x32xi32, #tpu.memory_space<hbm>>) dst(%run_scoped3A : memref<320x32xi32, #tpu.memory_space<vmem>>)
      %dma_start3A_32 = arith.constant 0 : i32
      %dma_start3A_33 = arith.constant 0 : i32
      %dma_start3A_34 = tpu.memref_slice %arg4[%add3A, %dma_start3A_32, %dma_start3A_33] : memref<32x320x32xi32, #tpu.memory_space<hbm>> -> memref<1x320x32xi32, #tpu.memory_space<hbm>>
      %dma_start3A_35 = tpu.memref_squeeze %dma_start3A_34 : memref<1x320x32xi32, #tpu.memory_space<hbm>> -> memref<320x32xi32, #tpu.memory_space<hbm>>
      %dma_start3A_36 = arith.constant 0 : i32
      %dma_start3A_37 = arith.constant 0 : i32
      %dma_start3A_38 = tpu.memref_slice %arg4[%add3A, %dma_start3A_36, %dma_start3A_37] : memref<32x320x32xi32, #tpu.memory_space<hbm>> -> memref<1x320x32xi32, #tpu.memory_space<hbm>>
      %dma_start3A_39 = tpu.memref_squeeze %dma_start3A_38 : memref<1x320x32xi32, #tpu.memory_space<hbm>> -> memref<320x32xi32, #tpu.memory_space<hbm>>
      tpu.enqueue_dma source(%dma_start3A_39 : memref<320x32xi32, #tpu.memory_space<hbm>>) target(%run_scoped3A_1 : memref<320x32xi32, #tpu.memory_space<vmem>>) target_semaphore(%run_scoped3A_2 : memref<!tpu.dma_semaphore, #tpu.memory_space<semaphore_mem>>)
      %dma_wait3A_40 = arith.constant 0 : i32
      %dma_wait3A_41 = arith.constant 0 : i32
      %dma_wait3A_42 = tpu.memref_slice %arg4[%add3A, %dma_wait3A_40, %dma_wait3A_41] : memref<32x320x32xi32, #tpu.memory_space<hbm>> -> memref<1x320x32xi32, #tpu.memory_space<hbm>>
      %dma_wait3A_43 = tpu.memref_squeeze %dma_wait3A_42 : memref<1x320x32xi32, #tpu.memory_space<hbm>> -> memref<320x32xi32, #tpu.memory_space<hbm>>
      %dma_wait3A_44 = arith.constant 0 : i32
      %dma_wait3A_45 = arith.constant 0 : i32
      %dma_wait3A_46 = tpu.memref_slice %arg4[%add3A, %dma_wait3A_44, %dma_wait3A_45] : memref<32x320x32xi32, #tpu.memory_space<hbm>> -> memref<1x320x32xi32, #tpu.memory_space<hbm>>
      %dma_wait3A_47 = tpu.memref_squeeze %dma_wait3A_46 : memref<1x320x32xi32, #tpu.memory_space<hbm>> -> memref<320x32xi32, #tpu.memory_space<hbm>>
      tpu.wait_dma2 semaphore(%run_scoped3A_2 : memref<!tpu.dma_semaphore, #tpu.memory_space<semaphore_mem>>) src(%dma_wait3A_47 : memref<320x32xi32, #tpu.memory_space<hbm>>) dst(%run_scoped3A_1 : memref<320x32xi32, #tpu.memory_space<vmem>>)
      %dma_start3A_48 = arith.constant 0 : i32
      %dma_start3A_49 = arith.constant 0 : i32
      %dma_start3A_50 = tpu.memref_slice %run_scoped3A[%dma_start3A_48, %dma_start3A_49] : memref<320x32xi32, #tpu.memory_space<vmem>> -> memref<1x32xi32, #tpu.memory_space<vmem>>
      %dma_start3A_51 = tpu.memref_squeeze %dma_start3A_50 : memref<1x32xi32, #tpu.memory_space<vmem>> -> memref<32xi32, #tpu.memory_space<vmem>>
      %dma_start3A_52 = arith.constant 0 : i32
      %dma_start3A_53 = arith.constant 0 : i32
      %dma_start3A_54 = tpu.memref_slice %arg2[%dma_start3A_52, %dma_start3A_53] : memref<10000x128xf32, #tpu.memory_space<hbm>> -> memref<10000x128xf32, #tpu.memory_space<hbm>>
      tpu.enqueue_indirect_dma source(%dma_start3A_54 : memref<10000x128xf32, #tpu.memory_space<hbm>>) target(%run_scoped3A_3 : memref<32x128xf32, #tpu.memory_space<vmem>>) offsets(%dma_start3A_51 : memref<32xi32, #tpu.memory_space<vmem>>) semaphore(%run_scoped3A_8 : memref<!tpu.dma_semaphore, #tpu.memory_space<semaphore_mem>>)
      %dma_start3A_55 = arith.constant 1 : i32
      %dma_start3A_56 = arith.constant 0 : i32
      %dma_start3A_57 = tpu.memref_slice %run_scoped3A[%dma_start3A_55, %dma_start3A_56] : memref<320x32xi32, #tpu.memory_space<vmem>> -> memref<1x32xi32, #tpu.memory_space<vmem>>
      %dma_start3A_58 = tpu.memref_squeeze %dma_start3A_57 : memref<1x32xi32, #tpu.memory_space<vmem>> -> memref<32xi32, #tpu.memory_space<vmem>>
      %dma_start3A_59 = arith.constant 0 : i32
      %dma_start3A_60 = arith.constant 0 : i32
      %dma_start3A_61 = tpu.memref_slice %arg2[%dma_start3A_59, %dma_start3A_60] : memref<10000x128xf32, #tpu.memory_space<hbm>> -> memref<10000x128xf32, #tpu.memory_space<hbm>>
      tpu.enqueue_indirect_dma source(%dma_start3A_61 : memref<10000x128xf32, #tpu.memory_space<hbm>>) target(%run_scoped3A_4 : memref<32x128xf32, #tpu.memory_space<vmem>>) offsets(%dma_start3A_58 : memref<32xi32, #tpu.memory_space<vmem>>) semaphore(%run_scoped3A_9 : memref<!tpu.dma_semaphore, #tpu.memory_space<semaphore_mem>>)
      %dma_start3A_62 = arith.constant 2 : i32
      %dma_start3A_63 = arith.constant 0 : i32
      %dma_start3A_64 = tpu.memref_slice %run_scoped3A[%dma_start3A_62, %dma_start3A_63] : memref<320x32xi32, #tpu.memory_space<vmem>> -> memref<1x32xi32, #tpu.memory_space<vmem>>
      %dma_start3A_65 = tpu.memref_squeeze %dma_start3A_64 : memref<1x32xi32, #tpu.memory_space<vmem>> -> memref<32xi32, #tpu.memory_space<vmem>>
      %dma_start3A_66 = arith.constant 0 : i32
      %dma_start3A_67 = arith.constant 0 : i32
      %dma_start3A_68 = tpu.memref_slice %arg2[%dma_start3A_66, %dma_start3A_67] : memref<10000x128xf32, #tpu.memory_space<hbm>> -> memref<10000x128xf32, #tpu.memory_space<hbm>>
      tpu.enqueue_indirect_dma source(%dma_start3A_68 : memref<10000x128xf32, #tpu.memory_space<hbm>>) target(%run_scoped3A_5 : memref<32x128xf32, #tpu.memory_space<vmem>>) offsets(%dma_start3A_65 : memref<32xi32, #tpu.memory_space<vmem>>) semaphore(%run_scoped3A_10 : memref<!tpu.dma_semaphore, #tpu.memory_space<semaphore_mem>>)
      %dma_start3A_69 = arith.constant 3 : i32
      %dma_start3A_70 = arith.constant 0 : i32
      %dma_start3A_71 = tpu.memref_slice %run_scoped3A[%dma_start3A_69, %dma_start3A_70] : memref<320x32xi32, #tpu.memory_space<vmem>> -> memref<1x32xi32, #tpu.memory_space<vmem>>
      %dma_start3A_72 = tpu.memref_squeeze %dma_start3A_71 : memref<1x32xi32, #tpu.memory_space<vmem>> -> memref<32xi32, #tpu.memory_space<vmem>>
      %dma_start3A_73 = arith.constant 0 : i32
      %dma_start3A_74 = arith.constant 0 : i32
      %dma_start3A_75 = tpu.memref_slice %arg2[%dma_start3A_73, %dma_start3A_74] : memref<10000x128xf32, #tpu.memory_space<hbm>> -> memref<10000x128xf32, #tpu.memory_space<hbm>>
      tpu.enqueue_indirect_dma source(%dma_start3A_75 : memref<10000x128xf32, #tpu.memory_space<hbm>>) target(%run_scoped3A_6 : memref<32x128xf32, #tpu.memory_space<vmem>>) offsets(%dma_start3A_72 : memref<32xi32, #tpu.memory_space<vmem>>) semaphore(%run_scoped3A_11 : memref<!tpu.dma_semaphore, #tpu.memory_space<semaphore_mem>>)
      %mul3A_76 = arith.constant 624 : i32
      %mul3A_77 = arith.muli %arg1, %mul3A_76 : i32
      %mul3A_78 = arith.constant 624 : i32
      %mul3A_79 = arith.muli %arg1, %mul3A_78 : i32
      "tpu.region"() ({
        %run_scoped3A_132 = tpu.sem_alloc : memref<!tpu.dma_semaphore, #tpu.memory_space<semaphore_mem>>
        %dma_start3A_133 = arith.constant 0 : i32
        %dma_start3A_134 = tpu.memref_slice %arg6[%mul3A_79, %dma_start3A_133] : memref<10064x128xf32, #tpu.memory_space<vmem_shared>> -> memref<624x128xf32, #tpu.memory_space<vmem_shared>>
        %dma_start3A_135 = arith.constant 0 : i32
        %dma_start3A_136 = tpu.memref_slice %arg2[%mul3A_77, %dma_start3A_135] : memref<10000x128xf32, #tpu.memory_space<hbm>> -> memref<624x128xf32, #tpu.memory_space<hbm>>
        tpu.enqueue_dma source(%dma_start3A_136 : memref<624x128xf32, #tpu.memory_space<hbm>>) target(%dma_start3A_134 : memref<624x128xf32, #tpu.memory_space<vmem_shared>>) target_semaphore(%run_scoped3A_132 : memref<!tpu.dma_semaphore, #tpu.memory_space<semaphore_mem>>)
        %dma_wait3A_137 = arith.constant 0 : i32
        %dma_wait3A_138 = tpu.memref_slice %arg6[%mul3A_79, %dma_wait3A_137] : memref<10064x128xf32, #tpu.memory_space<vmem_shared>> -> memref<624x128xf32, #tpu.memory_space<vmem_shared>>
        %dma_wait3A_139 = arith.constant 0 : i32
        %dma_wait3A_140 = tpu.memref_slice %arg2[%mul3A_77, %dma_wait3A_139] : memref<10000x128xf32, #tpu.memory_space<hbm>> -> memref<624x128xf32, #tpu.memory_space<hbm>>
        tpu.wait_dma2 semaphore(%run_scoped3A_132 : memref<!tpu.dma_semaphore, #tpu.memory_space<semaphore_mem>>) src(%dma_wait3A_140 : memref<624x128xf32, #tpu.memory_space<hbm>>) dst(%dma_wait3A_138 : memref<624x128xf32, #tpu.memory_space<vmem_shared>>)
        tpu.yield
      }) : () -> ()
      %eq3A = arith.constant 0 : i32
      %eq3A_80 = arith.cmpi eq, %arg1, %eq3A : i32
      %convert_element_type3A = arith.extui %eq3A_80 : i1 to i32
      %cond3A = arith.constant 0 : i32
      %cond3A_81 = arith.cmpi ne, %convert_element_type3A, %cond3A : i32
      scf.if %cond3A_81 {
        "tpu.region"() ({
          %run_scoped3A_132 = tpu.sem_alloc : memref<!tpu.dma_semaphore, #tpu.memory_space<semaphore_mem>>
          %dma_start3A_133 = arith.constant 9984 : i32
          %dma_start3A_134 = arith.constant 0 : i32
          %dma_start3A_135 = tpu.memref_slice %arg6[%dma_start3A_133, %dma_start3A_134] : memref<10064x128xf32, #tpu.memory_space<vmem_shared>> -> memref<16x128xf32, #tpu.memory_space<vmem_shared>>
          %dma_start3A_136 = arith.constant 9984 : i32
          %dma_start3A_137 = arith.constant 0 : i32
          %dma_start3A_138 = tpu.memref_slice %arg2[%dma_start3A_136, %dma_start3A_137] : memref<10000x128xf32, #tpu.memory_space<hbm>> -> memref<16x128xf32, #tpu.memory_space<hbm>>
          tpu.enqueue_dma source(%dma_start3A_138 : memref<16x128xf32, #tpu.memory_space<hbm>>) target(%dma_start3A_135 : memref<16x128xf32, #tpu.memory_space<vmem_shared>>) target_semaphore(%run_scoped3A_132 : memref<!tpu.dma_semaphore, #tpu.memory_space<semaphore_mem>>)
          %dma_wait3A_139 = arith.constant 9984 : i32
          %dma_wait3A_140 = arith.constant 0 : i32
          %dma_wait3A_141 = tpu.memref_slice %arg6[%dma_wait3A_139, %dma_wait3A_140] : memref<10064x128xf32, #tpu.memory_space<vmem_shared>> -> memref<16x128xf32, #tpu.memory_space<vmem_shared>>
          %dma_wait3A_142 = arith.constant 9984 : i32
          %dma_wait3A_143 = arith.constant 0 : i32
          %dma_wait3A_144 = tpu.memref_slice %arg2[%dma_wait3A_142, %dma_wait3A_143] : memref<10000x128xf32, #tpu.memory_space<hbm>> -> memref<16x128xf32, #tpu.memory_space<hbm>>
          tpu.wait_dma2 semaphore(%run_scoped3A_132 : memref<!tpu.dma_semaphore, #tpu.memory_space<semaphore_mem>>) src(%dma_wait3A_144 : memref<16x128xf32, #tpu.memory_space<hbm>>) dst(%dma_wait3A_141 : memref<16x128xf32, #tpu.memory_space<vmem_shared>>)
          tpu.yield
        }) : () -> ()
      } else {
      }
      %barrier3A = arith.constant 0 : index
      tpu.barrier barrier_id(%barrier3A)
      %scan3A = arith.constant 0 : i32
      %scan3A_82 = arith.constant 0 : i32
      %scan3A_83 = arith.constant 64 : i32
      %scan3A_84 = arith.addi %scan3A_82, %scan3A_83 : i32
      %scan3A_85 = arith.constant 1 : i32
      scf.for %scan3A_132 = %scan3A_82 to %scan3A_84 step %scan3A_85  : i32 {
        %mul3A_133 = arith.constant 5 : i32
        %mul3A_134 = arith.muli %scan3A_132, %mul3A_133 : i32
        %add3A_135 = arith.constant 0 : i32
        %add3A_136 = arith.addi %mul3A_134, %add3A_135 : i32
        %add3A_137 = arith.constant 4 : i32
        %add3A_138 = arith.addi %add3A_136, %add3A_137 : i32
        %lt3A = arith.constant 320 : i32
        %lt3A_139 = arith.cmpi slt, %add3A_138, %lt3A : i32
        %convert_element_type3A_140 = arith.extui %lt3A_139 : i1 to i32
        %cond3A_141 = arith.constant 0 : i32
        %cond3A_142 = arith.cmpi ne, %convert_element_type3A_140, %cond3A_141 : i32
        scf.if %cond3A_142 {
          %ge3A = arith.constant 5 : i32
          %ge3A_239 = arith.cmpi sge, %add3A_138, %ge3A : i32
          %convert_element_type3A_240 = arith.extui %ge3A_239 : i1 to i32
          %cond3A_241 = arith.constant 0 : i32
          %cond3A_242 = arith.cmpi ne, %convert_element_type3A_240, %cond3A_241 : i32
          scf.if %cond3A_242 {
            %sub3A = arith.constant 5 : i32
            %sub3A_249 = arith.subi %add3A_138, %sub3A : i32
            %dma_wait3A_250 = arith.constant 0 : i32
            %dma_wait3A_251 = tpu.memref_slice %run_scoped3A_1[%sub3A_249, %dma_wait3A_250] : memref<320x32xi32, #tpu.memory_space<vmem>> -> memref<1x32xi32, #tpu.memory_space<vmem>>
            %dma_wait3A_252 = tpu.memref_squeeze %dma_wait3A_251 : memref<1x32xi32, #tpu.memory_space<vmem>> -> memref<32xi32, #tpu.memory_space<vmem>>
            %dma_wait3A_253 = arith.constant 0 : i32
            %dma_wait3A_254 = arith.constant 0 : i32
            %dma_wait3A_255 = tpu.memref_slice %arg6[%dma_wait3A_253, %dma_wait3A_254] : memref<10064x128xf32, #tpu.memory_space<vmem_shared>> -> memref<10064x128xf32, #tpu.memory_space<vmem_shared>>
            tpu.wait_indirect_dma semaphore(%run_scoped3A_17 : memref<!tpu.dma_semaphore, #tpu.memory_space<semaphore_mem>>) src(%run_scoped3A_7 : memref<32x128xf32, #tpu.memory_space<vmem>>) dst(%dma_wait3A_255 : memref<10064x128xf32, #tpu.memory_space<vmem_shared>>)
          } else {
          }
          %dma_start3A_243 = arith.constant 0 : i32
          %dma_start3A_244 = tpu.memref_slice %run_scoped3A[%add3A_138, %dma_start3A_243] : memref<320x32xi32, #tpu.memory_space<vmem>> -> memref<1x32xi32, #tpu.memory_space<vmem>>
          %dma_start3A_245 = tpu.memref_squeeze %dma_start3A_244 : memref<1x32xi32, #tpu.memory_space<vmem>> -> memref<32xi32, #tpu.memory_space<vmem>>
          %dma_start3A_246 = arith.constant 0 : i32
          %dma_start3A_247 = arith.constant 0 : i32
          %dma_start3A_248 = tpu.memref_slice %arg2[%dma_start3A_246, %dma_start3A_247] : memref<10000x128xf32, #tpu.memory_space<hbm>> -> memref<10000x128xf32, #tpu.memory_space<hbm>>
          tpu.enqueue_indirect_dma source(%dma_start3A_248 : memref<10000x128xf32, #tpu.memory_space<hbm>>) target(%run_scoped3A_7 : memref<32x128xf32, #tpu.memory_space<vmem>>) offsets(%dma_start3A_245 : memref<32xi32, #tpu.memory_space<vmem>>) semaphore(%run_scoped3A_12 : memref<!tpu.dma_semaphore, #tpu.memory_space<semaphore_mem>>)
        } else {
        }
        %dma_wait3A_143 = arith.constant 0 : i32
        %dma_wait3A_144 = tpu.memref_slice %run_scoped3A[%add3A_136, %dma_wait3A_143] : memref<320x32xi32, #tpu.memory_space<vmem>> -> memref<1x32xi32, #tpu.memory_space<vmem>>
        %dma_wait3A_145 = tpu.memref_squeeze %dma_wait3A_144 : memref<1x32xi32, #tpu.memory_space<vmem>> -> memref<32xi32, #tpu.memory_space<vmem>>
        %dma_wait3A_146 = arith.constant 0 : i32
        %dma_wait3A_147 = arith.constant 0 : i32
        %dma_wait3A_148 = tpu.memref_slice %arg2[%dma_wait3A_146, %dma_wait3A_147] : memref<10000x128xf32, #tpu.memory_space<hbm>> -> memref<10000x128xf32, #tpu.memory_space<hbm>>
        tpu.wait_indirect_dma semaphore(%run_scoped3A_8 : memref<!tpu.dma_semaphore, #tpu.memory_space<semaphore_mem>>) src(%dma_wait3A_148 : memref<10000x128xf32, #tpu.memory_space<hbm>>) dst(%run_scoped3A_3 : memref<32x128xf32, #tpu.memory_space<vmem>>)
        %dma_start3A_149 = arith.constant 0 : i32
        %dma_start3A_150 = tpu.memref_slice %run_scoped3A_1[%add3A_136, %dma_start3A_149] : memref<320x32xi32, #tpu.memory_space<vmem>> -> memref<1x32xi32, #tpu.memory_space<vmem>>
        %dma_start3A_151 = tpu.memref_squeeze %dma_start3A_150 : memref<1x32xi32, #tpu.memory_space<vmem>> -> memref<32xi32, #tpu.memory_space<vmem>>
        %dma_start3A_152 = arith.constant 0 : i32
        %dma_start3A_153 = arith.constant 0 : i32
        %dma_start3A_154 = tpu.memref_slice %arg6[%dma_start3A_152, %dma_start3A_153] : memref<10064x128xf32, #tpu.memory_space<vmem_shared>> -> memref<10064x128xf32, #tpu.memory_space<vmem_shared>>
        tpu.enqueue_indirect_dma source(%run_scoped3A_3 : memref<32x128xf32, #tpu.memory_space<vmem>>) target(%dma_start3A_154 : memref<10064x128xf32, #tpu.memory_space<vmem_shared>>) offsets(%dma_start3A_151 : memref<32xi32, #tpu.memory_space<vmem>>) semaphore(%run_scoped3A_13 : memref<!tpu.dma_semaphore, #tpu.memory_space<semaphore_mem>>) {add = true}
        %add3A_155 = arith.constant 1 : i32
        %add3A_156 = arith.addi %mul3A_134, %add3A_155 : i32
        %add3A_157 = arith.constant 4 : i32
        %add3A_158 = arith.addi %add3A_156, %add3A_157 : i32
        %lt3A_159 = arith.constant 320 : i32
        %lt3A_160 = arith.cmpi slt, %add3A_158, %lt3A_159 : i32
        %convert_element_type3A_161 = arith.extui %lt3A_160 : i1 to i32
        %cond3A_162 = arith.constant 0 : i32
        %cond3A_163 = arith.cmpi ne, %convert_element_type3A_161, %cond3A_162 : i32
        scf.if %cond3A_163 {
          %ge3A = arith.constant 5 : i32
          %ge3A_239 = arith.cmpi sge, %add3A_158, %ge3A : i32
          %convert_element_type3A_240 = arith.extui %ge3A_239 : i1 to i32
          %cond3A_241 = arith.constant 0 : i32
          %cond3A_242 = arith.cmpi ne, %convert_element_type3A_240, %cond3A_241 : i32
          scf.if %cond3A_242 {
            %sub3A = arith.constant 5 : i32
            %sub3A_249 = arith.subi %add3A_158, %sub3A : i32
            %dma_wait3A_250 = arith.constant 0 : i32
            %dma_wait3A_251 = tpu.memref_slice %run_scoped3A_1[%sub3A_249, %dma_wait3A_250] : memref<320x32xi32, #tpu.memory_space<vmem>> -> memref<1x32xi32, #tpu.memory_space<vmem>>
            %dma_wait3A_252 = tpu.memref_squeeze %dma_wait3A_251 : memref<1x32xi32, #tpu.memory_space<vmem>> -> memref<32xi32, #tpu.memory_space<vmem>>
            %dma_wait3A_253 = arith.constant 0 : i32
            %dma_wait3A_254 = arith.constant 0 : i32
            %dma_wait3A_255 = tpu.memref_slice %arg6[%dma_wait3A_253, %dma_wait3A_254] : memref<10064x128xf32, #tpu.memory_space<vmem_shared>> -> memref<10064x128xf32, #tpu.memory_space<vmem_shared>>
            tpu.wait_indirect_dma semaphore(%run_scoped3A_13 : memref<!tpu.dma_semaphore, #tpu.memory_space<semaphore_mem>>) src(%run_scoped3A_3 : memref<32x128xf32, #tpu.memory_space<vmem>>) dst(%dma_wait3A_255 : memref<10064x128xf32, #tpu.memory_space<vmem_shared>>)
          } else {
          }
          %dma_start3A_243 = arith.constant 0 : i32
          %dma_start3A_244 = tpu.memref_slice %run_scoped3A[%add3A_158, %dma_start3A_243] : memref<320x32xi32, #tpu.memory_space<vmem>> -> memref<1x32xi32, #tpu.memory_space<vmem>>
          %dma_start3A_245 = tpu.memref_squeeze %dma_start3A_244 : memref<1x32xi32, #tpu.memory_space<vmem>> -> memref<32xi32, #tpu.memory_space<vmem>>
          %dma_start3A_246 = arith.constant 0 : i32
          %dma_start3A_247 = arith.constant 0 : i32
          %dma_start3A_248 = tpu.memref_slice %arg2[%dma_start3A_246, %dma_start3A_247] : memref<10000x128xf32, #tpu.memory_space<hbm>> -> memref<10000x128xf32, #tpu.memory_space<hbm>>
          tpu.enqueue_indirect_dma source(%dma_start3A_248 : memref<10000x128xf32, #tpu.memory_space<hbm>>) target(%run_scoped3A_3 : memref<32x128xf32, #tpu.memory_space<vmem>>) offsets(%dma_start3A_245 : memref<32xi32, #tpu.memory_space<vmem>>) semaphore(%run_scoped3A_8 : memref<!tpu.dma_semaphore, #tpu.memory_space<semaphore_mem>>)
        } else {
        }
        %dma_wait3A_164 = arith.constant 0 : i32
        %dma_wait3A_165 = tpu.memref_slice %run_scoped3A[%add3A_156, %dma_wait3A_164] : memref<320x32xi32, #tpu.memory_space<vmem>> -> memref<1x32xi32, #tpu.memory_space<vmem>>
        %dma_wait3A_166 = tpu.memref_squeeze %dma_wait3A_165 : memref<1x32xi32, #tpu.memory_space<vmem>> -> memref<32xi32, #tpu.memory_space<vmem>>
        %dma_wait3A_167 = arith.constant 0 : i32
        %dma_wait3A_168 = arith.constant 0 : i32
        %dma_wait3A_169 = tpu.memref_slice %arg2[%dma_wait3A_167, %dma_wait3A_168] : memref<10000x128xf32, #tpu.memory_space<hbm>> -> memref<10000x128xf32, #tpu.memory_space<hbm>>
        tpu.wait_indirect_dma semaphore(%run_scoped3A_9 : memref<!tpu.dma_semaphore, #tpu.memory_space<semaphore_mem>>) src(%dma_wait3A_169 : memref<10000x128xf32, #tpu.memory_space<hbm>>) dst(%run_scoped3A_4 : memref<32x128xf32, #tpu.memory_space<vmem>>)
        %dma_start3A_170 = arith.constant 0 : i32
        %dma_start3A_171 = tpu.memref_slice %run_scoped3A_1[%add3A_156, %dma_start3A_170] : memref<320x32xi32, #tpu.memory_space<vmem>> -> memref<1x32xi32, #tpu.memory_space<vmem>>
        %dma_start3A_172 = tpu.memref_squeeze %dma_start3A_171 : memref<1x32xi32, #tpu.memory_space<vmem>> -> memref<32xi32, #tpu.memory_space<vmem>>
        %dma_start3A_173 = arith.constant 0 : i32
        %dma_start3A_174 = arith.constant 0 : i32
        %dma_start3A_175 = tpu.memref_slice %arg6[%dma_start3A_173, %dma_start3A_174] : memref<10064x128xf32, #tpu.memory_space<vmem_shared>> -> memref<10064x128xf32, #tpu.memory_space<vmem_shared>>
        tpu.enqueue_indirect_dma source(%run_scoped3A_4 : memref<32x128xf32, #tpu.memory_space<vmem>>) target(%dma_start3A_175 : memref<10064x128xf32, #tpu.memory_space<vmem_shared>>) offsets(%dma_start3A_172 : memref<32xi32, #tpu.memory_space<vmem>>) semaphore(%run_scoped3A_14 : memref<!tpu.dma_semaphore, #tpu.memory_space<semaphore_mem>>) {add = true}
        %add3A_176 = arith.constant 2 : i32
        %add3A_177 = arith.addi %mul3A_134, %add3A_176 : i32
        %add3A_178 = arith.constant 4 : i32
        %add3A_179 = arith.addi %add3A_177, %add3A_178 : i32
        %lt3A_180 = arith.constant 320 : i32
        %lt3A_181 = arith.cmpi slt, %add3A_179, %lt3A_180 : i32
        %convert_element_type3A_182 = arith.extui %lt3A_181 : i1 to i32
        %cond3A_183 = arith.constant 0 : i32
        %cond3A_184 = arith.cmpi ne, %convert_element_type3A_182, %cond3A_183 : i32
        scf.if %cond3A_184 {
          %ge3A = arith.constant 5 : i32
          %ge3A_239 = arith.cmpi sge, %add3A_179, %ge3A : i32
          %convert_element_type3A_240 = arith.extui %ge3A_239 : i1 to i32
          %cond3A_241 = arith.constant 0 : i32
          %cond3A_242 = arith.cmpi ne, %convert_element_type3A_240, %cond3A_241 : i32
          scf.if %cond3A_242 {
            %sub3A = arith.constant 5 : i32
            %sub3A_249 = arith.subi %add3A_179, %sub3A : i32
            %dma_wait3A_250 = arith.constant 0 : i32
            %dma_wait3A_251 = tpu.memref_slice %run_scoped3A_1[%sub3A_249, %dma_wait3A_250] : memref<320x32xi32, #tpu.memory_space<vmem>> -> memref<1x32xi32, #tpu.memory_space<vmem>>
            %dma_wait3A_252 = tpu.memref_squeeze %dma_wait3A_251 : memref<1x32xi32, #tpu.memory_space<vmem>> -> memref<32xi32, #tpu.memory_space<vmem>>
            %dma_wait3A_253 = arith.constant 0 : i32
            %dma_wait3A_254 = arith.constant 0 : i32
            %dma_wait3A_255 = tpu.memref_slice %arg6[%dma_wait3A_253, %dma_wait3A_254] : memref<10064x128xf32, #tpu.memory_space<vmem_shared>> -> memref<10064x128xf32, #tpu.memory_space<vmem_shared>>
            tpu.wait_indirect_dma semaphore(%run_scoped3A_14 : memref<!tpu.dma_semaphore, #tpu.memory_space<semaphore_mem>>) src(%run_scoped3A_4 : memref<32x128xf32, #tpu.memory_space<vmem>>) dst(%dma_wait3A_255 : memref<10064x128xf32, #tpu.memory_space<vmem_shared>>)
          } else {
          }
          %dma_start3A_243 = arith.constant 0 : i32
          %dma_start3A_244 = tpu.memref_slice %run_scoped3A[%add3A_179, %dma_start3A_243] : memref<320x32xi32, #tpu.memory_space<vmem>> -> memref<1x32xi32, #tpu.memory_space<vmem>>
          %dma_start3A_245 = tpu.memref_squeeze %dma_start3A_244 : memref<1x32xi32, #tpu.memory_space<vmem>> -> memref<32xi32, #tpu.memory_space<vmem>>
          %dma_start3A_246 = arith.constant 0 : i32
          %dma_start3A_247 = arith.constant 0 : i32
          %dma_start3A_248 = tpu.memref_slice %arg2[%dma_start3A_246, %dma_start3A_247] : memref<10000x128xf32, #tpu.memory_space<hbm>> -> memref<10000x128xf32, #tpu.memory_space<hbm>>
          tpu.enqueue_indirect_dma source(%dma_start3A_248 : memref<10000x128xf32, #tpu.memory_space<hbm>>) target(%run_scoped3A_4 : memref<32x128xf32, #tpu.memory_space<vmem>>) offsets(%dma_start3A_245 : memref<32xi32, #tpu.memory_space<vmem>>) semaphore(%run_scoped3A_9 : memref<!tpu.dma_semaphore, #tpu.memory_space<semaphore_mem>>)
        } else {
        }
        %dma_wait3A_185 = arith.constant 0 : i32
        %dma_wait3A_186 = tpu.memref_slice %run_scoped3A[%add3A_177, %dma_wait3A_185] : memref<320x32xi32, #tpu.memory_space<vmem>> -> memref<1x32xi32, #tpu.memory_space<vmem>>
        %dma_wait3A_187 = tpu.memref_squeeze %dma_wait3A_186 : memref<1x32xi32, #tpu.memory_space<vmem>> -> memref<32xi32, #tpu.memory_space<vmem>>
        %dma_wait3A_188 = arith.constant 0 : i32
        %dma_wait3A_189 = arith.constant 0 : i32
        %dma_wait3A_190 = tpu.memref_slice %arg2[%dma_wait3A_188, %dma_wait3A_189] : memref<10000x128xf32, #tpu.memory_space<hbm>> -> memref<10000x128xf32, #tpu.memory_space<hbm>>
        tpu.wait_indirect_dma semaphore(%run_scoped3A_10 : memref<!tpu.dma_semaphore, #tpu.memory_space<semaphore_mem>>) src(%dma_wait3A_190 : memref<10000x128xf32, #tpu.memory_space<hbm>>) dst(%run_scoped3A_5 : memref<32x128xf32, #tpu.memory_space<vmem>>)
        %dma_start3A_191 = arith.constant 0 : i32
        %dma_start3A_192 = tpu.memref_slice %run_scoped3A_1[%add3A_177, %dma_start3A_191] : memref<320x32xi32, #tpu.memory_space<vmem>> -> memref<1x32xi32, #tpu.memory_space<vmem>>
        %dma_start3A_193 = tpu.memref_squeeze %dma_start3A_192 : memref<1x32xi32, #tpu.memory_space<vmem>> -> memref<32xi32, #tpu.memory_space<vmem>>
        %dma_start3A_194 = arith.constant 0 : i32
        %dma_start3A_195 = arith.constant 0 : i32
        %dma_start3A_196 = tpu.memref_slice %arg6[%dma_start3A_194, %dma_start3A_195] : memref<10064x128xf32, #tpu.memory_space<vmem_shared>> -> memref<10064x128xf32, #tpu.memory_space<vmem_shared>>
        tpu.enqueue_indirect_dma source(%run_scoped3A_5 : memref<32x128xf32, #tpu.memory_space<vmem>>) target(%dma_start3A_196 : memref<10064x128xf32, #tpu.memory_space<vmem_shared>>) offsets(%dma_start3A_193 : memref<32xi32, #tpu.memory_space<vmem>>) semaphore(%run_scoped3A_15 : memref<!tpu.dma_semaphore, #tpu.memory_space<semaphore_mem>>) {add = true}
        %add3A_197 = arith.constant 3 : i32
        %add3A_198 = arith.addi %mul3A_134, %add3A_197 : i32
        %add3A_199 = arith.constant 4 : i32
        %add3A_200 = arith.addi %add3A_198, %add3A_199 : i32
        %lt3A_201 = arith.constant 320 : i32
        %lt3A_202 = arith.cmpi slt, %add3A_200, %lt3A_201 : i32
        %convert_element_type3A_203 = arith.extui %lt3A_202 : i1 to i32
        %cond3A_204 = arith.constant 0 : i32
        %cond3A_205 = arith.cmpi ne, %convert_element_type3A_203, %cond3A_204 : i32
        scf.if %cond3A_205 {
          %ge3A = arith.constant 5 : i32
          %ge3A_239 = arith.cmpi sge, %add3A_200, %ge3A : i32
          %convert_element_type3A_240 = arith.extui %ge3A_239 : i1 to i32
          %cond3A_241 = arith.constant 0 : i32
          %cond3A_242 = arith.cmpi ne, %convert_element_type3A_240, %cond3A_241 : i32
          scf.if %cond3A_242 {
            %sub3A = arith.constant 5 : i32
            %sub3A_249 = arith.subi %add3A_200, %sub3A : i32
            %dma_wait3A_250 = arith.constant 0 : i32
            %dma_wait3A_251 = tpu.memref_slice %run_scoped3A_1[%sub3A_249, %dma_wait3A_250] : memref<320x32xi32, #tpu.memory_space<vmem>> -> memref<1x32xi32, #tpu.memory_space<vmem>>
            %dma_wait3A_252 = tpu.memref_squeeze %dma_wait3A_251 : memref<1x32xi32, #tpu.memory_space<vmem>> -> memref<32xi32, #tpu.memory_space<vmem>>
            %dma_wait3A_253 = arith.constant 0 : i32
            %dma_wait3A_254 = arith.constant 0 : i32
            %dma_wait3A_255 = tpu.memref_slice %arg6[%dma_wait3A_253, %dma_wait3A_254] : memref<10064x128xf32, #tpu.memory_space<vmem_shared>> -> memref<10064x128xf32, #tpu.memory_space<vmem_shared>>
            tpu.wait_indirect_dma semaphore(%run_scoped3A_15 : memref<!tpu.dma_semaphore, #tpu.memory_space<semaphore_mem>>) src(%run_scoped3A_5 : memref<32x128xf32, #tpu.memory_space<vmem>>) dst(%dma_wait3A_255 : memref<10064x128xf32, #tpu.memory_space<vmem_shared>>)
          } else {
          }
          %dma_start3A_243 = arith.constant 0 : i32
          %dma_start3A_244 = tpu.memref_slice %run_scoped3A[%add3A_200, %dma_start3A_243] : memref<320x32xi32, #tpu.memory_space<vmem>> -> memref<1x32xi32, #tpu.memory_space<vmem>>
          %dma_start3A_245 = tpu.memref_squeeze %dma_start3A_244 : memref<1x32xi32, #tpu.memory_space<vmem>> -> memref<32xi32, #tpu.memory_space<vmem>>
          %dma_start3A_246 = arith.constant 0 : i32
          %dma_start3A_247 = arith.constant 0 : i32
          %dma_start3A_248 = tpu.memref_slice %arg2[%dma_start3A_246, %dma_start3A_247] : memref<10000x128xf32, #tpu.memory_space<hbm>> -> memref<10000x128xf32, #tpu.memory_space<hbm>>
          tpu.enqueue_indirect_dma source(%dma_start3A_248 : memref<10000x128xf32, #tpu.memory_space<hbm>>) target(%run_scoped3A_5 : memref<32x128xf32, #tpu.memory_space<vmem>>) offsets(%dma_start3A_245 : memref<32xi32, #tpu.memory_space<vmem>>) semaphore(%run_scoped3A_10 : memref<!tpu.dma_semaphore, #tpu.memory_space<semaphore_mem>>)
        } else {
        }
        %dma_wait3A_206 = arith.constant 0 : i32
        %dma_wait3A_207 = tpu.memref_slice %run_scoped3A[%add3A_198, %dma_wait3A_206] : memref<320x32xi32, #tpu.memory_space<vmem>> -> memref<1x32xi32, #tpu.memory_space<vmem>>
        %dma_wait3A_208 = tpu.memref_squeeze %dma_wait3A_207 : memref<1x32xi32, #tpu.memory_space<vmem>> -> memref<32xi32, #tpu.memory_space<vmem>>
        %dma_wait3A_209 = arith.constant 0 : i32
        %dma_wait3A_210 = arith.constant 0 : i32
        %dma_wait3A_211 = tpu.memref_slice %arg2[%dma_wait3A_209, %dma_wait3A_210] : memref<10000x128xf32, #tpu.memory_space<hbm>> -> memref<10000x128xf32, #tpu.memory_space<hbm>>
        tpu.wait_indirect_dma semaphore(%run_scoped3A_11 : memref<!tpu.dma_semaphore, #tpu.memory_space<semaphore_mem>>) src(%dma_wait3A_211 : memref<10000x128xf32, #tpu.memory_space<hbm>>) dst(%run_scoped3A_6 : memref<32x128xf32, #tpu.memory_space<vmem>>)
        %dma_start3A_212 = arith.constant 0 : i32
        %dma_start3A_213 = tpu.memref_slice %run_scoped3A_1[%add3A_198, %dma_start3A_212] : memref<320x32xi32, #tpu.memory_space<vmem>> -> memref<1x32xi32, #tpu.memory_space<vmem>>
        %dma_start3A_214 = tpu.memref_squeeze %dma_start3A_213 : memref<1x32xi32, #tpu.memory_space<vmem>> -> memref<32xi32, #tpu.memory_space<vmem>>
        %dma_start3A_215 = arith.constant 0 : i32
        %dma_start3A_216 = arith.constant 0 : i32
        %dma_start3A_217 = tpu.memref_slice %arg6[%dma_start3A_215, %dma_start3A_216] : memref<10064x128xf32, #tpu.memory_space<vmem_shared>> -> memref<10064x128xf32, #tpu.memory_space<vmem_shared>>
        tpu.enqueue_indirect_dma source(%run_scoped3A_6 : memref<32x128xf32, #tpu.memory_space<vmem>>) target(%dma_start3A_217 : memref<10064x128xf32, #tpu.memory_space<vmem_shared>>) offsets(%dma_start3A_214 : memref<32xi32, #tpu.memory_space<vmem>>) semaphore(%run_scoped3A_16 : memref<!tpu.dma_semaphore, #tpu.memory_space<semaphore_mem>>) {add = true}
        %add3A_218 = arith.constant 4 : i32
        %add3A_219 = arith.addi %mul3A_134, %add3A_218 : i32
        %add3A_220 = arith.constant 4 : i32
        %add3A_221 = arith.addi %add3A_219, %add3A_220 : i32
        %lt3A_222 = arith.constant 320 : i32
        %lt3A_223 = arith.cmpi slt, %add3A_221, %lt3A_222 : i32
        %convert_element_type3A_224 = arith.extui %lt3A_223 : i1 to i32
        %cond3A_225 = arith.constant 0 : i32
        %cond3A_226 = arith.cmpi ne, %convert_element_type3A_224, %cond3A_225 : i32
        scf.if %cond3A_226 {
          %ge3A = arith.constant 5 : i32
          %ge3A_239 = arith.cmpi sge, %add3A_221, %ge3A : i32
          %convert_element_type3A_240 = arith.extui %ge3A_239 : i1 to i32
          %cond3A_241 = arith.constant 0 : i32
          %cond3A_242 = arith.cmpi ne, %convert_element_type3A_240, %cond3A_241 : i32
          scf.if %cond3A_242 {
            %sub3A = arith.constant 5 : i32
            %sub3A_249 = arith.subi %add3A_221, %sub3A : i32
            %dma_wait3A_250 = arith.constant 0 : i32
            %dma_wait3A_251 = tpu.memref_slice %run_scoped3A_1[%sub3A_249, %dma_wait3A_250] : memref<320x32xi32, #tpu.memory_space<vmem>> -> memref<1x32xi32, #tpu.memory_space<vmem>>
            %dma_wait3A_252 = tpu.memref_squeeze %dma_wait3A_251 : memref<1x32xi32, #tpu.memory_space<vmem>> -> memref<32xi32, #tpu.memory_space<vmem>>
            %dma_wait3A_253 = arith.constant 0 : i32
            %dma_wait3A_254 = arith.constant 0 : i32
            %dma_wait3A_255 = tpu.memref_slice %arg6[%dma_wait3A_253, %dma_wait3A_254] : memref<10064x128xf32, #tpu.memory_space<vmem_shared>> -> memref<10064x128xf32, #tpu.memory_space<vmem_shared>>
            tpu.wait_indirect_dma semaphore(%run_scoped3A_16 : memref<!tpu.dma_semaphore, #tpu.memory_space<semaphore_mem>>) src(%run_scoped3A_6 : memref<32x128xf32, #tpu.memory_space<vmem>>) dst(%dma_wait3A_255 : memref<10064x128xf32, #tpu.memory_space<vmem_shared>>)
          } else {
          }
          %dma_start3A_243 = arith.constant 0 : i32
          %dma_start3A_244 = tpu.memref_slice %run_scoped3A[%add3A_221, %dma_start3A_243] : memref<320x32xi32, #tpu.memory_space<vmem>> -> memref<1x32xi32, #tpu.memory_space<vmem>>
          %dma_start3A_245 = tpu.memref_squeeze %dma_start3A_244 : memref<1x32xi32, #tpu.memory_space<vmem>> -> memref<32xi32, #tpu.memory_space<vmem>>
          %dma_start3A_246 = arith.constant 0 : i32
          %dma_start3A_247 = arith.constant 0 : i32
          %dma_start3A_248 = tpu.memref_slice %arg2[%dma_start3A_246, %dma_start3A_247] : memref<10000x128xf32, #tpu.memory_space<hbm>> -> memref<10000x128xf32, #tpu.memory_space<hbm>>
          tpu.enqueue_indirect_dma source(%dma_start3A_248 : memref<10000x128xf32, #tpu.memory_space<hbm>>) target(%run_scoped3A_6 : memref<32x128xf32, #tpu.memory_space<vmem>>) offsets(%dma_start3A_245 : memref<32xi32, #tpu.memory_space<vmem>>) semaphore(%run_scoped3A_11 : memref<!tpu.dma_semaphore, #tpu.memory_space<semaphore_mem>>)
        } else {
        }
        %dma_wait3A_227 = arith.constant 0 : i32
        %dma_wait3A_228 = tpu.memref_slice %run_scoped3A[%add3A_219, %dma_wait3A_227] : memref<320x32xi32, #tpu.memory_space<vmem>> -> memref<1x32xi32, #tpu.memory_space<vmem>>
        %dma_wait3A_229 = tpu.memref_squeeze %dma_wait3A_228 : memref<1x32xi32, #tpu.memory_space<vmem>> -> memref<32xi32, #tpu.memory_space<vmem>>
        %dma_wait3A_230 = arith.constant 0 : i32
        %dma_wait3A_231 = arith.constant 0 : i32
        %dma_wait3A_232 = tpu.memref_slice %arg2[%dma_wait3A_230, %dma_wait3A_231] : memref<10000x128xf32, #tpu.memory_space<hbm>> -> memref<10000x128xf32, #tpu.memory_space<hbm>>
        tpu.wait_indirect_dma semaphore(%run_scoped3A_12 : memref<!tpu.dma_semaphore, #tpu.memory_space<semaphore_mem>>) src(%dma_wait3A_232 : memref<10000x128xf32, #tpu.memory_space<hbm>>) dst(%run_scoped3A_7 : memref<32x128xf32, #tpu.memory_space<vmem>>)
        %dma_start3A_233 = arith.constant 0 : i32
        %dma_start3A_234 = tpu.memref_slice %run_scoped3A_1[%add3A_219, %dma_start3A_233] : memref<320x32xi32, #tpu.memory_space<vmem>> -> memref<1x32xi32, #tpu.memory_space<vmem>>
        %dma_start3A_235 = tpu.memref_squeeze %dma_start3A_234 : memref<1x32xi32, #tpu.memory_space<vmem>> -> memref<32xi32, #tpu.memory_space<vmem>>
        %dma_start3A_236 = arith.constant 0 : i32
        %dma_start3A_237 = arith.constant 0 : i32
        %dma_start3A_238 = tpu.memref_slice %arg6[%dma_start3A_236, %dma_start3A_237] : memref<10064x128xf32, #tpu.memory_space<vmem_shared>> -> memref<10064x128xf32, #tpu.memory_space<vmem_shared>>
        tpu.enqueue_indirect_dma source(%run_scoped3A_7 : memref<32x128xf32, #tpu.memory_space<vmem>>) target(%dma_start3A_238 : memref<10064x128xf32, #tpu.memory_space<vmem_shared>>) offsets(%dma_start3A_235 : memref<32xi32, #tpu.memory_space<vmem>>) semaphore(%run_scoped3A_17 : memref<!tpu.dma_semaphore, #tpu.memory_space<semaphore_mem>>) {add = true}
      }
      %scan3A_86 = arith.constant 64 : i32
      %dma_wait3A_87 = arith.constant 315 : i32
      %dma_wait3A_88 = arith.constant 0 : i32
      %dma_wait3A_89 = tpu.memref_slice %run_scoped3A_1[%dma_wait3A_87, %dma_wait3A_88] : memref<320x32xi32, #tpu.memory_space<vmem>> -> memref<1x32xi32, #tpu.memory_space<vmem>>
      %dma_wait3A_90 = tpu.memref_squeeze %dma_wait3A_89 : memref<1x32xi32, #tpu.memory_space<vmem>> -> memref<32xi32, #tpu.memory_space<vmem>>
      %dma_wait3A_91 = arith.constant 0 : i32
      %dma_wait3A_92 = arith.constant 0 : i32
      %dma_wait3A_93 = tpu.memref_slice %arg6[%dma_wait3A_91, %dma_wait3A_92] : memref<10064x128xf32, #tpu.memory_space<vmem_shared>> -> memref<10064x128xf32, #tpu.memory_space<vmem_shared>>
      tpu.wait_indirect_dma semaphore(%run_scoped3A_13 : memref<!tpu.dma_semaphore, #tpu.memory_space<semaphore_mem>>) src(%run_scoped3A_3 : memref<32x128xf32, #tpu.memory_space<vmem>>) dst(%dma_wait3A_93 : memref<10064x128xf32, #tpu.memory_space<vmem_shared>>)
      %dma_wait3A_94 = arith.constant 316 : i32
      %dma_wait3A_95 = arith.constant 0 : i32
      %dma_wait3A_96 = tpu.memref_slice %run_scoped3A_1[%dma_wait3A_94, %dma_wait3A_95] : memref<320x32xi32, #tpu.memory_space<vmem>> -> memref<1x32xi32, #tpu.memory_space<vmem>>
      %dma_wait3A_97 = tpu.memref_squeeze %dma_wait3A_96 : memref<1x32xi32, #tpu.memory_space<vmem>> -> memref<32xi32, #tpu.memory_space<vmem>>
      %dma_wait3A_98 = arith.constant 0 : i32
      %dma_wait3A_99 = arith.constant 0 : i32
      %dma_wait3A_100 = tpu.memref_slice %arg6[%dma_wait3A_98, %dma_wait3A_99] : memref<10064x128xf32, #tpu.memory_space<vmem_shared>> -> memref<10064x128xf32, #tpu.memory_space<vmem_shared>>
      tpu.wait_indirect_dma semaphore(%run_scoped3A_14 : memref<!tpu.dma_semaphore, #tpu.memory_space<semaphore_mem>>) src(%run_scoped3A_4 : memref<32x128xf32, #tpu.memory_space<vmem>>) dst(%dma_wait3A_100 : memref<10064x128xf32, #tpu.memory_space<vmem_shared>>)
      %dma_wait3A_101 = arith.constant 317 : i32
      %dma_wait3A_102 = arith.constant 0 : i32
      %dma_wait3A_103 = tpu.memref_slice %run_scoped3A_1[%dma_wait3A_101, %dma_wait3A_102] : memref<320x32xi32, #tpu.memory_space<vmem>> -> memref<1x32xi32, #tpu.memory_space<vmem>>
      %dma_wait3A_104 = tpu.memref_squeeze %dma_wait3A_103 : memref<1x32xi32, #tpu.memory_space<vmem>> -> memref<32xi32, #tpu.memory_space<vmem>>
      %dma_wait3A_105 = arith.constant 0 : i32
      %dma_wait3A_106 = arith.constant 0 : i32
      %dma_wait3A_107 = tpu.memref_slice %arg6[%dma_wait3A_105, %dma_wait3A_106] : memref<10064x128xf32, #tpu.memory_space<vmem_shared>> -> memref<10064x128xf32, #tpu.memory_space<vmem_shared>>
      tpu.wait_indirect_dma semaphore(%run_scoped3A_15 : memref<!tpu.dma_semaphore, #tpu.memory_space<semaphore_mem>>) src(%run_scoped3A_5 : memref<32x128xf32, #tpu.memory_space<vmem>>) dst(%dma_wait3A_107 : memref<10064x128xf32, #tpu.memory_space<vmem_shared>>)
      %dma_wait3A_108 = arith.constant 318 : i32
      %dma_wait3A_109 = arith.constant 0 : i32
      %dma_wait3A_110 = tpu.memref_slice %run_scoped3A_1[%dma_wait3A_108, %dma_wait3A_109] : memref<320x32xi32, #tpu.memory_space<vmem>> -> memref<1x32xi32, #tpu.memory_space<vmem>>
      %dma_wait3A_111 = tpu.memref_squeeze %dma_wait3A_110 : memref<1x32xi32, #tpu.memory_space<vmem>> -> memref<32xi32, #tpu.memory_space<vmem>>
      %dma_wait3A_112 = arith.constant 0 : i32
      %dma_wait3A_113 = arith.constant 0 : i32
      %dma_wait3A_114 = tpu.memref_slice %arg6[%dma_wait3A_112, %dma_wait3A_113] : memref<10064x128xf32, #tpu.memory_space<vmem_shared>> -> memref<10064x128xf32, #tpu.memory_space<vmem_shared>>
      tpu.wait_indirect_dma semaphore(%run_scoped3A_16 : memref<!tpu.dma_semaphore, #tpu.memory_space<semaphore_mem>>) src(%run_scoped3A_6 : memref<32x128xf32, #tpu.memory_space<vmem>>) dst(%dma_wait3A_114 : memref<10064x128xf32, #tpu.memory_space<vmem_shared>>)
      %dma_wait3A_115 = arith.constant 319 : i32
      %dma_wait3A_116 = arith.constant 0 : i32
      %dma_wait3A_117 = tpu.memref_slice %run_scoped3A_1[%dma_wait3A_115, %dma_wait3A_116] : memref<320x32xi32, #tpu.memory_space<vmem>> -> memref<1x32xi32, #tpu.memory_space<vmem>>
      %dma_wait3A_118 = tpu.memref_squeeze %dma_wait3A_117 : memref<1x32xi32, #tpu.memory_space<vmem>> -> memref<32xi32, #tpu.memory_space<vmem>>
      %dma_wait3A_119 = arith.constant 0 : i32
      %dma_wait3A_120 = arith.constant 0 : i32
      %dma_wait3A_121 = tpu.memref_slice %arg6[%dma_wait3A_119, %dma_wait3A_120] : memref<10064x128xf32, #tpu.memory_space<vmem_shared>> -> memref<10064x128xf32, #tpu.memory_space<vmem_shared>>
      tpu.wait_indirect_dma semaphore(%run_scoped3A_17 : memref<!tpu.dma_semaphore, #tpu.memory_space<semaphore_mem>>) src(%run_scoped3A_7 : memref<32x128xf32, #tpu.memory_space<vmem>>) dst(%dma_wait3A_121 : memref<10064x128xf32, #tpu.memory_space<vmem_shared>>)
      %barrier3A_122 = arith.constant 0 : index
      tpu.barrier barrier_id(%barrier3A_122)
      %mul3A_123 = arith.constant 624 : i32
      %mul3A_124 = arith.muli %arg1, %mul3A_123 : i32
      %mul3A_125 = arith.constant 624 : i32
      %mul3A_126 = arith.muli %arg1, %mul3A_125 : i32
      "tpu.region"() ({
        %run_scoped3A_132 = tpu.sem_alloc : memref<!tpu.dma_semaphore, #tpu.memory_space<semaphore_mem>>
        %dma_start3A_133 = arith.constant 0 : i32
        %dma_start3A_134 = tpu.memref_slice %arg5[%arg0, %mul3A_126, %dma_start3A_133] : memref<2x10000x128xf32, #tpu.memory_space<hbm>> -> memref<1x624x128xf32, #tpu.memory_space<hbm>>
        %dma_start3A_135 = tpu.memref_squeeze %dma_start3A_134 : memref<1x624x128xf32, #tpu.memory_space<hbm>> -> memref<624x128xf32, #tpu.memory_space<hbm>>
        %dma_start3A_136 = arith.constant 0 : i32
        %dma_start3A_137 = tpu.memref_slice %arg6[%mul3A_124, %dma_start3A_136] : memref<10064x128xf32, #tpu.memory_space<vmem_shared>> -> memref<624x128xf32, #tpu.memory_space<vmem_shared>>
        tpu.enqueue_dma source(%dma_start3A_137 : memref<624x128xf32, #tpu.memory_space<vmem_shared>>) target(%dma_start3A_135 : memref<624x128xf32, #tpu.memory_space<hbm>>) target_semaphore(%run_scoped3A_132 : memref<!tpu.dma_semaphore, #tpu.memory_space<semaphore_mem>>)
        %dma_wait3A_138 = arith.constant 0 : i32
        %dma_wait3A_139 = tpu.memref_slice %arg5[%arg0, %mul3A_126, %dma_wait3A_138] : memref<2x10000x128xf32, #tpu.memory_space<hbm>> -> memref<1x624x128xf32, #tpu.memory_space<hbm>>
        %dma_wait3A_140 = tpu.memref_squeeze %dma_wait3A_139 : memref<1x624x128xf32, #tpu.memory_space<hbm>> -> memref<624x128xf32, #tpu.memory_space<hbm>>
        %dma_wait3A_141 = arith.constant 0 : i32
        %dma_wait3A_142 = tpu.memref_slice %arg6[%mul3A_124, %dma_wait3A_141] : memref<10064x128xf32, #tpu.memory_space<vmem_shared>> -> memref<624x128xf32, #tpu.memory_space<vmem_shared>>
        tpu.wait_dma2 semaphore(%run_scoped3A_132 : memref<!tpu.dma_semaphore, #tpu.memory_space<semaphore_mem>>) src(%dma_wait3A_142 : memref<624x128xf32, #tpu.memory_space<vmem_shared>>) dst(%dma_wait3A_140 : memref<624x128xf32, #tpu.memory_space<hbm>>)
        tpu.yield
      }) : () -> ()
      %eq3A_127 = arith.constant 0 : i32
      %eq3A_128 = arith.cmpi eq, %arg1, %eq3A_127 : i32
      %convert_element_type3A_129 = arith.extui %eq3A_128 : i1 to i32
      %cond3A_130 = arith.constant 0 : i32
      %cond3A_131 = arith.cmpi ne, %convert_element_type3A_129, %cond3A_130 : i32
      scf.if %cond3A_131 {
        "tpu.region"() ({
          %run_scoped3A_132 = tpu.sem_alloc : memref<!tpu.dma_semaphore, #tpu.memory_space<semaphore_mem>>
          %dma_start3A_133 = arith.constant 9984 : i32
          %dma_start3A_134 = arith.constant 0 : i32
          %dma_start3A_135 = tpu.memref_slice %arg5[%arg0, %dma_start3A_133, %dma_start3A_134] : memref<2x10000x128xf32, #tpu.memory_space<hbm>> -> memref<1x16x128xf32, #tpu.memory_space<hbm>>
          %dma_start3A_136 = tpu.memref_squeeze %dma_start3A_135 : memref<1x16x128xf32, #tpu.memory_space<hbm>> -> memref<16x128xf32, #tpu.memory_space<hbm>>
          %dma_start3A_137 = arith.constant 9984 : i32
          %dma_start3A_138 = arith.constant 0 : i32
          %dma_start3A_139 = tpu.memref_slice %arg6[%dma_start3A_137, %dma_start3A_138] : memref<10064x128xf32, #tpu.memory_space<vmem_shared>> -> memref<16x128xf32, #tpu.memory_space<vmem_shared>>
          tpu.enqueue_dma source(%dma_start3A_139 : memref<16x128xf32, #tpu.memory_space<vmem_shared>>) target(%dma_start3A_136 : memref<16x128xf32, #tpu.memory_space<hbm>>) target_semaphore(%run_scoped3A_132 : memref<!tpu.dma_semaphore, #tpu.memory_space<semaphore_mem>>)
          %dma_wait3A_140 = arith.constant 9984 : i32
          %dma_wait3A_141 = arith.constant 0 : i32
          %dma_wait3A_142 = tpu.memref_slice %arg5[%arg0, %dma_wait3A_140, %dma_wait3A_141] : memref<2x10000x128xf32, #tpu.memory_space<hbm>> -> memref<1x16x128xf32, #tpu.memory_space<hbm>>
          %dma_wait3A_143 = tpu.memref_squeeze %dma_wait3A_142 : memref<1x16x128xf32, #tpu.memory_space<hbm>> -> memref<16x128xf32, #tpu.memory_space<hbm>>
          %dma_wait3A_144 = arith.constant 9984 : i32
          %dma_wait3A_145 = arith.constant 0 : i32
          %dma_wait3A_146 = tpu.memref_slice %arg6[%dma_wait3A_144, %dma_wait3A_145] : memref<10064x128xf32, #tpu.memory_space<vmem_shared>> -> memref<16x128xf32, #tpu.memory_space<vmem_shared>>
          tpu.wait_dma2 semaphore(%run_scoped3A_132 : memref<!tpu.dma_semaphore, #tpu.memory_space<semaphore_mem>>) src(%dma_wait3A_146 : memref<16x128xf32, #tpu.memory_space<vmem_shared>>) dst(%dma_wait3A_143 : memref<16x128xf32, #tpu.memory_space<hbm>>)
          tpu.yield
        }) : () -> ()
      } else {
      }
      tpu.yield
    }) : () -> ()
    return
  }
}

module attributes {stable_mosaic.version = 14 : i64} {
  func.func @_tc_mm_body(%arg0: memref<10000x128xf32, #tpu.memory_space<vmem>>, %arg1: memref<128x128xf32, #tpu.memory_space<vmem>>, %arg2: memref<10000x128xf32, #tpu.memory_space<vmem>>) attributes {dimension_semantics = [], scalar_prefetch = 0 : i64, scratch_operands = 0 : i64, tpu.core_type = #tpu.core_type<tc>} {
    %get3A = arith.constant 0 : index
    %get3A_0 = arith.constant 0 : index
    %get3A_1 = vector.load %arg0[%get3A, %get3A_0] : memref<10000x128xf32, #tpu.memory_space<vmem>>, vector<10000x128xf32>
    %get3A_2 = arith.constant 0 : index
    %get3A_3 = arith.constant 0 : index
    %get3A_4 = vector.load %arg1[%get3A_2, %get3A_3] : memref<128x128xf32, #tpu.memory_space<vmem>>, vector<128x128xf32>
    %dot_general3A = arith.constant dense<0.000000e+00> : vector<10000x128xf32>
    %dot_general3A_5 = tpu.matmul %get3A_1, %get3A_4, %dot_general3A {dimension_numbers = #tpu.dot_dimension_numbers<[1], [0], [0], [1], [0, 0, 1, 1], [], []>, transpose_lhs_hint = false} : vector<10000x128xf32>, vector<128x128xf32>, vector<10000x128xf32> -> vector<10000x128xf32>
    %swap3A = arith.constant 0 : index
    %swap3A_6 = arith.constant 0 : index
    %swap3A_7 = vector.load %arg2[%swap3A, %swap3A_6] : memref<10000x128xf32, #tpu.memory_space<vmem>>, vector<10000x128xf32>
    tpu.vector_store %arg2[%swap3A, %swap3A_6], %dot_general3A_5 {strides = array<i32>} : memref<10000x128xf32, #tpu.memory_space<vmem>>, vector<10000x128xf32>,
    return
  }
}

module attributes {stable_mosaic.version = 14 : i64} {
  func.func @_tc1_body(%arg0: memref<2x10240xf32, #tpu.memory_space<vmem>>, %arg1: memref<10000x128xf32, #tpu.memory_space<vmem>>, %arg2: memref<10000x128xf32, #tpu.memory_space<vmem>>, %arg3: memref<10000x128xf32, #tpu.memory_space<vmem>>) attributes {dimension_semantics = [], scalar_prefetch = 0 : i64, scratch_operands = 0 : i64, tpu.core_type = #tpu.core_type<tc>} {
    %get3A = arith.constant 0 : index
    %get3A_0 = arith.constant 0 : index
    %get3A_1 = vector.load %arg0[%get3A, %get3A_0] : memref<2x10240xf32, #tpu.memory_space<vmem>>, vector<1x10000xf32>
    %get3A_2 = arith.constant 1 : index
    %get3A_3 = arith.constant 0 : index
    %get3A_4 = vector.load %arg0[%get3A_2, %get3A_3] : memref<2x10240xf32, #tpu.memory_space<vmem>>, vector<1x10000xf32>
    %add3A = arith.addf %get3A_1, %get3A_4 : vector<1x10000xf32>
    %add3A_5 = arith.constant 1.000000e+00 : f32
    %add3A_6 = vector.broadcast %add3A_5 : f32 to vector<1x10000xf32>
    %add3A_7 = arith.addf %add3A, %add3A_6 : vector<1x10000xf32>
    %rsqrt3A = math.rsqrt %add3A_7 : vector<1x10000xf32>
    %broadcast_in_dim3A = arith.constant 1.000000e+00 : f32
    %broadcast_in_dim3A_8 = vector.broadcast %broadcast_in_dim3A : f32 to vector<1x128xf32>
    %dot_general3A = arith.constant dense<0.000000e+00> : vector<10000x128xf32>
    %dot_general3A_9 = tpu.matmul %rsqrt3A, %broadcast_in_dim3A_8, %dot_general3A {dimension_numbers = #tpu.dot_dimension_numbers<[0], [0], [1], [1], [0, 1, 1, 1], [], []>, precision = #tpu.contract_precision<fp32>, transpose_lhs_hint = false} : vector<1x10000xf32>, vector<1x128xf32>, vector<10000x128xf32> -> vector<10000x128xf32>
    %swap3A = arith.constant 0 : index
    %swap3A_10 = arith.constant 0 : index
    %swap3A_11 = vector.load %arg3[%swap3A, %swap3A_10] : memref<10000x128xf32, #tpu.memory_space<vmem>>, vector<10000x128xf32>
    tpu.vector_store %arg3[%swap3A, %swap3A_10], %dot_general3A_9 {strides = array<i32>} : memref<10000x128xf32, #tpu.memory_space<vmem>>, vector<10000x128xf32>,
    %get3A_12 = arith.constant 0 : index
    %get3A_13 = arith.constant 0 : index
    %get3A_14 = vector.load %arg1[%get3A_12, %get3A_13] : memref<10000x128xf32, #tpu.memory_space<vmem>>, vector<10000x128xf32>
    %mul3A = arith.mulf %get3A_14, %dot_general3A_9 : vector<10000x128xf32>
    %swap3A_15 = arith.constant 0 : index
    %swap3A_16 = arith.constant 0 : index
    %swap3A_17 = vector.load %arg2[%swap3A_15, %swap3A_16] : memref<10000x128xf32, #tpu.memory_space<vmem>>, vector<10000x128xf32>
    tpu.vector_store %arg2[%swap3A_15, %swap3A_16], %mul3A {strides = array<i32>} : memref<10000x128xf32, #tpu.memory_space<vmem>>, vector<10000x128xf32>,
    return
  }
}

module attributes {stable_mosaic.version = 14 : i64} {
  func.func @_tc2_body(%arg0: memref<2x10000x128xf32, #tpu.memory_space<vmem>>, %arg1: memref<10000x128xf32, #tpu.memory_space<vmem>>, %arg2: memref<10000x128xf32, #tpu.memory_space<vmem>>, %arg3: memref<1x128xf32, #tpu.memory_space<vmem>>, %arg4: memref<128x16xf32, #tpu.memory_space<vmem>>, %arg5: memref<10000x16xf32, #tpu.memory_space<vmem>>, %arg6: memref<10000x16xf32, #tpu.memory_space<vmem>>) attributes {dimension_semantics = [], scalar_prefetch = 0 : i64, scratch_operands = 0 : i64, tpu.core_type = #tpu.core_type<tc>} {
    %get3A = arith.constant 0 : index
    %get3A_0 = arith.constant 0 : index
    %get3A_1 = vector.load %arg2[%get3A, %get3A_0] : memref<10000x128xf32, #tpu.memory_space<vmem>>, vector<10000x16xf32>
    %get3A_2 = arith.constant 0 : index
    %get3A_3 = arith.constant 0 : index
    %get3A_4 = arith.constant 0 : index
    %get3A_5 = vector.load %arg0[%get3A_2, %get3A_3, %get3A_4] : memref<2x10000x128xf32, #tpu.memory_space<vmem>>, vector<1x10000x128xf32>
    %get3A_6 = vector.shape_cast %get3A_5 : vector<1x10000x128xf32> to vector<10000x128xf32>
    %get3A_7 = arith.constant 1 : index
    %get3A_8 = arith.constant 0 : index
    %get3A_9 = arith.constant 0 : index
    %get3A_10 = vector.load %arg0[%get3A_7, %get3A_8, %get3A_9] : memref<2x10000x128xf32, #tpu.memory_space<vmem>>, vector<1x10000x128xf32>
    %get3A_11 = vector.shape_cast %get3A_10 : vector<1x10000x128xf32> to vector<10000x128xf32>
    %add3A = arith.addf %get3A_6, %get3A_11 : vector<10000x128xf32>
    %get3A_12 = arith.constant 0 : index
    %get3A_13 = arith.constant 0 : index
    %get3A_14 = vector.load %arg1[%get3A_12, %get3A_13] : memref<10000x128xf32, #tpu.memory_space<vmem>>, vector<10000x128xf32>
    %sub3A = arith.subf %add3A, %get3A_14 : vector<10000x128xf32>
    %get3A_15 = arith.constant 0 : index
    %get3A_16 = arith.constant 0 : index
    %get3A_17 = vector.load %arg2[%get3A_15, %get3A_16] : memref<10000x128xf32, #tpu.memory_space<vmem>>, vector<10000x128xf32>
    %mul3A = arith.mulf %sub3A, %get3A_17 : vector<10000x128xf32>
    %get3A_18 = arith.constant 0 : index
    %get3A_19 = arith.constant 0 : index
    %get3A_20 = vector.load %arg3[%get3A_18, %get3A_19] : memref<1x128xf32, #tpu.memory_space<vmem>>, vector<1x128xf32>
    %add3A_21 = vector.broadcast %get3A_20 : vector<1x128xf32> to vector<10000x128xf32>
    %add3A_22 = arith.addf %mul3A, %add3A_21 : vector<10000x128xf32>
    %max3A = arith.constant 0.000000e+00 : f32
    %max3A_23 = vector.broadcast %max3A : f32 to vector<10000x128xf32>
    %max3A_24 = arith.maximumf %add3A_22, %max3A_23 : vector<10000x128xf32>
    %get3A_25 = arith.constant 0 : index
    %get3A_26 = arith.constant 0 : index
    %get3A_27 = vector.load %arg4[%get3A_25, %get3A_26] : memref<128x16xf32, #tpu.memory_space<vmem>>, vector<128x16xf32>
    %dot_general3A = arith.constant dense<0.000000e+00> : vector<10000x16xf32>
    %dot_general3A_28 = tpu.matmul %max3A_24, %get3A_27, %dot_general3A {dimension_numbers = #tpu.dot_dimension_numbers<[1], [0], [0], [1], [0, 0, 1, 1], [], []>, transpose_lhs_hint = false} : vector<10000x128xf32>, vector<128x16xf32>, vector<10000x16xf32> -> vector<10000x16xf32>
    %mul3A_29 = arith.mulf %dot_general3A_28, %get3A_1 : vector<10000x16xf32>
    %swap3A = arith.constant 0 : index
    %swap3A_30 = arith.constant 0 : index
    %swap3A_31 = vector.load %arg5[%swap3A, %swap3A_30] : memref<10000x16xf32, #tpu.memory_space<vmem>>, vector<10000x16xf32>
    tpu.vector_store %arg5[%swap3A, %swap3A_30], %mul3A_29 {strides = array<i32>} : memref<10000x16xf32, #tpu.memory_space<vmem>>, vector<10000x16xf32>,
    %swap3A_32 = arith.constant 0 : index
    %swap3A_33 = arith.constant 0 : index
    %swap3A_34 = vector.load %arg6[%swap3A_32, %swap3A_33] : memref<10000x16xf32, #tpu.memory_space<vmem>>, vector<10000x16xf32>
    tpu.vector_store %arg6[%swap3A_32, %swap3A_33], %get3A_1 {strides = array<i32>} : memref<10000x16xf32, #tpu.memory_space<vmem>>, vector<10000x16xf32>,
    return
  }
}

module attributes {stable_mosaic.version = 14 : i64} {
  func.func @_tc3_body(%arg0: memref<2x10000x16xf32, #tpu.memory_space<vmem>>, %arg1: memref<10000x16xf32, #tpu.memory_space<vmem>>, %arg2: memref<10000x16xf32, #tpu.memory_space<vmem>>, %arg3: memref<1x16xf32, #tpu.memory_space<vmem>>, %arg4: memref<10000x16xf32, #tpu.memory_space<vmem>>) attributes {dimension_semantics = [], scalar_prefetch = 0 : i64, scratch_operands = 0 : i64, tpu.core_type = #tpu.core_type<tc>} {
    %get3A = arith.constant 0 : index
    %get3A_0 = arith.constant 0 : index
    %get3A_1 = arith.constant 0 : index
    %get3A_2 = vector.load %arg0[%get3A, %get3A_0, %get3A_1] : memref<2x10000x16xf32, #tpu.memory_space<vmem>>, vector<1x10000x16xf32>
    %get3A_3 = vector.shape_cast %get3A_2 : vector<1x10000x16xf32> to vector<10000x16xf32>
    %get3A_4 = arith.constant 1 : index
    %get3A_5 = arith.constant 0 : index
    %get3A_6 = arith.constant 0 : index
    %get3A_7 = vector.load %arg0[%get3A_4, %get3A_5, %get3A_6] : memref<2x10000x16xf32, #tpu.memory_space<vmem>>, vector<1x10000x16xf32>
    %get3A_8 = vector.shape_cast %get3A_7 : vector<1x10000x16xf32> to vector<10000x16xf32>
    %add3A = arith.addf %get3A_3, %get3A_8 : vector<10000x16xf32>
    %get3A_9 = arith.constant 0 : index
    %get3A_10 = arith.constant 0 : index
    %get3A_11 = vector.load %arg1[%get3A_9, %get3A_10] : memref<10000x16xf32, #tpu.memory_space<vmem>>, vector<10000x16xf32>
    %sub3A = arith.subf %add3A, %get3A_11 : vector<10000x16xf32>
    %get3A_12 = arith.constant 0 : index
    %get3A_13 = arith.constant 0 : index
    %get3A_14 = vector.load %arg2[%get3A_12, %get3A_13] : memref<10000x16xf32, #tpu.memory_space<vmem>>, vector<10000x16xf32>
    %mul3A = arith.mulf %sub3A, %get3A_14 : vector<10000x16xf32>
    %get3A_15 = arith.constant 0 : index
    %get3A_16 = arith.constant 0 : index
    %get3A_17 = vector.load %arg3[%get3A_15, %get3A_16] : memref<1x16xf32, #tpu.memory_space<vmem>>, vector<1x16xf32>
    %add3A_18 = vector.broadcast %get3A_17 : vector<1x16xf32> to vector<10000x16xf32>
    %add3A_19 = arith.addf %mul3A, %add3A_18 : vector<10000x16xf32>
    %swap3A = arith.constant 0 : index
    %swap3A_20 = arith.constant 0 : index
    %swap3A_21 = vector.load %arg4[%swap3A, %swap3A_20] : memref<10000x16xf32, #tpu.memory_space<vmem>>, vector<10000x16xf32>
    tpu.vector_store %arg4[%swap3A, %swap3A_20], %add3A_19 {strides = array<i32>} : memref<10000x16xf32, #tpu.memory_space<vmem>>, vector<10000x16xf32>,
    return
  }
}

</mosaic_0001>

<sc_bundles>
// kernel: kernel.12.cloned.1.call-start
scs
__scs_entry_jumppad:
0x0: {  	(pc) =	sbr.rel $0x88, $3  }
0x1: {  	(tag) =	ssettag $0x0;
	lr =	simm.s32 $0x1  }
0x2: {  	[smem:$0x3F9B] =	sst lr;
	_ =	strace $0xD0000000  }
0x3: {  	_ = 	snop  }
0x4: {  	_ = 	snop  }
0x5: {  	_ = 	snop  }
0x6: {  	_ = 	snop  }
0x7: {  	_ = 	snop  }
__scs_overlays_trampoline_lowered:
0x8: {  	[smem:$0x3FAA] =	sst s0  }
0x9: {  	[smem:$0x3FAB] =	sst s1  }
0xa: {  	[smem:$0x3FAC] =	sst s2  }
0xb: {  	[smem:$0x3FAD] =	sst s3  }
0xc: {  	[smem:$0x3FAE] =	sst s4  }
0xd: {  	[smem:$0x3FAF] =	sst s5  }
0xe: {  	[smem:$0x3FB0] =	sst s6  }
0xf: {  	[smem:$0x3FB1] =	sst s7  }
0x10: {  	[smem:$0x3FB2] =	sst s8  }
0x11: {  	[smem:$0x3FB3] =	sst s9;
	s0 =	simm.s32 @!p0 $0x0  }
0x12: {  	s1 =	sld [smem:$0x3F99];
	s0 =	simm.s32 @p0 $0x1  }
0x13: {  	[smem:$0x3FB4] =	sst s0;
	s0 =	simm.s32 @!p1 $0x0  }
0x14: {  	s2 =	sld [smem:$0x3F98];
	s0 =	simm.s32 @p1 $0x1  }
0x15: {  	[smem:$0x3FB5] =	sst s0;
	s0 =	simm.s32 @!p2 $0x0  }
0x16: {  	s3 =	sld [smem:$0x3FDB];
	s0 =	simm.s32 @p2 $0x1  }
0x17: {  	s4 =	simm.s32 $0x1BF5;
	[smem:$0x3FB7] =	sst s0  }
0x18: {  	s0 =	sld [smem:$0x3F9A];
	_ =	swait.ge [sflag:s4], $0x0  }
0x19: {  	s7 =	sld [smem:$0x3F9B]  }
0x1a: {  	s8 =	sadd.s32 $0xFFFFE003, lr  }
0x1b: {  	s9 =	sadd.s32 $0xFFFFFEF7, lr;
	s5 =	simm.s32 $0xFFFFFFFF;
	p2 =	slt.u32 s8, $0xFFFFF086  }
0x1c: {  	p1 =	slt.u32 s9, $0xF7A;
	s5 =	simm.s32 @!p2 $0x0  }
0x1d: {  	s5 =	simm.s32 @p1 $0x1;
	p0 =	seq.s32 s7, s2  }
0x1e: {  	s7 =	smul.u32 @!p0 $0xF7A, s2;
	p2 =	seq.s32 @!p0 s5, $0x0  }
0x1f: {  	s9 =	smul.u32 $0xF7A, s1;
	s8 =	simm.s32 @!p0 $0x1BF5;
	p2 =	por !p2, p0  }
0x20: {  	[sflag:s8] =	ssyncset.s32 @!p0 $0xFFFFF086;
	s6 =	sadd.s32 @!p0 s3, s7;
	s7 =	simm.s32 @!p0 $0x108  }
0x21: {  	s3 =	sadd.s32 s3, s9;
	s6 =	sadd.s32 @!p0 $0x88, s6;
	s7 =	simm.s32 @p2 $0x1082  }
0x22: {  	[simem:s7], [sflag:s8] =	dma.local @!p0 [hbm:s6], $0xF7A  }
0x23: {  	s9 =	sor.u32 $0xD0000000, s2;
	s6 =	simm.s32 $0x108;
	_ =	swait.ge @!p0 [sflag:s8], $0x0  }
0x24: {  	s3 =	sadd.s32 $0x88, s3;
	s6 =	simm.s32 @!p1 $0x1082;
	[sflag:s4] =	ssyncset.s32 $0xFFFFF086  }
0x25: {  	[simem:s6], [sflag:s4] =	dma.local [hbm:s3], $0xF7A  }
0x26: {  	[smem:$0x3F9B] =	sst s1;
	(tag) =	ssettag s2;
	_ =	strace s9  }
0x27: {  	s1 =	sld [smem:$0x3FAB]  }
0x28: {  	s2 =	sld [smem:$0x3FAC]  }
0x29: {  	s4 =	sld [smem:$0x3FAE]  }
0x2a: {  	p0 =	seq.s32 s5, $0x0;
	s5 =	sld [smem:$0x3FAF]  }
0x2b: {  	s6 =	sld [smem:$0x3FB0]  }
0x2c: {  	s7 =	sld [smem:$0x3FB1]  }
0x2d: {  	s3 =	simm.s32 $0x108;
	s8 =	sld [smem:$0x3FB2]  }
0x2e: {  	s3 =	simm.s32 @!p0 $0x1082;
	s9 =	sld [smem:$0x3FB3]  }
0x2f: {  	lr =	sadd.s32 s0, s3;
	s0 =	sld [smem:$0x3FAA]  }
0x30: {  	s3 =	sld [smem:$0x3FAD]  }
0x31: {  	[smem:$0x3FB6] =	sst s10  }
0x32: {  	s10 =	sld [smem:$0x3FB4];
	_ =	sdelay $0x3  }
0x33: {  	p0 =	seq.s32 s10, $0x1;
	s10 =	sld [smem:$0x3FB6];
	_ =	sdelay $0x3  }
0x34: {  	[smem:$0x3FB6] =	sst s10  }
0x35: {  	s10 =	sld [smem:$0x3FB5];
	_ =	sdelay $0x3  }
0x36: {  	p1 =	seq.s32 s10, $0x1;
	s10 =	sld [smem:$0x3FB6];
	_ =	sdelay $0x3  }
0x37: {  	[smem:$0x3FB6] =	sst s10  }
0x38: {  	s10 =	sld [smem:$0x3FB7]  }
0x39: {  	_ = 	snop;
	(pc) =	sbr.ind lr, $3  }
0x3a: {  	_ = 	snop  }
0x3b: {  	_ = 	snop  }
0x3c: {  	p2 =	seq.s32 s10, $0x1;
	s10 =	sld [smem:$0x3FB6]  }
0x3d: {  	_ =	shalt  }
0x3e: {  	_ =	shalt  }
0x3f: {  	_ =	shalt  }
0x40: {  	_ =	shalt  }
0x41: {  	_ =	shalt  }
0x42: {  	_ =	shalt  }
0x43: {  	_ =	shalt  }
0x44: {  	_ =	shalt  }
0x45: {  	_ =	shalt  }
0x46: {  	_ =	shalt  }
0x47: {  	_ =	shalt  }
0x48: {  	_ =	shalt  }
0x49: {  	_ =	shalt  }
0x4a: {  	_ =	shalt  }
0x4b: {  	_ =	shalt  }
0x4c: {  	_ =	shalt  }
0x4d: {  	_ =	shalt  }
0x4e: {  	_ =	shalt  }
0x4f: {  	_ =	shalt  }
0x50: {  	_ =	shalt  }
0x51: {  	_ =	shalt  }
0x52: {  	_ =	shalt  }
0x53: {  	_ =	shalt  }
0x54: {  	_ =	shalt  }
0x55: {  	_ =	shalt  }
0x56: {  	_ =	shalt  }
0x57: {  	_ =	shalt  }
0x58: {  	_ =	shalt  }
0x59: {  	_ =	shalt  }
0x5a: {  	_ =	shalt  }
0x5b: {  	_ =	shalt  }
0x5c: {  	_ =	shalt  }
0x5d: {  	_ =	shalt  }
0x5e: {  	_ =	shalt  }
0x5f: {  	_ =	shalt  }
0x60: {  	_ =	shalt  }
0x61: {  	_ =	shalt  }
0x62: {  	_ =	shalt  }
0x63: {  	_ =	shalt  }
0x64: {  	_ =	shalt  }
0x65: {  	_ =	shalt  }
0x66: {  	_ =	shalt  }
0x67: {  	_ =	shalt  }
0x68: {  	_ =	shalt  }
0x69: {  	_ =	shalt  }
0x6a: {  	_ =	shalt  }
0x6b: {  	_ =	shalt  }
0x6c: {  	_ =	shalt  }
0x6d: {  	_ =	shalt  }
0x6e: {  	_ =	shalt  }
0x6f: {  	_ =	shalt  }
0x70: {  	_ =	shalt  }
0x71: {  	_ =	shalt  }
0x72: {  	_ =	shalt  }
0x73: {  	_ =	shalt  }
0x74: {  	_ =	shalt  }
0x75: {  	_ =	shalt  }
0x76: {  	_ =	shalt  }
0x77: {  	_ =	shalt  }
0x78: {  	_ =	shalt  }
0x79: {  	_ =	shalt  }
0x7a: {  	_ =	shalt  }
0x7b: {  	_ =	shalt  }
0x7c: {  	_ =	shalt  }
0x7d: {  	_ =	shalt  }
0x7e: {  	_ =	shalt  }
0x7f: {  	_ =	shalt  }
0x80: {  	_ =	shalt  }
0x81: {  	_ =	shalt  }
0x82: {  	_ =	shalt  }
0x83: {  	_ =	shalt  }
0x84: {  	_ =	shalt  }
0x85: {  	_ =	shalt  }
0x86: {  	_ =	shalt  }
0x87: {  	_ =	shalt  }
.Lfunc_end0:
.L_simem_size_0:
called_computation.1_lowered:
.L_overlay_start_0:
0x88: {  	s2 =	sld [smem:$0x3FD9]  }
0x89: {  	s3 =	sld [smem:$0x3FFE];
	_ =	sdelay $0x1  }
0x8a: {  	s1 =	srdreg.scid  }
0x8b: {  	s0 =	sand.u32 $0x1, s1  }
0x8c: {  	s16 =	sshll.u32 s0, $0xA;
	s2 =	sadd.s32 s3, s2  }
0x8d: {  	s2 =	sadd.s32 s2, s16  }
0x8e: {  	[smem:$0x3FC2] =	sst s2  }
0x8f: {  	_ = 	snop  }
0x90: {  	(tm) =	ssettm $0x1  }
0x91: {  	s17 =	sld [smem:$0x3FFB];
	_ =	sdelay $0x3  }
0x92: {  	_ =	strace s17  }
0x93: {  	s2 =	sld [smem:$0x3FFC];
	_ =	sdelay $0x3  }
0x94: {  	_ =	strace s2  }
0x95: {  	s2 =	sld [smem:$0x3FFD];
	_ =	sdelay $0x3  }
0x96: {  	_ =	strace s2  }
0x97: {  	_ =	strace $0x8FFFFFFF  }
0x98: {  	s18 =	sld [smem:$0x3FDB];
	_ =	sdelay $0x1  }
0x99: {  	s19 =	simm.s32 $_scs_section_size  }
0x9a: {  	s4 =	simm.s32 $_size__tile_overlayer_lowered;
	s5 =	simm.s32 $_tile_overlayer_lowered  }
0x9b: {  	s22 =	simm.s32 $0x1BFF;
	s21 =	sshll.u32 s5, $0x1;
	s2 =	sadd.s32 s19, s18  }
0x9c: {  	s6 =	simm.s32 $0x0;
	s20 =	sshll.u32 s4, $0x1;
	s4 =	sadd.s32 s21, s2  }
0x9d: {  	[timem:s6], [sflag:s22] =	dma.local [hbm:s4], s20  }
0x9e: {  	_ =	swait.ge [sflag:s22], s20  }
0x9f: {  	s3 =	ssub.s32 $0x0, s20;
	[sflag:s22] =	ssyncset.done $0x0  }
0xa0: {  	[sflag:s22] =	ssyncadd.s32 s3;
	_ =	sdelay $0x1  }
0xa1: {  	s23 =	simm.s32 $0x1B8B  }
0xa2: {  	_ =	swait.ge [sflag:s23], $0x1  }
0xa3: {  	[sflag:s23] =	ssyncset.done $0x0  }
0xa4: {  	s25 =	simm.s32 $0x1B8E;
	s24 =	sld [smem:$0x3FFE];
	[sflag:s23] =	ssyncadd.s32 $0xFFFFFFFF  }
0xa5: {  	s26 =	simm.s32 $execute0_lowered;
	[smem:$0x3FD2] =	sst s25  }
0xa6: {  	s4 =	sshll.u32 s26, $0x1;
	_ =	strace $0x80000049;
	[dreg:$0x1] =	wrdreg $0xFFFFFFFF  }
0xa7: {  	s28 =	simm.s32 $_size_execute0_lowered;
	s2 =	sadd.s32 s2, s4;
	[dreg:$0x0] =	wrdreg $0x0  }
0xa8: {  	s4 =	sshll.u32 s28, $0x1;
	[dreg:$0x2] =	wrdreg s2  }
0xa9: {  	[dreg:$0x3] =	wrdreg s4  }
0xaa: {  	[dreg:$0x4] =	wrdreg $0xC0  }
0xab: {  	_ =	task [dreg:s6], $0x5FFFF  }
0xac: {  	[dreg:$0x1] =	wrdreg $0xFFFFFFFF  }
0xad: {  	[dreg:$0x0] =	wrdreg $0x60  }
0xae: {  	[dreg:$0x2] =	wrdreg s24  }
0xaf: {  	[dreg:$0x3] =	wrdreg $0x0  }
0xb0: {  	[dreg:$0x4] =	wrdreg $0x9  }
0xb1: {  	_ =	task.clear_ibuf [dreg:s6], $0x5FFFF;
	_ =	strace $0x90000049  }
0xb2: {  	s29 =	simm.s32 $0x9;
	_ =	strace $0x8000004B  }
0xb3: {  	_ =	swait.ge [sflag:s29], $0x1  }
0xb4: {  	[sflag:s29] =	ssyncadd.s32 $0xFFFFFFFF  }
0xb5: {  	_ =	strace $0x9000004B  }
0xb6: {  	_ =	sfence  }
0xb7: {  	s30 =	sld [smem:$0x0];
	_ =	sdelay $0x2  }
0xb8: {  	s31 =	sshll.u32 s1, $0xD;
	s1 =	sshrl.u32 s1, $0x2  }
0xb9: {  	s3 =	sand.u32 $0x4000, s31;
	s1 =	sadd.s32 s1, s30  }
0xba: {  	s0 =	sor.u32 s3, s0;
	s1 =	sshll.u32 s1, $0x11  }
0xbb: {  	s0 =	sor.u32 s1, s0  }
0xbc: {  	s0 =	sadd.s32 $0x8F2B, s0  }
0xbd: {  	[sflag:s0] =	ssyncadd.remote.s32 $0x1  }
0xbe: {  	_ =	sfence.sel $0xFFFF  }
0xbf: {  	[dreg:$0x0] =	wrdreg $0xFFFFFFFF;
	(pc) =	sbr.abs _section_cstart, $3  }
0xc0: {  	[dreg:$0x1] =	wrdreg $0xFFFFFFFF  }
0xc1: {  	_ =	task.clear_ibuf [dreg:s6], $0x2FFFF;
	_ =	strace $0x9FFFFFFF  }
0xc2: {  	(tm) =	ssettm $0x7FFFFFFF  }
0xc3: {  	_ =	shalt  }
tec
execute0_lowered:
.L_overlay_start_1:
0x0: {  	(tag) =	ssettag $0x1  }
0x1: {  	s0 =	rddreg [dreg:$0x0]  }
0x2: {  	s1 =	rddreg [dreg:$0x1];
	s2 =	srdreg.scid  }
0x3: {  	s9 =	stileid.u32;
	s4 =	simm.s32 $0x0;
	s15 =	simm.s32 $0x1  }
0x4: {  	s16 =	simm.s32 $0x16280;
	s17 =	simm.s32 $0x20;
	s18 =	simm.s32 $0x18A80  }
0x5: {  	s28 =	simm.s32 $0x1CA80;
	s29 =	simm.s32 $0x2;
	s30 =	simm.s32 $0x7  }
0x6: {  	s19 =	simm.s32 $0x8;
	s31 =	simm.s32 $0x9;
	s2 =	sand.u32 $0x1, s2  }
0x7: {  	s3 =	sshll.u32 s9, $0x1;
	[smem:$0x7FF] =	sst s4;
	s4 =	sadd.s32 $0x20200, s0  }
0x8: {  	s7 =	smul.u32 $0x13800, s9;
	s8 =	sadd.s32 $0x47400, s0;
	s24 =	sadd.s32 $0x138000, s1  }
0x9: {  	p0 =	sne.s32 s9, $0x0;
	s3 =	sor.u32 s2, s3;
	_ =	strace $0x8000004A  }
0xa: {  	s5 =	ssub.s32 $0x2, s2;
	s2 =	smul.u32 $0x138800, s2;
	[dreg:$0x7] =	wrdreg s24  }
0xb: {  	s24 =	simm.s32 $0x1BA80;
	s3 =	smul.u32 $0x500, s3;
	s6 =	sshrl.u32 s5, $0x1  }
0xc: {  	s21 =	sshrl.u32 s7, $0x3;
	s22 =	sadd.s32 s7, s1;
	s5 =	ssub.s32 s5, s6  }
0xd: {  	[dreg:$0x5] =	wrdreg s22;
	s23 =	sadd.s32 s4, s21;
	s25 =	sadd.s32 s7, s2  }
0xe: {  	s2 =	sshrl.u32 s2, $0x3;
	s22 =	simm.s32 $0x1AA80;
	s21 =	simm.s32 $0x5  }
0xf: {  	s3 =	sadd.s32 s3, s0;
	[dreg:$0x6] =	wrdreg s23;
	s0 =	sadd.s32 $0x47200, s0  }
0x10: {  	s26 =	sshrl.u32 s25, $0x3;
	s2 =	sadd.s32 s8, s2;
	s13 =	smax.u32 s5, $0x1  }
0x11: {  	s25 =	simm.s32 $0xD;
	s23 =	simm.s32 $0x4;
	s5 =	simm.s32 $0x0  }
0x12: {  	s20 =	sadd.s32 $0xC200, s3;
	s3 =	sadd.s32 $0x16200, s3;
	[dreg:$0x8] =	wrdreg s0  }
0x13: {  	s11 =	sadd.s32 s8, s26;
	s12 =	sadd.s32 $0x27000, s2;
	s0 =	simm.s32 $0x3  }
0x14: {  	s2 =	simm.s32 $0xA;
	s26 =	simm.s32 $0x6;
	[dreg:$0x3] =	wrdreg s20  }
0x15: {  	[dreg:$0x4] =	wrdreg s3;
	s20 =	simm.s32 $0x19A80;
	s3 =	simm.s32 $0xB  }
.LBB2_1:
0x16: {  	s6 =	simm.s32 $0x0;
	s7 =	rddreg [dreg:$0x3];
	s8 =	simm.s32 $0x13A80  }
0x17: {  	[tilespmem:s8], [sflag:$0x1] =	stream.linear.gather [hbm4b:s7+s6], $0x2800, $0x38;
	[tilespmem:$0x1DA80] =	vst v63  }
0x18: {  	_ =	swait.ge [sflag:s15], $0x2800  }
0x19: {  	[sflag:s15] =	ssyncset.done $0x0  }
0x1a: {  	s14 =	rddreg [dreg:$0x4];
	[sflag:s15] =	ssyncadd.s32 $0xFFFFD800  }
0x1b: {  	[tilespmem:s16], [sflag:$0x1] =	stream.linear.gather [hbm4b:s14+s6], $0x2800, $0x38;
	[tilespmem:$0x1DA80] =	vst v63  }
0x1c: {  	_ =	swait.ge [sflag:s15], $0x2800  }
0x1d: {  	[sflag:s15] =	ssyncset.done $0x0  }
0x1e: {  	[sflag:s15] =	ssyncadd.s32 $0xFFFFD800  }
0x1f: {  	[tilespmem:s18], [sflag:$0x2] =	stream.indirect.gather [hbm4b:s4+s17], $0x80, s8, s17, $0xb8;
	[tilespmem:$0x1DA80] =	vst v63  }
0x20: {  	s9 =	simm.s32 $0x13AA0;
	s10 =	simm.s32 $0x13AC0;
	s7 =	stileid.u32  }
0x21: {  	[tilespmem:s20], [sflag:$0x3] =	stream.indirect.gather [hbm4b:s4+s17], $0x80, s9, s17, $0xb8;
	[tilespmem:$0x1DA80] =	vst v63  }
0x22: {  	s14 =	simm.s32 $0x13AE0;
	s6 =	sshll.u32 s7, $0x6;
	s8 =	rddreg [dreg:$0x5]  }
0x23: {  	[tilespmem:s22], [sflag:$0x4] =	stream.indirect.gather [hbm4b:s4+s17], $0x80, s10, s17, $0xb8;
	[tilespmem:$0x1DA80] =	vst v63  }
0x24: {  	s6 =	sor.u32 $0x1C0D, s6;
	s7 =	sshrl.u32 s8, $0x3;
	s9 =	rddreg [dreg:$0x6]  }
0x25: {  	[tilespmem:s24], [sflag:$0x5] =	stream.indirect.gather [hbm4b:s4+s17], $0x80, s14, s17, $0xb8;
	[tilespmem:$0x1DA80] =	vst v63  }
0x26: {  	[spmem:s7], [sflag:s6] =	dma.local [hbm:s9], $0x2700  }
0x27: {  	_ =	swait.ge [sflag:s25], $0x2700  }
0x28: {  	[sflag:s25] =	ssyncset.done $0x0;
	s8 =	rddreg [dreg:$0x7]  }
0x29: {  	s9 =	rddreg [dreg:$0x8];
	[sflag:s25] =	ssyncadd.s32 $0xFFFFD900;
	s8 =	sshrl.u32 @!p0 s8, $0x3  }
0x2a: {  	[spmem:s8], [sflag:s6] =	dma.local @!p0 [hbm:s9], $0x100  }
0x2b: {  	s9 =	simm.s32 @!p0 $0xD  }
0x2c: {  	_ =	swait.ge @!p0 [sflag:s9], $0x100  }
0x2d: {  	[sflag:s9] =	ssyncset.done @!p0 $0x0  }
0x2e: {  	[sflag:s9] =	ssyncadd.s32 @!p0 $0xFFFFFF00  }
0x2f: {  	s10 =	simm.s32 $0x13B00;
	[bflag:$0x0] =	sbarrier.arrive $0xFFFF  }
0x30: {  	[tilespmem:s28], [sflag:$0x6] =	stream.indirect.gather [hbm4b:s4+s17], $0x80, s10, s17, $0xb8;
	[tilespmem:$0x1DA80] =	vst v63  }
0x31: {  	_ =	swait.ge [sflag:s29], $0x1000  }
0x32: {  	[sflag:s29] =	ssyncset.done $0x0  }
0x33: {  	[sflag:s29] =	ssyncadd.s32 $0xFFFFF000  }
0x34: {  	[spmem:s1] =	stream.indirect.scatter.add.f32 [tilespmem:s18], [sflag:$0x7], $0x80, s16, s17, $0xb8;
	[tilespmem:$0x1DA80] =	vst v63  }
0x35: {  	_ =	swait.ge [sflag:s30], $0x1000  }
0x36: {  	[sflag:s30] =	ssyncset.done $0x0  }
0x37: {  	s14 =	simm.s32 $0x13B20;
	[sflag:s30] =	ssyncadd.s32 $0xFFFFF000  }
0x38: {  	[tilespmem:s18], [sflag:$0x2] =	stream.indirect.gather [hbm4b:s4+s17], $0x80, s14, s17, $0xb8;
	[tilespmem:$0x1DA80] =	vst v63  }
0x39: {  	_ =	swait.ge [sflag:s0], $0x1000  }
0x3a: {  	[sflag:s0] =	ssyncset.done $0x0  }
0x3b: {  	s10 =	simm.s32 $0x162A0;
	[sflag:s0] =	ssyncadd.s32 $0xFFFFF000  }
0x3c: {  	[spmem:s1] =	stream.indirect.scatter.add.f32 [tilespmem:s20], [sflag:$0x8], $0x80, s10, s17, $0xb8;
	[tilespmem:$0x1DA80] =	vst v63  }
0x3d: {  	_ =	swait.ge [sflag:s19], $0x1000  }
0x3e: {  	[sflag:s19] =	ssyncset.done $0x0  }
0x3f: {  	s14 =	simm.s32 $0x13B40;
	[sflag:s19] =	ssyncadd.s32 $0xFFFFF000  }
0x40: {  	[tilespmem:s20], [sflag:$0x3] =	stream.indirect.gather [hbm4b:s4+s17], $0x80, s14, s17, $0xb8;
	[tilespmem:$0x1DA80] =	vst v63  }
0x41: {  	_ =	swait.ge [sflag:s23], $0x1000  }
0x42: {  	[sflag:s23] =	ssyncset.done $0x0  }
0x43: {  	s10 =	simm.s32 $0x162C0;
	[sflag:s23] =	ssyncadd.s32 $0xFFFFF000  }
0x44: {  	[spmem:s1] =	stream.indirect.scatter.add.f32 [tilespmem:s22], [sflag:$0x9], $0x80, s10, s17, $0xb8;
	[tilespmem:$0x1DA80] =	vst v63  }
0x45: {  	_ =	swait.ge [sflag:s31], $0x1000  }
0x46: {  	[sflag:s31] =	ssyncset.done $0x0  }
0x47: {  	s14 =	simm.s32 $0x13B60;
	[sflag:s31] =	ssyncadd.s32 $0xFFFFF000  }
0x48: {  	[tilespmem:s22], [sflag:$0x4] =	stream.indirect.gather [hbm4b:s4+s17], $0x80, s14, s17, $0xb8;
	[tilespmem:$0x1DA80] =	vst v63  }
0x49: {  	_ =	swait.ge [sflag:s21], $0x1000  }
0x4a: {  	[sflag:s21] =	ssyncset.done $0x0  }
0x4b: {  	s10 =	simm.s32 $0x162E0;
	[sflag:s21] =	ssyncadd.s32 $0xFFFFF000  }
0x4c: {  	[spmem:s1] =	stream.indirect.scatter.add.f32 [tilespmem:s24], [sflag:$0xA], $0x80, s10, s17, $0xb8;
	[tilespmem:$0x1DA80] =	vst v63  }
0x4d: {  	_ =	swait.ge [sflag:s2], $0x1000  }
0x4e: {  	[sflag:s2] =	ssyncset.done $0x0  }
0x4f: {  	s14 =	simm.s32 $0x13B80;
	[sflag:s2] =	ssyncadd.s32 $0xFFFFF000  }
0x50: {  	[tilespmem:s24], [sflag:$0x5] =	stream.indirect.gather [hbm4b:s4+s17], $0x80, s14, s17, $0xb8;
	[tilespmem:$0x1DA80] =	vst v63  }
0x51: {  	_ =	swait.ge [sflag:s26], $0x1000  }
0x52: {  	[sflag:s26] =	ssyncset.done $0x0  }
0x53: {  	s10 =	simm.s32 $0x16300;
	[sflag:s26] =	ssyncadd.s32 $0xFFFFF000  }
0x54: {  	[spmem:s1] =	stream.indirect.scatter.add.f32 [tilespmem:s28], [sflag:$0xB], $0x80, s10, s17, $0xb8;
	[tilespmem:$0x1DA80] =	vst v63  }
0x55: {  	_ =	swait.ge [sflag:s3], $0x1000  }
0x56: {  	[sflag:s3] =	ssyncset.done $0x0  }
0x57: {  	s14 =	simm.s32 $0x13BA0;
	[sflag:s3] =	ssyncadd.s32 $0xFFFFF000  }
0x58: {  	[tilespmem:s28], [sflag:$0x6] =	stream.indirect.gather [hbm4b:s4+s17], $0x80, s14, s17, $0xb8;
	[tilespmem:$0x1DA80] =	vst v63  }
0x59: {  	_ =	swait.ge [sflag:s29], $0x1000  }
0x5a: {  	[sflag:s29] =	ssyncset.done $0x0  }
0x5b: {  	s10 =	simm.s32 $0x16320;
	[sflag:s29] =	ssyncadd.s32 $0xFFFFF000  }
0x5c: {  	[spmem:s1] =	stream.indirect.scatter.add.f32 [tilespmem:s18], [sflag:$0x7], $0x80, s10, s17, $0xb8;
	[tilespmem:$0x1DA80] =	vst v63  }
0x5d: {  	_ =	swait.ge [sflag:s30], $0x1000  }
0x5e: {  	[sflag:s30] =	ssyncset.done $0x0  }
0x5f: {  	s14 =	simm.s32 $0x13BC0;
	[sflag:s30] =	ssyncadd.s32 $0xFFFFF000  }
0x60: {  	[tilespmem:s18], [sflag:$0x2] =	stream.indirect.gather [hbm4b:s4+s17], $0x80, s14, s17, $0xb8;
	[tilespmem:$0x1DA80] =	vst v63  }
0x61: {  	_ =	swait.ge [sflag:s0], $0x1000  }
0x62: {  	[sflag:s0] =	ssyncset.done $0x0  }
0x63: {  	s10 =	simm.s32 $0x16340;
	[sflag:s0] =	ssyncadd.s32 $0xFFFFF000  }
0x64: {  	[spmem:s1] =	stream.indirect.scatter.add.f32 [tilespmem:s20], [sflag:$0x8], $0x80, s10, s17, $0xb8;
	[tilespmem:$0x1DA80] =	vst v63  }
0x65: {  	_ =	swait.ge [sflag:s19], $0x1000  }
0x66: {  	[sflag:s19] =	ssyncset.done $0x0  }
0x67: {  	s14 =	simm.s32 $0x13BE0;
	[sflag:s19] =	ssyncadd.s32 $0xFFFFF000  }
0x68: {  	[tilespmem:s20], [sflag:$0x3] =	stream.indirect.gather [hbm4b:s4+s17], $0x80, s14, s17, $0xb8;
	[tilespmem:$0x1DA80] =	vst v63  }
0x69: {  	_ =	swait.ge [sflag:s23], $0x1000  }
0x6a: {  	[sflag:s23] =	ssyncset.done $0x0  }
0x6b: {  	s10 =	simm.s32 $0x16360;
	[sflag:s23] =	ssyncadd.s32 $0xFFFFF000  }
0x6c: {  	[spmem:s1] =	stream.indirect.scatter.add.f32 [tilespmem:s22], [sflag:$0x9], $0x80, s10, s17, $0xb8;
	[tilespmem:$0x1DA80] =	vst v63  }
0x6d: {  	_ =	swait.ge [sflag:s31], $0x1000  }
0x6e: {  	[sflag:s31] =	ssyncset.done $0x0  }
0x6f: {  	s14 =	simm.s32 $0x13C00;
	[sflag:s31] =	ssyncadd.s32 $0xFFFFF000  }
0x70: {  	[tilespmem:s22], [sflag:$0x4] =	stream.indirect.gather [hbm4b:s4+s17], $0x80, s14, s17, $0xb8;
	[tilespmem:$0x1DA80] =	vst v63  }
0x71: {  	_ =	swait.ge [sflag:s21], $0x1000  }
0x72: {  	[sflag:s21] =	ssyncset.done $0x0  }
0x73: {  	s10 =	simm.s32 $0x16380;
	[sflag:s21] =	ssyncadd.s32 $0xFFFFF000  }
0x74: {  	[spmem:s1] =	stream.indirect.scatter.add.f32 [tilespmem:s24], [sflag:$0xA], $0x80, s10, s17, $0xb8;
	[tilespmem:$0x1DA80] =	vst v63  }
0x75: {  	_ =	swait.ge [sflag:s2], $0x1000  }
0x76: {  	[sflag:s2] =	ssyncset.done $0x0  }
0x77: {  	s14 =	simm.s32 $0x13C20;
	[sflag:s2] =	ssyncadd.s32 $0xFFFFF000  }
0x78: {  	[tilespmem:s24], [sflag:$0x5] =	stream.indirect.gather [hbm4b:s4+s17], $0x80, s14, s17, $0xb8;
	[tilespmem:$0x1DA80] =	vst v63  }
0x79: {  	_ =	swait.ge [sflag:s26], $0x1000  }
0x7a: {  	[sflag:s26] =	ssyncset.done $0x0  }
0x7b: {  	s9 =	simm.s32 $0x280;
	s10 =	simm.s32 $0x163A0;
	[sflag:s26] =	ssyncadd.s32 $0xFFFFF000  }
.LBB2_2:
0x7c: {  	[spmem:s1] =	stream.indirect.scatter.add.f32 [tilespmem:s28], [sflag:$0xB], $0x80, s10, s17, $0xb8;
	[tilespmem:$0x1DA80] =	vst v63  }
0x7d: {  	s10 =	smov.u32 s9;
	s9 =	sadd.s32 $0x280, s9;
	_ =	swait.ge [sflag:s3], $0x1000  }
0x7e: {  	s10 =	sshra.s32 s10, $0x2;
	p1 =	sne.s32 s9, $0x9B00;
	[sflag:s3] =	ssyncset.done $0x0  }
0x7f: {  	s14 =	sadd.s32 $0x13BA0, s10;
	[sflag:s3] =	ssyncadd.s32 $0xFFFFF000  }
0x80: {  	[tilespmem:s28], [sflag:$0x6] =	stream.indirect.gather [hbm4b:s4+s17], $0x80, s14, s17, $0xb8;
	[tilespmem:$0x1DA80] =	vst v63  }
0x81: {  	_ =	swait.ge [sflag:s29], $0x1000  }
0x82: {  	[sflag:s29] =	ssyncset.done $0x0  }
0x83: {  	s14 =	sadd.s32 $0x16320, s10;
	[sflag:s29] =	ssyncadd.s32 $0xFFFFF000  }
0x84: {  	[spmem:s1] =	stream.indirect.scatter.add.f32 [tilespmem:s18], [sflag:$0x7], $0x80, s14, s17, $0xb8;
	[tilespmem:$0x1DA80] =	vst v63  }
0x85: {  	_ =	swait.ge [sflag:s30], $0x1000  }
0x86: {  	[sflag:s30] =	ssyncset.done $0x0  }
0x87: {  	s14 =	sadd.s32 $0x13BC0, s10;
	[sflag:s30] =	ssyncadd.s32 $0xFFFFF000  }
0x88: {  	[tilespmem:s18], [sflag:$0x2] =	stream.indirect.gather [hbm4b:s4+s17], $0x80, s14, s17, $0xb8;
	[tilespmem:$0x1DA80] =	vst v63  }
0x89: {  	_ =	swait.ge [sflag:s0], $0x1000  }
0x8a: {  	[sflag:s0] =	ssyncset.done $0x0  }
0x8b: {  	s14 =	sadd.s32 $0x16340, s10;
	[sflag:s0] =	ssyncadd.s32 $0xFFFFF000  }
0x8c: {  	[spmem:s1] =	stream.indirect.scatter.add.f32 [tilespmem:s20], [sflag:$0x8], $0x80, s14, s17, $0xb8;
	[tilespmem:$0x1DA80] =	vst v63  }
0x8d: {  	_ =	swait.ge [sflag:s19], $0x1000  }
0x8e: {  	[sflag:s19] =	ssyncset.done $0x0  }
0x8f: {  	s14 =	sadd.s32 $0x13BE0, s10;
	[sflag:s19] =	ssyncadd.s32 $0xFFFFF000  }
0x90: {  	[tilespmem:s20], [sflag:$0x3] =	stream.indirect.gather [hbm4b:s4+s17], $0x80, s14, s17, $0xb8;
	[tilespmem:$0x1DA80] =	vst v63  }
0x91: {  	_ =	swait.ge [sflag:s23], $0x1000  }
0x92: {  	[sflag:s23] =	ssyncset.done $0x0  }
0x93: {  	s14 =	sadd.s32 $0x16360, s10;
	[sflag:s23] =	ssyncadd.s32 $0xFFFFF000  }
0x94: {  	[spmem:s1] =	stream.indirect.scatter.add.f32 [tilespmem:s22], [sflag:$0x9], $0x80, s14, s17, $0xb8;
	[tilespmem:$0x1DA80] =	vst v63  }
0x95: {  	_ =	swait.ge [sflag:s31], $0x1000  }
0x96: {  	[sflag:s31] =	ssyncset.done $0x0  }
0x97: {  	s14 =	sadd.s32 $0x13C00, s10;
	[sflag:s31] =	ssyncadd.s32 $0xFFFFF000  }
0x98: {  	[tilespmem:s22], [sflag:$0x4] =	stream.indirect.gather [hbm4b:s4+s17], $0x80, s14, s17, $0xb8;
	[tilespmem:$0x1DA80] =	vst v63  }
0x99: {  	_ =	swait.ge [sflag:s21], $0x1000  }
0x9a: {  	[sflag:s21] =	ssyncset.done $0x0  }
0x9b: {  	s14 =	sadd.s32 $0x16380, s10;
	[sflag:s21] =	ssyncadd.s32 $0xFFFFF000  }
0x9c: {  	[spmem:s1] =	stream.indirect.scatter.add.f32 [tilespmem:s24], [sflag:$0xA], $0x80, s14, s17, $0xb8;
	[tilespmem:$0x1DA80] =	vst v63  }
0x9d: {  	_ =	swait.ge [sflag:s2], $0x1000  }
0x9e: {  	[sflag:s2] =	ssyncset.done $0x0  }
.Ltmp0:
0x9f: {  	s14 =	sadd.s32 $0x13C20, s10;
	[sflag:s2] =	ssyncadd.s32 $0xFFFFF000;
	(pc) =	sbr.rel @p1 .LBB2_2-.Ltmp0, $4  }
0xa0: {  	[tilespmem:s24], [sflag:$0x5] =	stream.indirect.gather [hbm4b:s4+s17], $0x80, s14, s17, $0xb8;
	[tilespmem:$0x1DA80] =	vst v63  }
0xa1: {  	_ =	swait.ge [sflag:s26], $0x1000  }
0xa2: {  	[sflag:s26] =	ssyncset.done $0x0  }
0xa3: {  	s10 =	sadd.s32 $0x163A0, s10;
	[sflag:s26] =	ssyncadd.s32 $0xFFFFF000  }
0xa4: {  	[spmem:s1] =	stream.indirect.scatter.add.f32 [tilespmem:s28], [sflag:$0xB], $0x80, s10, s17, $0xb8;
	[tilespmem:$0x1DA80] =	vst v63  }
0xa5: {  	_ =	swait.ge [sflag:s3], $0x1000  }
0xa6: {  	[sflag:s3] =	ssyncset.done $0x0  }
0xa7: {  	s14 =	simm.s32 $0x16260;
	[sflag:s3] =	ssyncadd.s32 $0xFFFFF000  }
0xa8: {  	[tilespmem:s28], [sflag:$0x6] =	stream.indirect.gather [hbm4b:s4+s17], $0x80, s14, s17, $0xb8;
	[tilespmem:$0x1DA80] =	vst v63  }
0xa9: {  	_ =	swait.ge [sflag:s29], $0x1000  }
0xaa: {  	s9 =	sshra.s32 s9, $0x2;
	[sflag:s29] =	ssyncset.done $0x0  }
0xab: {  	s14 =	sadd.s32 $0x16320, s9;
	[sflag:s29] =	ssyncadd.s32 $0xFFFFF000  }
0xac: {  	[spmem:s1] =	stream.indirect.scatter.add.f32 [tilespmem:s18], [sflag:$0x7], $0x80, s14, s17, $0xb8;
	[tilespmem:$0x1DA80] =	vst v63  }
0xad: {  	_ =	swait.ge [sflag:s0], $0x1000  }
0xae: {  	[sflag:s0] =	ssyncset.done $0x0  }
0xaf: {  	s14 =	sadd.s32 $0x16340, s9;
	[sflag:s0] =	ssyncadd.s32 $0xFFFFF000  }
0xb0: {  	[spmem:s1] =	stream.indirect.scatter.add.f32 [tilespmem:s20], [sflag:$0x8], $0x80, s14, s17, $0xb8;
	[tilespmem:$0x1DA80] =	vst v63  }
0xb1: {  	_ =	swait.ge [sflag:s23], $0x1000  }
0xb2: {  	[sflag:s23] =	ssyncset.done $0x0  }
0xb3: {  	s14 =	sadd.s32 $0x16360, s9;
	[sflag:s23] =	ssyncadd.s32 $0xFFFFF000  }
0xb4: {  	[spmem:s1] =	stream.indirect.scatter.add.f32 [tilespmem:s22], [sflag:$0x9], $0x80, s14, s17, $0xb8;
	[tilespmem:$0x1DA80] =	vst v63  }
0xb5: {  	_ =	swait.ge [sflag:s21], $0x1000  }
0xb6: {  	[sflag:s21] =	ssyncset.done $0x0  }
0xb7: {  	s9 =	sadd.s32 $0x16380, s9;
	[sflag:s21] =	ssyncadd.s32 $0xFFFFF000  }
0xb8: {  	[spmem:s1] =	stream.indirect.scatter.add.f32 [tilespmem:s24], [sflag:$0xA], $0x80, s9, s17, $0xb8;
	[tilespmem:$0x1DA80] =	vst v63  }
0xb9: {  	_ =	swait.ge [sflag:s26], $0x1000  }
0xba: {  	[sflag:s26] =	ssyncset.done $0x0  }
0xbb: {  	s14 =	simm.s32 $0x18A60;
	[sflag:s26] =	ssyncadd.s32 $0xFFFFF000  }
0xbc: {  	[spmem:s1] =	stream.indirect.scatter.add.f32 [tilespmem:s28], [sflag:$0xB], $0x80, s14, s17, $0xb8;
	[tilespmem:$0x1DA80] =	vst v63  }
0xbd: {  	_ =	swait.ge [sflag:s30], $0x1000  }
0xbe: {  	[sflag:s30] =	ssyncset.done $0x0  }
0xbf: {  	[sflag:s30] =	ssyncadd.s32 $0xFFFFF000  }
0xc0: {  	_ =	swait.ge [sflag:s19], $0x1000  }
0xc1: {  	[sflag:s19] =	ssyncset.done $0x0  }
0xc2: {  	[sflag:s19] =	ssyncadd.s32 $0xFFFFF000  }
0xc3: {  	_ =	swait.ge [sflag:s31], $0x1000  }
0xc4: {  	[sflag:s31] =	ssyncset.done $0x0  }
0xc5: {  	[sflag:s31] =	ssyncadd.s32 $0xFFFFF000  }
0xc6: {  	_ =	swait.ge [sflag:s2], $0x1000  }
0xc7: {  	[sflag:s2] =	ssyncset.done $0x0  }
0xc8: {  	[sflag:s2] =	ssyncadd.s32 $0xFFFFF000  }
0xc9: {  	_ =	swait.ge [sflag:s3], $0x1000  }
0xca: {  	[sflag:s3] =	ssyncset.done $0x0  }
0xcb: {  	[sflag:s3] =	ssyncadd.s32 $0xFFFFF000  }
0xcc: {  	[bflag:$0x0] =	sbarrier.arrive $0xFFFF  }
0xcd: {  	[hbm:s11], [sflag:s6] =	dma.local [spmem:s7], $0x2700  }
0xce: {  	_ =	swait.ge [sflag:s25], $0x2700  }
0xcf: {  	s5 =	sadd.s32 $0x1, s5;
	[sflag:s25] =	ssyncset.done $0x0  }
0xd0: {  	p1 =	sne.s32 s5, s13;
	s6 =	simm.s32 @!p0 $0x1C0C;
	[sflag:s25] =	ssyncadd.s32 $0xFFFFD900  }
0xd1: {  	[hbm:s12], [sflag:s6] =	dma.local @!p0 [spmem:s8], $0x100  }
.Ltmp1:
0xd2: {  	_ = 	snop;
	(pc) =	sbr.rel @p1 .LBB2_1-.Ltmp1, $4  }
0xd3: {  	s6 =	simm.s32 @!p0 $0xC  }
0xd4: {  	_ =	swait.ge @!p0 [sflag:s6], $0x100  }
0xd5: {  	[sflag:s6] =	ssyncset.done @!p0 $0x0  }
0xd6: {  	[sflag:s6] =	ssyncadd.s32 @!p0 $0xFFFFFF00  }
0xd7: {  	_ =	sfence.sel $0x180000  }
0xd8: {  	[bflag:$0x0] =	sbarrier.arrive $0xFFFF  }
0xd9: {  	_ =	strace $0x9000004A  }
0xda: {  	[bflag:$0x2] =	sbarrier.arrive $0xFFFF  }
0xdb: {  	s0 =	rddreg [dreg:$0x2]  }
0xdc: {  	s0 =	sadd.s32 @!p0 $0x100000, s0  }
0xdd: {  	[sflag:s0] =	ssyncadd.tile.s32 @!p0 $0x1;
	_ =	shalt  }
.Lfunc_end2:
_tile_overlayer_lowered:
.L_overlay_start_2:
0xde: {  	(tag) =	ssettag $0x2  }
0xdf: {  	s0 =	rddreg [dreg:$0x0];
	s2 =	stileid.u32  }
0xe0: {  	s1 =	rddreg [dreg:$0x1];
	p0 =	sne.s32 s2, $0x0  }
0xe1: {  	s3 =	rddreg [dreg:$0x2];
	[bflag:$0x3] =	sbarrier.arrive $0xFFFF;
	s2 =	simm.s32 @!p0 $0x1C01  }
0xe2: {  	[timem:s3], [sflag:s2] =	dma.local @!p0 [hbm:s0], s1  }
0xe3: {  	s0 =	simm.s32 @!p0 $0x1  }
0xe4: {  	_ =	swait.ge @!p0 [sflag:s0], s1  }
0xe5: {  	s1 =	ssub.s32 @!p0 $0x0, s1;
	[sflag:s0] =	ssyncset.done @!p0 $0x0  }
0xe6: {  	[sflag:s0] =	ssyncadd.s32 @!p0 s1  }
0xe7: {  	[bflag:$0x3] =	sbarrier.arrive $0xFFFF  }
0xe8: {  	_ =	shalt  }

// kernel: kernel.15.cloned.1.call-start
scs
__scs_entry_jumppad:
0x0: {  	(pc) =	sbr.rel $0x88, $3  }
0x1: {  	(tag) =	ssettag $0x0;
	lr =	simm.s32 $0x1  }
0x2: {  	[smem:$0x3F9B] =	sst lr;
	_ =	strace $0xD0000000  }
0x3: {  	_ = 	snop  }
0x4: {  	_ = 	snop  }
0x5: {  	_ = 	snop  }
0x6: {  	_ = 	snop  }
0x7: {  	_ = 	snop  }
__scs_overlays_trampoline_lowered:
0x8: {  	[smem:$0x3FAA] =	sst s0  }
0x9: {  	[smem:$0x3FAB] =	sst s1  }
0xa: {  	[smem:$0x3FAC] =	sst s2  }
0xb: {  	[smem:$0x3FAD] =	sst s3  }
0xc: {  	[smem:$0x3FAE] =	sst s4  }
0xd: {  	[smem:$0x3FAF] =	sst s5  }
0xe: {  	[smem:$0x3FB0] =	sst s6  }
0xf: {  	[smem:$0x3FB1] =	sst s7  }
0x10: {  	[smem:$0x3FB2] =	sst s8  }
0x11: {  	[smem:$0x3FB3] =	sst s9;
	s0 =	simm.s32 @!p0 $0x0  }
0x12: {  	s1 =	sld [smem:$0x3F99];
	s0 =	simm.s32 @p0 $0x1  }
0x13: {  	[smem:$0x3FB4] =	sst s0;
	s0 =	simm.s32 @!p1 $0x0  }
0x14: {  	s2 =	sld [smem:$0x3F98];
	s0 =	simm.s32 @p1 $0x1  }
0x15: {  	[smem:$0x3FB5] =	sst s0;
	s0 =	simm.s32 @!p2 $0x0  }
0x16: {  	s3 =	sld [smem:$0x3FDB];
	s0 =	simm.s32 @p2 $0x1  }
0x17: {  	s4 =	simm.s32 $0x1BF5;
	[smem:$0x3FB7] =	sst s0  }
0x18: {  	s0 =	sld [smem:$0x3F9A];
	_ =	swait.ge [sflag:s4], $0x0  }
0x19: {  	s7 =	sld [smem:$0x3F9B]  }
0x1a: {  	s8 =	sadd.s32 $0xFFFFE003, lr  }
0x1b: {  	s9 =	sadd.s32 $0xFFFFFEF7, lr;
	s5 =	simm.s32 $0xFFFFFFFF;
	p2 =	slt.u32 s8, $0xFFFFF086  }
0x1c: {  	p1 =	slt.u32 s9, $0xF7A;
	s5 =	simm.s32 @!p2 $0x0  }
0x1d: {  	s5 =	simm.s32 @p1 $0x1;
	p0 =	seq.s32 s7, s2  }
0x1e: {  	s7 =	smul.u32 @!p0 $0xF7A, s2;
	p2 =	seq.s32 @!p0 s5, $0x0  }
0x1f: {  	s9 =	smul.u32 $0xF7A, s1;
	s8 =	simm.s32 @!p0 $0x1BF5;
	p2 =	por !p2, p0  }
0x20: {  	[sflag:s8] =	ssyncset.s32 @!p0 $0xFFFFF086;
	s6 =	sadd.s32 @!p0 s3, s7;
	s7 =	simm.s32 @!p0 $0x108  }
0x21: {  	s3 =	sadd.s32 s3, s9;
	s6 =	sadd.s32 @!p0 $0x88, s6;
	s7 =	simm.s32 @p2 $0x1082  }
0x22: {  	[simem:s7], [sflag:s8] =	dma.local @!p0 [hbm:s6], $0xF7A  }
0x23: {  	s9 =	sor.u32 $0xD0000000, s2;
	s6 =	simm.s32 $0x108;
	_ =	swait.ge @!p0 [sflag:s8], $0x0  }
0x24: {  	s3 =	sadd.s32 $0x88, s3;
	s6 =	simm.s32 @!p1 $0x1082;
	[sflag:s4] =	ssyncset.s32 $0xFFFFF086  }
0x25: {  	[simem:s6], [sflag:s4] =	dma.local [hbm:s3], $0xF7A  }
0x26: {  	[smem:$0x3F9B] =	sst s1;
	(tag) =	ssettag s2;
	_ =	strace s9  }
0x27: {  	s1 =	sld [smem:$0x3FAB]  }
0x28: {  	s2 =	sld [smem:$0x3FAC]  }
0x29: {  	s4 =	sld [smem:$0x3FAE]  }
0x2a: {  	p0 =	seq.s32 s5, $0x0;
	s5 =	sld [smem:$0x3FAF]  }
0x2b: {  	s6 =	sld [smem:$0x3FB0]  }
0x2c: {  	s7 =	sld [smem:$0x3FB1]  }
0x2d: {  	s3 =	simm.s32 $0x108;
	s8 =	sld [smem:$0x3FB2]  }
0x2e: {  	s3 =	simm.s32 @!p0 $0x1082;
	s9 =	sld [smem:$0x3FB3]  }
0x2f: {  	lr =	sadd.s32 s0, s3;
	s0 =	sld [smem:$0x3FAA]  }
0x30: {  	s3 =	sld [smem:$0x3FAD]  }
0x31: {  	[smem:$0x3FB6] =	sst s10  }
0x32: {  	s10 =	sld [smem:$0x3FB4];
	_ =	sdelay $0x3  }
0x33: {  	p0 =	seq.s32 s10, $0x1;
	s10 =	sld [smem:$0x3FB6];
	_ =	sdelay $0x3  }
0x34: {  	[smem:$0x3FB6] =	sst s10  }
0x35: {  	s10 =	sld [smem:$0x3FB5];
	_ =	sdelay $0x3  }
0x36: {  	p1 =	seq.s32 s10, $0x1;
	s10 =	sld [smem:$0x3FB6];
	_ =	sdelay $0x3  }
0x37: {  	[smem:$0x3FB6] =	sst s10  }
0x38: {  	s10 =	sld [smem:$0x3FB7]  }
0x39: {  	_ = 	snop;
	(pc) =	sbr.ind lr, $3  }
0x3a: {  	_ = 	snop  }
0x3b: {  	_ = 	snop  }
0x3c: {  	p2 =	seq.s32 s10, $0x1;
	s10 =	sld [smem:$0x3FB6]  }
0x3d: {  	_ =	shalt  }
0x3e: {  	_ =	shalt  }
0x3f: {  	_ =	shalt  }
0x40: {  	_ =	shalt  }
0x41: {  	_ =	shalt  }
0x42: {  	_ =	shalt  }
0x43: {  	_ =	shalt  }
0x44: {  	_ =	shalt  }
0x45: {  	_ =	shalt  }
0x46: {  	_ =	shalt  }
0x47: {  	_ =	shalt  }
0x48: {  	_ =	shalt  }
0x49: {  	_ =	shalt  }
0x4a: {  	_ =	shalt  }
0x4b: {  	_ =	shalt  }
0x4c: {  	_ =	shalt  }
0x4d: {  	_ =	shalt  }
0x4e: {  	_ =	shalt  }
0x4f: {  	_ =	shalt  }
0x50: {  	_ =	shalt  }
0x51: {  	_ =	shalt  }
0x52: {  	_ =	shalt  }
0x53: {  	_ =	shalt  }
0x54: {  	_ =	shalt  }
0x55: {  	_ =	shalt  }
0x56: {  	_ =	shalt  }
0x57: {  	_ =	shalt  }
0x58: {  	_ =	shalt  }
0x59: {  	_ =	shalt  }
0x5a: {  	_ =	shalt  }
0x5b: {  	_ =	shalt  }
0x5c: {  	_ =	shalt  }
0x5d: {  	_ =	shalt  }
0x5e: {  	_ =	shalt  }
0x5f: {  	_ =	shalt  }
0x60: {  	_ =	shalt  }
0x61: {  	_ =	shalt  }
0x62: {  	_ =	shalt  }
0x63: {  	_ =	shalt  }
0x64: {  	_ =	shalt  }
0x65: {  	_ =	shalt  }
0x66: {  	_ =	shalt  }
0x67: {  	_ =	shalt  }
0x68: {  	_ =	shalt  }
0x69: {  	_ =	shalt  }
0x6a: {  	_ =	shalt  }
0x6b: {  	_ =	shalt  }
0x6c: {  	_ =	shalt  }
0x6d: {  	_ =	shalt  }
0x6e: {  	_ =	shalt  }
0x6f: {  	_ =	shalt  }
0x70: {  	_ =	shalt  }
0x71: {  	_ =	shalt  }
0x72: {  	_ =	shalt  }
0x73: {  	_ =	shalt  }
0x74: {  	_ =	shalt  }
0x75: {  	_ =	shalt  }
0x76: {  	_ =	shalt  }
0x77: {  	_ =	shalt  }
0x78: {  	_ =	shalt  }
0x79: {  	_ =	shalt  }
0x7a: {  	_ =	shalt  }
0x7b: {  	_ =	shalt  }
0x7c: {  	_ =	shalt  }
0x7d: {  	_ =	shalt  }
0x7e: {  	_ =	shalt  }
0x7f: {  	_ =	shalt  }
0x80: {  	_ =	shalt  }
0x81: {  	_ =	shalt  }
0x82: {  	_ =	shalt  }
0x83: {  	_ =	shalt  }
0x84: {  	_ =	shalt  }
0x85: {  	_ =	shalt  }
0x86: {  	_ =	shalt  }
0x87: {  	_ =	shalt  }
.Lfunc_end0:
.L_simem_size_0:
called_computation.2_lowered:
.L_overlay_start_0:
0x88: {  	s2 =	sld [smem:$0x3FD9]  }
0x89: {  	s3 =	sld [smem:$0x3FFE];
	_ =	sdelay $0x1  }
0x8a: {  	s1 =	srdreg.scid  }
0x8b: {  	s0 =	sand.u32 $0x1, s1  }
0x8c: {  	s17 =	sshll.u32 s0, $0xA;
	s2 =	sadd.s32 s3, s2  }
0x8d: {  	s2 =	sadd.s32 s2, s17  }
0x8e: {  	[smem:$0x3FC2] =	sst s2  }
0x8f: {  	_ = 	snop  }
0x90: {  	s2 =	sld [smem:$0x3FD0];
	(tm) =	ssettm $0x1  }
0x91: {  	s18 =	sld [smem:$0x3FFB];
	_ =	sdelay $0x3  }
0x92: {  	_ =	strace s18  }
0x93: {  	s3 =	sld [smem:$0x3FFC];
	_ =	sdelay $0x3  }
0x94: {  	_ =	strace s3  }
0x95: {  	s3 =	sld [smem:$0x3FFD];
	_ =	sdelay $0x3  }
0x96: {  	_ =	strace s3  }
0x97: {  	_ =	strace $0x8FFFFFFF  }
0x98: {  	s19 =	sld [smem:$0x3FDB];
	_ =	sdelay $0x1  }
0x99: {  	s4 =	simm.s32 $_scs_section_size  }
0x9a: {  	s5 =	simm.s32 $_size__tile_overlayer_lowered;
	s6 =	simm.s32 $_tile_overlayer_lowered  }
0x9b: {  	s22 =	simm.s32 $0x1BFF;
	s21 =	sshll.u32 s6, $0x1;
	s3 =	sadd.s32 s4, s19  }
0x9c: {  	s7 =	simm.s32 $0x0;
	s20 =	sshll.u32 s5, $0x1;
	s5 =	sadd.s32 s21, s3  }
0x9d: {  	[timem:s7], [sflag:s22] =	dma.local [hbm:s5], s20  }
0x9e: {  	_ =	swait.ge [sflag:s22], s20  }
0x9f: {  	s4 =	ssub.s32 $0x0, s20;
	[sflag:s22] =	ssyncset.done $0x0  }
0xa0: {  	[sflag:s22] =	ssyncadd.s32 s4;
	_ =	sdelay $0x1  }
0xa1: {  	s23 =	simm.s32 $0x1B8B  }
0xa2: {  	_ =	swait.ge [sflag:s23], $0x1  }
0xa3: {  	[sflag:s23] =	ssyncset.done $0x0  }
0xa4: {  	s25 =	simm.s32 $0x1B8E;
	s24 =	sld [smem:$0x3FFE];
	[sflag:s23] =	ssyncadd.s32 $0xFFFFFFFF  }
0xa5: {  	s26 =	simm.s32 $execute0_lowered;
	[smem:$0x3FD2] =	sst s25  }
0xa6: {  	s5 =	sshll.u32 s26, $0x1;
	_ =	strace $0x8000004C;
	[dreg:$0x1] =	wrdreg $0xFFFFFFFF  }
0xa7: {  	s28 =	simm.s32 $_size_execute0_lowered;
	s3 =	sadd.s32 s3, s5;
	[dreg:$0x0] =	wrdreg $0x0  }
0xa8: {  	s5 =	sshll.u32 s28, $0x1;
	[dreg:$0x2] =	wrdreg s3  }
0xa9: {  	[dreg:$0x3] =	wrdreg s5  }
0xaa: {  	[dreg:$0x4] =	wrdreg $0xC0  }
0xab: {  	_ =	task [dreg:s7], $0x5FFFF  }
0xac: {  	[dreg:$0x1] =	wrdreg $0xFFFFFFFF  }
0xad: {  	[dreg:$0x0] =	wrdreg $0x60  }
0xae: {  	[dreg:$0x2] =	wrdreg s2  }
0xaf: {  	[dreg:$0x3] =	wrdreg s24  }
0xb0: {  	[dreg:$0x4] =	wrdreg $0x0  }
0xb1: {  	[dreg:$0x5] =	wrdreg $0x9  }
0xb2: {  	_ =	task.clear_ibuf [dreg:s7], $0x6FFFF;
	_ =	strace $0x9000004C  }
0xb3: {  	s29 =	simm.s32 $0x9;
	_ =	strace $0x8000004E  }
0xb4: {  	_ =	swait.ge [sflag:s29], $0x1  }
0xb5: {  	[sflag:s29] =	ssyncadd.s32 $0xFFFFFFFF  }
0xb6: {  	_ =	strace $0x9000004E  }
0xb7: {  	_ =	sfence  }
0xb8: {  	s30 =	sld [smem:$0x0];
	_ =	sdelay $0x2  }
0xb9: {  	s31 =	sshll.u32 s1, $0xD;
	s1 =	sshrl.u32 s1, $0x2  }
0xba: {  	s3 =	sand.u32 $0x4000, s31;
	s1 =	sadd.s32 s1, s30  }
0xbb: {  	s0 =	sor.u32 s3, s0;
	s1 =	sshll.u32 s1, $0x11  }
0xbc: {  	s0 =	sor.u32 s1, s0  }
0xbd: {  	s0 =	sadd.s32 $0x8F2B, s0  }
0xbe: {  	[sflag:s0] =	ssyncadd.remote.s32 $0x1  }
0xbf: {  	_ =	sfence.sel $0xFFFF  }
0xc0: {  	[dreg:$0x0] =	wrdreg $0xFFFFFFFF;
	(pc) =	sbr.abs _section_cstart, $3  }
0xc1: {  	[dreg:$0x1] =	wrdreg $0xFFFFFFFF  }
0xc2: {  	_ =	task.clear_ibuf [dreg:s7], $0x2FFFF;
	_ =	strace $0x9FFFFFFF  }
0xc3: {  	(tm) =	ssettm $0x7FFFFFFF  }
tec
execute0_lowered:
.L_overlay_start_1:
0x0: {  	(tag) =	ssettag $0x1  }
0x1: {  	s0 =	rddreg [dreg:$0x0]  }
0x2: {  	s1 =	srdreg.scid;
	s2 =	rddreg [dreg:$0x1]  }
0x3: {  	s8 =	stileid.u32;
	s3 =	rddreg [dreg:$0x2];
	s5 =	simm.s32 $0x0  }
0x4: {  	s17 =	simm.s32 $0x80;
	s11 =	simm.s32 $0x17;
	s12 =	simm.s32 $0xBF50  }
0x5: {  	s28 =	simm.s32 $0x6;
	s29 =	simm.s32 $0x8;
	s30 =	simm.s32 $0xA  }
0x6: {  	s1 =	sand.u32 $0x1, s1;
	s4 =	sshll.u32 s8, $0x1;
	[smem:$0x7FF] =	sst s5  }
0x7: {  	s7 =	smul.u32 $0x2700, s8;
	s25 =	sadd.s32 $0x27000, s3;
	s26 =	sadd.s32 $0x4E00, s0  }
0x8: {  	p0 =	sne.s32 s8, $0x0;
	s4 =	sor.u32 s1, s4;
	_ =	strace $0x8000004D  }
0x9: {  	s20 =	ssub.s32 $0x2, s1;
	s1 =	smul.u32 $0x27100, s1;
	[dreg:$0x8] =	wrdreg s25  }
0xa: {  	[dreg:$0x9] =	wrdreg s26;
	s25 =	simm.s32 $0x4;
	s4 =	smul.u32 $0x500, s4  }
0xb: {  	s6 =	sshrl.u32 s20, $0x1;
	s22 =	sadd.s32 s7, s3;
	s23 =	sshrl.u32 s7, $0x3  }
0xc: {  	s5 =	ssub.s32 s20, s6;
	[dreg:$0x6] =	wrdreg s22;
	s24 =	sadd.s32 s7, s1  }
0xd: {  	s1 =	sshrl.u32 s1, $0x3;
	s4 =	sadd.s32 s4, s2;
	s31 =	smax.u32 s5, $0x1  }
0xe: {  	s2 =	sadd.s32 $0x2400, s2;
	s21 =	sadd.s32 $0xC200, s4;
	[dreg:$0xc] =	wrdreg s31  }
0xf: {  	s5 =	simm.s32 $0x0;
	s4 =	sadd.s32 $0x16200, s4;
	[dreg:$0x4] =	wrdreg s21  }
0x10: {  	s1 =	sadd.s32 s2, s1;
	[dreg:$0x5] =	wrdreg s4;
	s4 =	sadd.s32 s0, s23  }
0x11: {  	s1 =	sadd.s32 $0x4E00, s1;
	[dreg:$0x7] =	wrdreg s4;
	s4 =	sshrl.u32 s24, $0x3  }
0x12: {  	s23 =	simm.s32 $0x8750;
	[dreg:$0xb] =	wrdreg s1;
	s2 =	sadd.s32 s2, s4  }
0x13: {  	s24 =	simm.s32 $0x2;
	[dreg:$0xa] =	wrdreg s2;
	s2 =	simm.s32 $0xB  }
.LBB2_1:
0x14: {  	[dreg:$0xd] =	wrdreg s5;
	s1 =	simm.s32 $0x0  }
0x15: {  	s4 =	rddreg [dreg:$0x4];
	s14 =	simm.s32 $0x2750;
	s6 =	simm.s32 $0x1  }
0x16: {  	[tilespmem:s14], [sflag:$0x1] =	stream.linear.gather [hbm4b:s4+s1], $0x2800, $0x38;
	[tilespmem:$0xC750] =	vst v63  }
0x17: {  	_ =	swait.ge [sflag:s6], $0x2800  }
0x18: {  	[sflag:s6] =	ssyncset.done $0x0  }
0x19: {  	s7 =	simm.s32 $0x4F50;
	s15 =	rddreg [dreg:$0x5];
	[sflag:s6] =	ssyncadd.s32 $0xFFFFD800  }
0x1a: {  	[tilespmem:s7], [sflag:$0x1] =	stream.linear.gather [hbm4b:s15+s1], $0x2800, $0x38;
	[tilespmem:$0xC750] =	vst v63  }
0x1b: {  	_ =	swait.ge [sflag:s6], $0x2800  }
0x1c: {  	[sflag:s6] =	ssyncset.done $0x0  }
0x1d: {  	[sflag:s6] =	ssyncadd.s32 $0xFFFFD800;
	s6 =	simm.s32 $0x7750  }
0x1e: {  	[tilespmem:s6], [sflag:$0x2] =	stream.indirect.gather [hbm4b:s0+s17], $0x10, s14, s17, $0xb8;
	[tilespmem:$0xC750] =	vst v63  }
0x1f: {  	s16 =	simm.s32 $0x27D0;
	s18 =	simm.s32 $0x7F50  }
0x20: {  	[tilespmem:s18], [sflag:$0x3] =	stream.indirect.gather [hbm4b:s0+s17], $0x10, s16, s17, $0xb8;
	[tilespmem:$0xC750] =	vst v63  }
0x21: {  	s19 =	simm.s32 $0x2850;
	s20 =	simm.s32 $0x28D0;
	s7 =	simm.s32 $0x8750  }
0x22: {  	[tilespmem:s7], [sflag:$0x4] =	stream.indirect.gather [hbm4b:s0+s17], $0x10, s19, s17, $0xb8;
	[tilespmem:$0xC750] =	vst v63  }
0x23: {  	s21 =	simm.s32 $0x8F50;
	s22 =	simm.s32 $0x2950;
	s8 =	simm.s32 $0x9750  }
0x24: {  	[tilespmem:s21], [sflag:$0x5] =	stream.indirect.gather [hbm4b:s0+s17], $0x10, s20, s17, $0xb8;
	[tilespmem:$0xC750] =	vst v63  }
0x25: {  	s26 =	simm.s32 $0x29D0;
	s31 =	simm.s32 $0x9F50;
	s9 =	simm.s32 $0xA750  }
0x26: {  	[tilespmem:s8], [sflag:$0x6] =	stream.indirect.gather [hbm4b:s0+s17], $0x10, s22, s17, $0xb8;
	[tilespmem:$0xC750] =	vst v63  }
0x27: {  	s5 =	simm.s32 $0x2AD0;
	s10 =	simm.s32 $0xAF50;
	s13 =	simm.s32 $0x2B50  }
0x28: {  	[tilespmem:s31], [sflag:$0x7] =	stream.indirect.gather [hbm4b:s0+s17], $0x10, s26, s17, $0xb8;
	[tilespmem:$0xC750] =	vst v63  }
0x29: {  	s4 =	simm.s32 $0x2A50;
	s15 =	rddreg [dreg:$0x6];
	s14 =	stileid.u32  }
0x2a: {  	[tilespmem:s9], [sflag:$0x8] =	stream.indirect.gather [hbm4b:s0+s17], $0x10, s4, s17, $0xb8;
	[tilespmem:$0xC750] =	vst v63  }
0x2b: {  	s1 =	sshll.u32 s14, $0x6;
	s16 =	sshrl.u32 s15, $0x3;
	s18 =	rddreg [dreg:$0x7]  }
0x2c: {  	[tilespmem:s10], [sflag:$0x9] =	stream.indirect.gather [hbm4b:s0+s17], $0x10, s5, s17, $0xb8;
	[tilespmem:$0xC750] =	vst v63  }
0x2d: {  	[dreg:$0xf] =	wrdreg s16;
	s4 =	sor.u32 $0x1C17, s1;
	s10 =	simm.s32 $0xB750  }
0x2e: {  	[tilespmem:s10], [sflag:$0xA] =	stream.indirect.gather [hbm4b:s0+s17], $0x10, s13, s17, $0xb8;
	[tilespmem:$0xC750] =	vst v63  }
0x2f: {  	[spmem:s16], [sflag:s4] =	dma.local [hbm:s18], $0x4E0  }
0x30: {  	_ =	swait.ge [sflag:s11], $0x4E0;
	[dreg:$0xe] =	wrdreg s4  }
0x31: {  	s1 =	rddreg [dreg:$0x8]  }
0x32: {  	[sflag:s11] =	ssyncset.done $0x0;
	s5 =	sshrl.u32 @!p0 s1, $0x3;
	s1 =	rddreg [dreg:$0x9]  }
0x33: {  	[sflag:s11] =	ssyncadd.s32 $0xFFFFFB20;
	[dreg:$0x10] =	wrdreg s5  }
0x34: {  	[spmem:s5], [sflag:s4] =	dma.local @!p0 [hbm:s1], $0x20  }
0x35: {  	s1 =	simm.s32 @!p0 $0x17  }
0x36: {  	_ =	swait.ge @!p0 [sflag:s1], $0x20  }
0x37: {  	[sflag:s1] =	ssyncset.done @!p0 $0x0  }
0x38: {  	p1 =	por $0x1, $0x1;
	[sflag:s1] =	ssyncadd.s32 @!p0 $0xFFFFFFE0  }
0x39: {  	s1 =	simm.s32 @!p1 $0x15;
	[bflag:$0x0] =	sbarrier.arrive $0xFFFF  }
0x3a: {  	_ =	swait.ge @!p1 [sflag:s1], $0x800  }
0x3b: {  	[sflag:s1] =	ssyncset.done @!p1 $0x0  }
0x3c: {  	s19 =	simm.s32 $0x2BD0;
	[sflag:s1] =	ssyncadd.s32 @!p1 $0xFFFFF800  }
0x3d: {  	[tilespmem:s12], [sflag:$0xB] =	stream.indirect.gather [hbm4b:s0+s17], $0x10, s19, s17, $0xb8;
	[tilespmem:$0xC750] =	vst v63  }
0x3e: {  	_ =	swait.ge [sflag:s24], $0x800  }
0x3f: {  	p1 =	por $0x0, $0x0;
	[sflag:s24] =	ssyncset.done $0x0  }
0x40: {  	s20 =	simm.s32 $0x4F50;
	s5 =	simm.s32 @p1 $0x3;
	[sflag:s24] =	ssyncadd.s32 $0xFFFFF800  }
0x41: {  	[spmem:s3] =	stream.indirect.scatter.add.f32 [tilespmem:s6], [sflag:$0xC], $0x10, s20, s17, $0xb8;
	[tilespmem:$0xC750] =	vst v63  }
0x42: {  	_ =	swait.ge @p1 [sflag:s5], $0x800  }
0x43: {  	s1 =	simm.s32 @p1 $0x4FD0;
	s4 =	simm.s32 @p1 $0x80;
	[sflag:s5] =	ssyncset.done @p1 $0x0  }
0x44: {  	s6 =	simm.s32 @p1 $0x7F50;
	[sflag:s5] =	ssyncadd.s32 @p1 $0xFFFFF800;
	s5 =	simm.s32 @!p1 $0xC  }
0x45: {  	[spmem:s3] =	stream.indirect.scatter.add.f32 @p1 [tilespmem:s6], [sflag:$0xD], $0x10, s1, s4, $0xb8;
	[tilespmem:$0xC750] =	vst v63  }
0x46: {  	_ =	swait.ge @!p1 [sflag:s5], $0x800  }
0x47: {  	s6 =	simm.s32 @!p1 $0x2C50;
	[sflag:s5] =	ssyncset.done @!p1 $0x0  }
0x48: {  	s1 =	simm.s32 @!p1 $0x80;
	[sflag:s5] =	ssyncadd.s32 @!p1 $0xFFFFF800;
	s5 =	simm.s32 @!p1 $0x7750  }
0x49: {  	[tilespmem:s5], [sflag:$0x2] =	stream.indirect.gather @!p1 [hbm4b:s0+s1], $0x10, s6, s1, $0xb8;
	[tilespmem:$0xC750] =	vst v63  }
0x4a: {  	s5 =	simm.s32 @!p1 $0x3  }
0x4b: {  	_ =	swait.ge @!p1 [sflag:s5], $0x800  }
0x4c: {  	[sflag:s5] =	ssyncset.done @!p1 $0x0  }
0x4d: {  	s6 =	simm.s32 @!p1 $0x4FD0;
	[sflag:s5] =	ssyncadd.s32 @!p1 $0xFFFFF800;
	s5 =	simm.s32 @!p1 $0x7F50  }
0x4e: {  	[spmem:s3] =	stream.indirect.scatter.add.f32 @!p1 [tilespmem:s5], [sflag:$0xD], $0x10, s6, s1, $0xb8;
	[tilespmem:$0xC750] =	vst v63  }
0x4f: {  	s6 =	simm.s32 @!p1 $0xD  }
0x50: {  	_ =	swait.ge @!p1 [sflag:s6], $0x800  }
0x51: {  	[sflag:s6] =	ssyncset.done @!p1 $0x0  }
0x52: {  	[sflag:s6] =	ssyncadd.s32 @!p1 $0xFFFFF800;
	s6 =	simm.s32 @!p1 $0x2CD0  }
0x53: {  	[tilespmem:s5], [sflag:$0x3] =	stream.indirect.gather @!p1 [hbm4b:s0+s1], $0x10, s6, s1, $0xb8;
	[tilespmem:$0xC750] =	vst v63  }
0x54: {  	_ =	swait.ge [sflag:s25], $0x800  }
0x55: {  	[sflag:s25] =	ssyncset.done $0x0  }
0x56: {  	s21 =	simm.s32 $0x5050;
	s6 =	simm.s32 @p1 $0x5;
	[sflag:s25] =	ssyncadd.s32 $0xFFFFF800  }
0x57: {  	[spmem:s3] =	stream.indirect.scatter.add.f32 [tilespmem:s7], [sflag:$0xE], $0x10, s21, s17, $0xb8;
	[tilespmem:$0xC750] =	vst v63  }
0x58: {  	_ =	swait.ge @p1 [sflag:s6], $0x800  }
0x59: {  	[sflag:s6] =	ssyncset.done @p1 $0x0  }
0x5a: {  	s5 =	simm.s32 @p1 $0x50D0;
	[sflag:s6] =	ssyncadd.s32 @p1 $0xFFFFF800;
	s6 =	simm.s32 @p1 $0x8F50  }
0x5b: {  	[spmem:s3] =	stream.indirect.scatter.add.f32 @p1 [tilespmem:s6], [sflag:$0xF], $0x10, s5, s4, $0xb8;
	[tilespmem:$0xC750] =	vst v63  }
0x5c: {  	s5 =	simm.s32 @!p1 $0xE  }
0x5d: {  	_ =	swait.ge @!p1 [sflag:s5], $0x800  }
0x5e: {  	[sflag:s5] =	ssyncset.done @!p1 $0x0  }
0x5f: {  	s6 =	simm.s32 @!p1 $0x2D50;
	[sflag:s5] =	ssyncadd.s32 @!p1 $0xFFFFF800;
	s5 =	simm.s32 @!p1 $0x8750  }
0x60: {  	[tilespmem:s5], [sflag:$0x4] =	stream.indirect.gather @!p1 [hbm4b:s0+s1], $0x10, s6, s1, $0xb8;
	[tilespmem:$0xC750] =	vst v63  }
0x61: {  	s5 =	simm.s32 @!p1 $0x5  }
0x62: {  	_ =	swait.ge @!p1 [sflag:s5], $0x800  }
0x63: {  	[sflag:s5] =	ssyncset.done @!p1 $0x0  }
0x64: {  	s6 =	simm.s32 @!p1 $0x50D0;
	[sflag:s5] =	ssyncadd.s32 @!p1 $0xFFFFF800;
	s5 =	simm.s32 @!p1 $0x8F50  }
0x65: {  	[spmem:s3] =	stream.indirect.scatter.add.f32 @!p1 [tilespmem:s5], [sflag:$0xF], $0x10, s6, s1, $0xb8;
	[tilespmem:$0xC750] =	vst v63  }
0x66: {  	s6 =	simm.s32 @!p1 $0xF  }
0x67: {  	_ =	swait.ge @!p1 [sflag:s6], $0x800  }
0x68: {  	[sflag:s6] =	ssyncset.done @!p1 $0x0  }
0x69: {  	[sflag:s6] =	ssyncadd.s32 @!p1 $0xFFFFF800;
	s6 =	simm.s32 @!p1 $0x2DD0  }
0x6a: {  	[tilespmem:s5], [sflag:$0x5] =	stream.indirect.gather @!p1 [hbm4b:s0+s1], $0x10, s6, s1, $0xb8;
	[tilespmem:$0xC750] =	vst v63  }
0x6b: {  	_ =	swait.ge [sflag:s28], $0x800  }
0x6c: {  	[sflag:s28] =	ssyncset.done $0x0  }
0x6d: {  	s22 =	simm.s32 $0x5150;
	s6 =	simm.s32 @p1 $0x7;
	[sflag:s28] =	ssyncadd.s32 $0xFFFFF800  }
0x6e: {  	[spmem:s3] =	stream.indirect.scatter.add.f32 [tilespmem:s8], [sflag:$0x10], $0x10, s22, s17, $0xb8;
	[tilespmem:$0xC750] =	vst v63  }
0x6f: {  	_ =	swait.ge @p1 [sflag:s6], $0x800  }
0x70: {  	[sflag:s6] =	ssyncset.done @p1 $0x0  }
0x71: {  	s5 =	simm.s32 @p1 $0x51D0;
	[sflag:s6] =	ssyncadd.s32 @p1 $0xFFFFF800;
	s6 =	simm.s32 @p1 $0x9F50  }
0x72: {  	[spmem:s3] =	stream.indirect.scatter.add.f32 @p1 [tilespmem:s6], [sflag:$0x11], $0x10, s5, s4, $0xb8;
	[tilespmem:$0xC750] =	vst v63  }
0x73: {  	s5 =	simm.s32 @!p1 $0x10  }
0x74: {  	_ =	swait.ge @!p1 [sflag:s5], $0x800  }
0x75: {  	[sflag:s5] =	ssyncset.done @!p1 $0x0  }
0x76: {  	s6 =	simm.s32 @!p1 $0x2E50;
	[sflag:s5] =	ssyncadd.s32 @!p1 $0xFFFFF800;
	s5 =	simm.s32 @!p1 $0x9750  }
0x77: {  	[tilespmem:s5], [sflag:$0x6] =	stream.indirect.gather @!p1 [hbm4b:s0+s1], $0x10, s6, s1, $0xb8;
	[tilespmem:$0xC750] =	vst v63  }
0x78: {  	s5 =	simm.s32 @!p1 $0x7  }
0x79: {  	_ =	swait.ge @!p1 [sflag:s5], $0x800  }
0x7a: {  	[sflag:s5] =	ssyncset.done @!p1 $0x0  }
0x7b: {  	s6 =	simm.s32 @!p1 $0x51D0;
	[sflag:s5] =	ssyncadd.s32 @!p1 $0xFFFFF800;
	s5 =	simm.s32 @!p1 $0x9F50  }
0x7c: {  	[spmem:s3] =	stream.indirect.scatter.add.f32 @!p1 [tilespmem:s5], [sflag:$0x11], $0x10, s6, s1, $0xb8;
	[tilespmem:$0xC750] =	vst v63  }
0x7d: {  	s6 =	simm.s32 @!p1 $0x11  }
0x7e: {  	_ =	swait.ge @!p1 [sflag:s6], $0x800  }
0x7f: {  	[sflag:s6] =	ssyncset.done @!p1 $0x0  }
0x80: {  	[sflag:s6] =	ssyncadd.s32 @!p1 $0xFFFFF800;
	s6 =	simm.s32 @!p1 $0x2ED0  }
0x81: {  	[tilespmem:s5], [sflag:$0x7] =	stream.indirect.gather @!p1 [hbm4b:s0+s1], $0x10, s6, s1, $0xb8;
	[tilespmem:$0xC750] =	vst v63  }
0x82: {  	_ =	swait.ge [sflag:s29], $0x800  }
0x83: {  	[sflag:s29] =	ssyncset.done $0x0  }
0x84: {  	s26 =	simm.s32 $0x5250;
	s6 =	simm.s32 @p1 $0x9;
	[sflag:s29] =	ssyncadd.s32 $0xFFFFF800  }
0x85: {  	[spmem:s3] =	stream.indirect.scatter.add.f32 [tilespmem:s9], [sflag:$0x12], $0x10, s26, s17, $0xb8;
	[tilespmem:$0xC750] =	vst v63  }
0x86: {  	_ =	swait.ge @p1 [sflag:s6], $0x800  }
0x87: {  	[sflag:s6] =	ssyncset.done @p1 $0x0  }
0x88: {  	s5 =	simm.s32 @p1 $0x52D0;
	[sflag:s6] =	ssyncadd.s32 @p1 $0xFFFFF800;
	s6 =	simm.s32 @p1 $0xAF50  }
0x89: {  	[spmem:s3] =	stream.indirect.scatter.add.f32 @p1 [tilespmem:s6], [sflag:$0x13], $0x10, s5, s4, $0xb8;
	[tilespmem:$0xC750] =	vst v63  }
0x8a: {  	s4 =	simm.s32 @!p1 $0x12  }
0x8b: {  	_ =	swait.ge @!p1 [sflag:s4], $0x800  }
0x8c: {  	[sflag:s4] =	ssyncset.done @!p1 $0x0  }
0x8d: {  	s5 =	simm.s32 @!p1 $0x2F50;
	[sflag:s4] =	ssyncadd.s32 @!p1 $0xFFFFF800;
	s4 =	simm.s32 @!p1 $0xA750  }
0x8e: {  	[tilespmem:s4], [sflag:$0x8] =	stream.indirect.gather @!p1 [hbm4b:s0+s1], $0x10, s5, s1, $0xb8;
	[tilespmem:$0xC750] =	vst v63  }
0x8f: {  	s4 =	simm.s32 @!p1 $0x9  }
0x90: {  	_ =	swait.ge @!p1 [sflag:s4], $0x800  }
0x91: {  	[sflag:s4] =	ssyncset.done @!p1 $0x0  }
0x92: {  	s5 =	simm.s32 @!p1 $0x52D0;
	[sflag:s4] =	ssyncadd.s32 @!p1 $0xFFFFF800;
	s4 =	simm.s32 @!p1 $0xAF50  }
0x93: {  	[spmem:s3] =	stream.indirect.scatter.add.f32 @!p1 [tilespmem:s4], [sflag:$0x13], $0x10, s5, s1, $0xb8;
	[tilespmem:$0xC750] =	vst v63  }
0x94: {  	s5 =	simm.s32 @!p1 $0x13  }
0x95: {  	_ =	swait.ge @!p1 [sflag:s5], $0x800  }
0x96: {  	[sflag:s5] =	ssyncset.done @!p1 $0x0  }
0x97: {  	[sflag:s5] =	ssyncadd.s32 @!p1 $0xFFFFF800;
	s5 =	simm.s32 @!p1 $0x2FD0  }
0x98: {  	[tilespmem:s4], [sflag:$0x9] =	stream.indirect.gather @!p1 [hbm4b:s0+s1], $0x10, s5, s1, $0xb8;
	[tilespmem:$0xC750] =	vst v63  }
0x99: {  	_ =	swait.ge [sflag:s30], $0x800  }
0x9a: {  	[sflag:s30] =	ssyncset.done $0x0  }
0x9b: {  	s31 =	simm.s32 $0x5350;
	s5 =	simm.s32 @!p1 $0x14;
	[sflag:s30] =	ssyncadd.s32 $0xFFFFF800  }
0x9c: {  	[spmem:s3] =	stream.indirect.scatter.add.f32 [tilespmem:s10], [sflag:$0x14], $0x10, s31, s17, $0xb8;
	[tilespmem:$0xC750] =	vst v63  }
0x9d: {  	_ =	swait.ge @!p1 [sflag:s5], $0x800  }
0x9e: {  	p2 =	por $0x0, $0x0;
	s16 =	simm.s32 $0x2800;
	[sflag:s5] =	ssyncset.done @!p1 $0x0  }
0x9f: {  	s4 =	simm.s32 @!p1 $0x3050;
	[sflag:s5] =	ssyncadd.s32 @!p1 $0xFFFFF800;
	s5 =	simm.s32 @!p1 $0xB750  }
0xa0: {  	[tilespmem:s5], [sflag:$0xA] =	stream.indirect.gather @!p1 [hbm4b:s0+s1], $0x10, s4, s1, $0xb8;
	[tilespmem:$0xC750] =	vst v63  }
0xa1: {  	s19 =	simm.s32 $0x53D0;
	s1 =	simm.s32 $0x1400;
	_ =	swait.ge [sflag:s2], $0x800  }
.LBB2_2:
0xa2: {  	s5 =	simm.s32 @!p2 $0x15  }
0xa3: {  	[sflag:s2] =	ssyncset.done $0x0;
	s13 =	smov.u32 s16;
	s16 =	sadd.s32 $0x1400, s16  }
0xa4: {  	s7 =	simm.s32 $0xBF50;
	p1 =	sne.s32 s16, $0xA000;
	[sflag:s2] =	ssyncadd.s32 $0xFFFFF800  }
0xa5: {  	[spmem:s3] =	stream.indirect.scatter.add.f32 [tilespmem:s7], [sflag:$0x15], $0x10, s19, s17, $0xb8;
	[tilespmem:$0xC750] =	vst v63  }
0xa6: {  	s4 =	sshra.s32 s1, $0x2;
	_ =	swait.ge @!p2 [sflag:s5], $0x800  }
0xa7: {  	s6 =	sadd.s32 $0x2BD0, s4;
	s19 =	sadd.s32 $0x53D0, s4;
	[sflag:s5] =	ssyncset.done @!p2 $0x0  }
0xa8: {  	[sflag:s5] =	ssyncadd.s32 @!p2 $0xFFFFF800  }
0xa9: {  	[tilespmem:s7], [sflag:$0xB] =	stream.indirect.gather [hbm4b:s0+s17], $0x10, s6, s17, $0xb8;
	[tilespmem:$0xC750] =	vst v63  }
0xaa: {  	p2 =	seq.s32 s1, $0x8C00;
	_ =	swait.ge [sflag:s24], $0x800  }
0xab: {  	s5 =	sadd.s32 $0x4F50, s4;
	s7 =	simm.s32 @p2 $0x3;
	[sflag:s24] =	ssyncset.done $0x0  }
0xac: {  	s8 =	sshra.s32 @p2 s1, $0x2;
	s6 =	simm.s32 $0x7750;
	[sflag:s24] =	ssyncadd.s32 $0xFFFFF800  }
0xad: {  	[spmem:s3] =	stream.indirect.scatter.add.f32 [tilespmem:s6], [sflag:$0xC], $0x10, s5, s17, $0xb8;
	[tilespmem:$0xC750] =	vst v63  }
0xae: {  	s1 =	sshra.s32 @!p2 s1, $0x2;
	s5 =	sadd.s32 @p2 $0x4FD0, s8;
	_ =	swait.ge @p2 [sflag:s7], $0x800  }
0xaf: {  	s9 =	simm.s32 @p2 $0x7F50;
	s6 =	simm.s32 @p2 $0x80;
	[sflag:s7] =	ssyncset.done @p2 $0x0  }
0xb0: {  	s10 =	sadd.s32 @!p2 $0x2C50, s1;
	[sflag:s7] =	ssyncadd.s32 @p2 $0xFFFFF800;
	s7 =	simm.s32 @!p2 $0xC  }
0xb1: {  	[spmem:s3] =	stream.indirect.scatter.add.f32 @p2 [tilespmem:s9], [sflag:$0xD], $0x10, s5, s6, $0xb8;
	[tilespmem:$0xC750] =	vst v63  }
0xb2: {  	s14 =	sadd.s32 @!p2 $0x2CD0, s1;
	s9 =	sadd.s32 @!p2 $0x4FD0, s1;
	_ =	swait.ge @!p2 [sflag:s7], $0x800  }
0xb3: {  	s11 =	simm.s32 @!p2 $0x7750;
	s5 =	simm.s32 @!p2 $0x80;
	[sflag:s7] =	ssyncset.done @!p2 $0x0  }
0xb4: {  	s26 =	sadd.s32 @p2 $0x50D0, s8;
	[sflag:s7] =	ssyncadd.s32 @!p2 $0xFFFFF800;
	s7 =	simm.s32 @!p2 $0x3  }
0xb5: {  	[tilespmem:s11], [sflag:$0x2] =	stream.indirect.gather @!p2 [hbm4b:s0+s5], $0x10, s10, s5, $0xb8;
	[tilespmem:$0xC750] =	vst v63  }
0xb6: {  	s31 =	sadd.s32 @!p2 $0x2D50, s1;
	s22 =	sadd.s32 @!p2 $0x50D0, s1;
	_ =	swait.ge @!p2 [sflag:s7], $0x800  }
0xb7: {  	s20 =	simm.s32 @!p2 $0x7F50;
	s18 =	sadd.s32 @!p2 $0x2DD0, s1;
	[sflag:s7] =	ssyncset.done @!p2 $0x0  }
0xb8: {  	s10 =	sadd.s32 @p2 $0x51D0, s8;
	[sflag:s7] =	ssyncadd.s32 @!p2 $0xFFFFF800;
	s7 =	simm.s32 @!p2 $0xD  }
0xb9: {  	[spmem:s3] =	stream.indirect.scatter.add.f32 @!p2 [tilespmem:s20], [sflag:$0xD], $0x10, s9, s5, $0xb8;
	[tilespmem:$0xC750] =	vst v63  }
0xba: {  	s12 =	sadd.s32 @!p2 $0x51D0, s1;
	s11 =	sadd.s32 @!p2 $0x2E50, s1;
	_ =	swait.ge @!p2 [sflag:s7], $0x800  }
0xbb: {  	s21 =	sadd.s32 @!p2 $0x2ED0, s1;
	s15 =	sadd.s32 @p2 $0x52D0, s8;
	[sflag:s7] =	ssyncset.done @!p2 $0x0  }
0xbc: {  	s8 =	sadd.s32 @!p2 $0x52D0, s1;
	s9 =	sadd.s32 @!p2 $0x2F50, s1;
	[sflag:s7] =	ssyncadd.s32 @!p2 $0xFFFFF800  }
0xbd: {  	[tilespmem:s20], [sflag:$0x3] =	stream.indirect.gather @!p2 [hbm4b:s0+s5], $0x10, s14, s5, $0xb8;
	[tilespmem:$0xC750] =	vst v63  }
0xbe: {  	s7 =	sadd.s32 @!p2 $0x3050, s1;
	s14 =	sadd.s32 @!p2 $0x2FD0, s1;
	_ =	swait.ge [sflag:s25], $0x800  }
0xbf: {  	s20 =	sadd.s32 $0x5050, s4;
	s1 =	smov.u32 s13;
	[sflag:s25] =	ssyncset.done $0x0  }
0xc0: {  	s13 =	simm.s32 @p2 $0x5;
	[sflag:s25] =	ssyncadd.s32 $0xFFFFF800  }
0xc1: {  	[spmem:s3] =	stream.indirect.scatter.add.f32 [tilespmem:s23], [sflag:$0xE], $0x10, s20, s17, $0xb8;
	[tilespmem:$0xC750] =	vst v63  }
0xc2: {  	_ =	swait.ge @p2 [sflag:s13], $0x800  }
0xc3: {  	s20 =	simm.s32 @p2 $0x8F50;
	[sflag:s13] =	ssyncset.done @p2 $0x0  }
0xc4: {  	[sflag:s13] =	ssyncadd.s32 @p2 $0xFFFFF800;
	s13 =	simm.s32 @!p2 $0xE  }
0xc5: {  	[spmem:s3] =	stream.indirect.scatter.add.f32 @p2 [tilespmem:s20], [sflag:$0xF], $0x10, s26, s6, $0xb8;
	[tilespmem:$0xC750] =	vst v63  }
0xc6: {  	_ =	swait.ge @!p2 [sflag:s13], $0x800  }
0xc7: {  	s20 =	simm.s32 @!p2 $0x8750;
	[sflag:s13] =	ssyncset.done @!p2 $0x0  }
0xc8: {  	[sflag:s13] =	ssyncadd.s32 @!p2 $0xFFFFF800;
	s13 =	simm.s32 @!p2 $0x5  }
0xc9: {  	[tilespmem:s20], [sflag:$0x4] =	stream.indirect.gather @!p2 [hbm4b:s0+s5], $0x10, s31, s5, $0xb8;
	[tilespmem:$0xC750] =	vst v63  }
0xca: {  	_ =	swait.ge @!p2 [sflag:s13], $0x800  }
0xcb: {  	s20 =	simm.s32 @!p2 $0x8F50;
	[sflag:s13] =	ssyncset.done @!p2 $0x0  }
0xcc: {  	[sflag:s13] =	ssyncadd.s32 @!p2 $0xFFFFF800;
	s13 =	simm.s32 @!p2 $0xF  }
0xcd: {  	[spmem:s3] =	stream.indirect.scatter.add.f32 @!p2 [tilespmem:s20], [sflag:$0xF], $0x10, s22, s5, $0xb8;
	[tilespmem:$0xC750] =	vst v63  }
0xce: {  	_ =	swait.ge @!p2 [sflag:s13], $0x800  }
0xcf: {  	[sflag:s13] =	ssyncset.done @!p2 $0x0  }
0xd0: {  	[sflag:s13] =	ssyncadd.s32 @!p2 $0xFFFFF800  }
0xd1: {  	[tilespmem:s20], [sflag:$0x5] =	stream.indirect.gather @!p2 [hbm4b:s0+s5], $0x10, s18, s5, $0xb8;
	[tilespmem:$0xC750] =	vst v63  }
0xd2: {  	_ =	swait.ge [sflag:s28], $0x800  }
0xd3: {  	s13 =	sadd.s32 $0x5150, s4;
	[sflag:s28] =	ssyncset.done $0x0  }
0xd4: {  	s18 =	simm.s32 @p2 $0x7;
	s20 =	simm.s32 $0x9750;
	[sflag:s28] =	ssyncadd.s32 $0xFFFFF800  }
0xd5: {  	[spmem:s3] =	stream.indirect.scatter.add.f32 [tilespmem:s20], [sflag:$0x10], $0x10, s13, s17, $0xb8;
	[tilespmem:$0xC750] =	vst v63  }
0xd6: {  	_ =	swait.ge @p2 [sflag:s18], $0x800  }
0xd7: {  	s13 =	simm.s32 @p2 $0x9F50;
	[sflag:s18] =	ssyncset.done @p2 $0x0  }
0xd8: {  	[sflag:s18] =	ssyncadd.s32 @p2 $0xFFFFF800;
	s18 =	simm.s32 @!p2 $0x10  }
0xd9: {  	[spmem:s3] =	stream.indirect.scatter.add.f32 @p2 [tilespmem:s13], [sflag:$0x11], $0x10, s10, s6, $0xb8;
	[tilespmem:$0xC750] =	vst v63  }
0xda: {  	_ =	swait.ge @!p2 [sflag:s18], $0x800  }
0xdb: {  	s10 =	simm.s32 @!p2 $0x9750;
	[sflag:s18] =	ssyncset.done @!p2 $0x0  }
0xdc: {  	s13 =	simm.s32 @!p2 $0x7;
	[sflag:s18] =	ssyncadd.s32 @!p2 $0xFFFFF800  }
0xdd: {  	[tilespmem:s10], [sflag:$0x6] =	stream.indirect.gather @!p2 [hbm4b:s0+s5], $0x10, s11, s5, $0xb8;
	[tilespmem:$0xC750] =	vst v63  }
0xde: {  	_ =	swait.ge @!p2 [sflag:s13], $0x800  }
0xdf: {  	s10 =	simm.s32 @!p2 $0x9F50;
	[sflag:s13] =	ssyncset.done @!p2 $0x0  }
0xe0: {  	s11 =	simm.s32 @!p2 $0x11;
	[sflag:s13] =	ssyncadd.s32 @!p2 $0xFFFFF800  }
0xe1: {  	[spmem:s3] =	stream.indirect.scatter.add.f32 @!p2 [tilespmem:s10], [sflag:$0x11], $0x10, s12, s5, $0xb8;
	[tilespmem:$0xC750] =	vst v63  }
0xe2: {  	_ =	swait.ge @!p2 [sflag:s11], $0x800  }
0xe3: {  	[sflag:s11] =	ssyncset.done @!p2 $0x0  }
0xe4: {  	[sflag:s11] =	ssyncadd.s32 @!p2 $0xFFFFF800  }
0xe5: {  	[tilespmem:s10], [sflag:$0x7] =	stream.indirect.gather @!p2 [hbm4b:s0+s5], $0x10, s21, s5, $0xb8;
	[tilespmem:$0xC750] =	vst v63  }
0xe6: {  	_ =	swait.ge [sflag:s29], $0x800  }
0xe7: {  	s10 =	sadd.s32 $0x5250, s4;
	[sflag:s29] =	ssyncset.done $0x0  }
0xe8: {  	s12 =	simm.s32 $0xA750;
	s11 =	simm.s32 @p2 $0x9;
	[sflag:s29] =	ssyncadd.s32 $0xFFFFF800  }
0xe9: {  	[spmem:s3] =	stream.indirect.scatter.add.f32 [tilespmem:s12], [sflag:$0x12], $0x10, s10, s17, $0xb8;
	[tilespmem:$0xC750] =	vst v63  }
0xea: {  	_ =	swait.ge @p2 [sflag:s11], $0x800  }
0xeb: {  	s10 =	simm.s32 @p2 $0xAF50;
	[sflag:s11] =	ssyncset.done @p2 $0x0  }
0xec: {  	[sflag:s11] =	ssyncadd.s32 @p2 $0xFFFFF800;
	s11 =	simm.s32 @!p2 $0x12  }
0xed: {  	[spmem:s3] =	stream.indirect.scatter.add.f32 @p2 [tilespmem:s10], [sflag:$0x13], $0x10, s15, s6, $0xb8;
	[tilespmem:$0xC750] =	vst v63  }
0xee: {  	_ =	swait.ge @!p2 [sflag:s11], $0x800  }
0xef: {  	s6 =	simm.s32 @!p2 $0xA750;
	[sflag:s11] =	ssyncset.done @!p2 $0x0  }
0xf0: {  	s10 =	simm.s32 @!p2 $0x9;
	[sflag:s11] =	ssyncadd.s32 @!p2 $0xFFFFF800  }
0xf1: {  	[tilespmem:s6], [sflag:$0x8] =	stream.indirect.gather @!p2 [hbm4b:s0+s5], $0x10, s9, s5, $0xb8;
	[tilespmem:$0xC750] =	vst v63  }
0xf2: {  	_ =	swait.ge @!p2 [sflag:s10], $0x800  }
0xf3: {  	s6 =	simm.s32 @!p2 $0xAF50;
	[sflag:s10] =	ssyncset.done @!p2 $0x0  }
0xf4: {  	s9 =	simm.s32 @!p2 $0x13;
	[sflag:s10] =	ssyncadd.s32 @!p2 $0xFFFFF800  }
0xf5: {  	[spmem:s3] =	stream.indirect.scatter.add.f32 @!p2 [tilespmem:s6], [sflag:$0x13], $0x10, s8, s5, $0xb8;
	[tilespmem:$0xC750] =	vst v63  }
0xf6: {  	_ =	swait.ge @!p2 [sflag:s9], $0x800  }
0xf7: {  	[sflag:s9] =	ssyncset.done @!p2 $0x0  }
0xf8: {  	[sflag:s9] =	ssyncadd.s32 @!p2 $0xFFFFF800  }
0xf9: {  	[tilespmem:s6], [sflag:$0x9] =	stream.indirect.gather @!p2 [hbm4b:s0+s5], $0x10, s14, s5, $0xb8;
	[tilespmem:$0xC750] =	vst v63  }
0xfa: {  	_ =	swait.ge [sflag:s30], $0x800  }
0xfb: {  	s4 =	sadd.s32 $0x5350, s4;
	[sflag:s30] =	ssyncset.done $0x0  }
0xfc: {  	s8 =	simm.s32 $0xB750;
	s6 =	simm.s32 @!p2 $0x14;
	[sflag:s30] =	ssyncadd.s32 $0xFFFFF800  }
0xfd: {  	[spmem:s3] =	stream.indirect.scatter.add.f32 [tilespmem:s8], [sflag:$0x14], $0x10, s4, s17, $0xb8;
	[tilespmem:$0xC750] =	vst v63  }
.Ltmp0:
0xfe: {  	_ =	swait.ge @!p2 [sflag:s6], $0x800;
	(pc) =	sbr.rel @p1 .LBB2_2-.Ltmp0, $4  }
0xff: {  	s4 =	simm.s32 @!p2 $0xB750;
	[sflag:s6] =	ssyncset.done @!p2 $0x0  }
0x100: {  	[sflag:s6] =	ssyncadd.s32 @!p2 $0xFFFFF800  }
0x101: {  	[tilespmem:s4], [sflag:$0xA] =	stream.indirect.gather @!p2 [hbm4b:s0+s5], $0x10, s7, s5, $0xb8;
	[tilespmem:$0xC750] =	vst v63  }
0x102: {  	p2 =	seq.s32 s1, $0x0;
	_ =	swait.ge [sflag:s2], $0x800  }
0x103: {  	[sflag:s2] =	ssyncset.done $0x0  }
0x104: {  	s5 =	simm.s32 @!p2 $0x15;
	s11 =	simm.s32 $0xBF50;
	[sflag:s2] =	ssyncadd.s32 $0xFFFFF800  }
0x105: {  	[spmem:s3] =	stream.indirect.scatter.add.f32 [tilespmem:s11], [sflag:$0x15], $0x10, s19, s17, $0xb8;
	[tilespmem:$0xC750] =	vst v63  }
0x106: {  	_ =	swait.ge @!p2 [sflag:s5], $0x800  }
0x107: {  	s4 =	sshra.s32 s1, $0x2;
	[sflag:s5] =	ssyncset.done @!p2 $0x0  }
0x108: {  	s6 =	sadd.s32 $0x2BD0, s4;
	[sflag:s5] =	ssyncadd.s32 @!p2 $0xFFFFF800  }
0x109: {  	[tilespmem:s11], [sflag:$0xB] =	stream.indirect.gather [hbm4b:s0+s17], $0x10, s6, s17, $0xb8;
	[tilespmem:$0xC750] =	vst v63  }
0x10a: {  	_ =	swait.ge [sflag:s24], $0x800  }
0x10b: {  	p1 =	seq.s32 s1, $0x8C00;
	s16 =	simm.s32 $0x7750;
	[sflag:s24] =	ssyncset.done $0x0  }
0x10c: {  	s15 =	sadd.s32 $0x4F50, s4;
	s8 =	simm.s32 @p1 $0x3;
	[sflag:s24] =	ssyncadd.s32 $0xFFFFF800  }
0x10d: {  	[spmem:s3] =	stream.indirect.scatter.add.f32 [tilespmem:s16], [sflag:$0xC], $0x10, s15, s17, $0xb8;
	[tilespmem:$0xC750] =	vst v63  }
0x10e: {  	s7 =	simm.s32 @p1 $0x80;
	_ =	swait.ge @p1 [sflag:s8], $0x800  }
0x10f: {  	s9 =	simm.s32 @p1 $0x7F50;
	s6 =	sshra.s32 @p1 s1, $0x2;
	[sflag:s8] =	ssyncset.done @p1 $0x0  }
0x110: {  	s5 =	sadd.s32 @p1 $0x4FD0, s6;
	[sflag:s8] =	ssyncadd.s32 @p1 $0xFFFFF800;
	s8 =	simm.s32 @!p1 $0xC  }
0x111: {  	[spmem:s3] =	stream.indirect.scatter.add.f32 @p1 [tilespmem:s9], [sflag:$0xD], $0x10, s5, s7, $0xb8;
	[tilespmem:$0xC750] =	vst v63  }
0x112: {  	s1 =	sshra.s32 @!p1 s1, $0x2;
	_ =	swait.ge @!p1 [sflag:s8], $0x800  }
0x113: {  	s9 =	sadd.s32 @!p1 $0x2C50, s1;
	[sflag:s8] =	ssyncset.done @!p1 $0x0  }
0x114: {  	s5 =	simm.s32 @!p1 $0x80;
	[sflag:s8] =	ssyncadd.s32 @!p1 $0xFFFFF800;
	s8 =	simm.s32 @!p1 $0x7750  }
0x115: {  	[tilespmem:s8], [sflag:$0x2] =	stream.indirect.gather @!p1 [hbm4b:s0+s5], $0x10, s9, s5, $0xb8;
	[tilespmem:$0xC750] =	vst v63  }
0x116: {  	s8 =	simm.s32 @!p1 $0x3  }
0x117: {  	_ =	swait.ge @!p1 [sflag:s8], $0x800  }
0x118: {  	[sflag:s8] =	ssyncset.done @!p1 $0x0  }
0x119: {  	s9 =	sadd.s32 @!p1 $0x4FD0, s1;
	[sflag:s8] =	ssyncadd.s32 @!p1 $0xFFFFF800;
	s8 =	simm.s32 @!p1 $0x7F50  }
0x11a: {  	[spmem:s3] =	stream.indirect.scatter.add.f32 @!p1 [tilespmem:s8], [sflag:$0xD], $0x10, s9, s5, $0xb8;
	[tilespmem:$0xC750] =	vst v63  }
0x11b: {  	s9 =	simm.s32 @!p1 $0xD  }
0x11c: {  	_ =	swait.ge @!p1 [sflag:s9], $0x800  }
0x11d: {  	[sflag:s9] =	ssyncset.done @!p1 $0x0  }
0x11e: {  	[sflag:s9] =	ssyncadd.s32 @!p1 $0xFFFFF800;
	s9 =	sadd.s32 @!p1 $0x2CD0, s1  }
0x11f: {  	[tilespmem:s8], [sflag:$0x3] =	stream.indirect.gather @!p1 [hbm4b:s0+s5], $0x10, s9, s5, $0xb8;
	[tilespmem:$0xC750] =	vst v63  }
0x120: {  	_ =	swait.ge [sflag:s25], $0x800  }
0x121: {  	s10 =	simm.s32 $0x8750;
	[sflag:s25] =	ssyncset.done $0x0  }
0x122: {  	s18 =	sadd.s32 $0x5050, s4;
	s9 =	simm.s32 @p1 $0x5;
	[sflag:s25] =	ssyncadd.s32 $0xFFFFF800  }
0x123: {  	[spmem:s3] =	stream.indirect.scatter.add.f32 [tilespmem:s10], [sflag:$0xE], $0x10, s18, s17, $0xb8;
	[tilespmem:$0xC750] =	vst v63  }
0x124: {  	_ =	swait.ge @p1 [sflag:s9], $0x800  }
0x125: {  	[sflag:s9] =	ssyncset.done @p1 $0x0  }
0x126: {  	s8 =	sadd.s32 @p1 $0x50D0, s6;
	[sflag:s9] =	ssyncadd.s32 @p1 $0xFFFFF800;
	s9 =	simm.s32 @p1 $0x8F50  }
0x127: {  	[spmem:s3] =	stream.indirect.scatter.add.f32 @p1 [tilespmem:s9], [sflag:$0xF], $0x10, s8, s7, $0xb8;
	[tilespmem:$0xC750] =	vst v63  }
0x128: {  	s8 =	simm.s32 @!p1 $0xE  }
0x129: {  	_ =	swait.ge @!p1 [sflag:s8], $0x800  }
0x12a: {  	[sflag:s8] =	ssyncset.done @!p1 $0x0  }
0x12b: {  	s9 =	sadd.s32 @!p1 $0x2D50, s1;
	[sflag:s8] =	ssyncadd.s32 @!p1 $0xFFFFF800;
	s8 =	simm.s32 @!p1 $0x8750  }
0x12c: {  	[tilespmem:s8], [sflag:$0x4] =	stream.indirect.gather @!p1 [hbm4b:s0+s5], $0x10, s9, s5, $0xb8;
	[tilespmem:$0xC750] =	vst v63  }
0x12d: {  	s8 =	simm.s32 @!p1 $0x5  }
0x12e: {  	_ =	swait.ge @!p1 [sflag:s8], $0x800  }
0x12f: {  	[sflag:s8] =	ssyncset.done @!p1 $0x0  }
0x130: {  	s9 =	sadd.s32 @!p1 $0x50D0, s1;
	[sflag:s8] =	ssyncadd.s32 @!p1 $0xFFFFF800;
	s8 =	simm.s32 @!p1 $0x8F50  }
0x131: {  	[spmem:s3] =	stream.indirect.scatter.add.f32 @!p1 [tilespmem:s8], [sflag:$0xF], $0x10, s9, s5, $0xb8;
	[tilespmem:$0xC750] =	vst v63  }
0x132: {  	s9 =	simm.s32 @!p1 $0xF  }
0x133: {  	_ =	swait.ge @!p1 [sflag:s9], $0x800  }
0x134: {  	[sflag:s9] =	ssyncset.done @!p1 $0x0  }
0x135: {  	[sflag:s9] =	ssyncadd.s32 @!p1 $0xFFFFF800;
	s9 =	sadd.s32 @!p1 $0x2DD0, s1  }
0x136: {  	[tilespmem:s8], [sflag:$0x5] =	stream.indirect.gather @!p1 [hbm4b:s0+s5], $0x10, s9, s5, $0xb8;
	[tilespmem:$0xC750] =	vst v63  }
0x137: {  	_ =	swait.ge [sflag:s28], $0x800  }
0x138: {  	s20 =	simm.s32 $0x9750;
	[sflag:s28] =	ssyncset.done $0x0  }
0x139: {  	s19 =	sadd.s32 $0x5150, s4;
	s9 =	simm.s32 @p1 $0x7;
	[sflag:s28] =	ssyncadd.s32 $0xFFFFF800  }
0x13a: {  	[spmem:s3] =	stream.indirect.scatter.add.f32 [tilespmem:s20], [sflag:$0x10], $0x10, s19, s17, $0xb8;
	[tilespmem:$0xC750] =	vst v63  }
0x13b: {  	_ =	swait.ge @p1 [sflag:s9], $0x800  }
0x13c: {  	[sflag:s9] =	ssyncset.done @p1 $0x0  }
0x13d: {  	s8 =	sadd.s32 @p1 $0x51D0, s6;
	[sflag:s9] =	ssyncadd.s32 @p1 $0xFFFFF800;
	s9 =	simm.s32 @p1 $0x9F50  }
0x13e: {  	[spmem:s3] =	stream.indirect.scatter.add.f32 @p1 [tilespmem:s9], [sflag:$0x11], $0x10, s8, s7, $0xb8;
	[tilespmem:$0xC750] =	vst v63  }
0x13f: {  	s8 =	simm.s32 @!p1 $0x10  }
0x140: {  	_ =	swait.ge @!p1 [sflag:s8], $0x800  }
0x141: {  	[sflag:s8] =	ssyncset.done @!p1 $0x0  }
0x142: {  	s9 =	sadd.s32 @!p1 $0x2E50, s1;
	[sflag:s8] =	ssyncadd.s32 @!p1 $0xFFFFF800;
	s8 =	simm.s32 @!p1 $0x9750  }
0x143: {  	[tilespmem:s8], [sflag:$0x6] =	stream.indirect.gather @!p1 [hbm4b:s0+s5], $0x10, s9, s5, $0xb8;
	[tilespmem:$0xC750] =	vst v63  }
0x144: {  	s8 =	simm.s32 @!p1 $0x7  }
0x145: {  	_ =	swait.ge @!p1 [sflag:s8], $0x800  }
0x146: {  	[sflag:s8] =	ssyncset.done @!p1 $0x0  }
0x147: {  	s9 =	sadd.s32 @!p1 $0x51D0, s1;
	[sflag:s8] =	ssyncadd.s32 @!p1 $0xFFFFF800;
	s8 =	simm.s32 @!p1 $0x9F50  }
0x148: {  	[spmem:s3] =	stream.indirect.scatter.add.f32 @!p1 [tilespmem:s8], [sflag:$0x11], $0x10, s9, s5, $0xb8;
	[tilespmem:$0xC750] =	vst v63  }
0x149: {  	s9 =	simm.s32 @!p1 $0x11  }
0x14a: {  	_ =	swait.ge @!p1 [sflag:s9], $0x800  }
0x14b: {  	[sflag:s9] =	ssyncset.done @!p1 $0x0  }
0x14c: {  	[sflag:s9] =	ssyncadd.s32 @!p1 $0xFFFFF800;
	s9 =	sadd.s32 @!p1 $0x2ED0, s1  }
0x14d: {  	[tilespmem:s8], [sflag:$0x7] =	stream.indirect.gather @!p1 [hbm4b:s0+s5], $0x10, s9, s5, $0xb8;
	[tilespmem:$0xC750] =	vst v63  }
0x14e: {  	_ =	swait.ge [sflag:s29], $0x800  }
0x14f: {  	s22 =	simm.s32 $0xA750;
	[sflag:s29] =	ssyncset.done $0x0  }
0x150: {  	s21 =	sadd.s32 $0x5250, s4;
	s8 =	simm.s32 @p1 $0x9;
	[sflag:s29] =	ssyncadd.s32 $0xFFFFF800  }
0x151: {  	[spmem:s3] =	stream.indirect.scatter.add.f32 [tilespmem:s22], [sflag:$0x12], $0x10, s21, s17, $0xb8;
	[tilespmem:$0xC750] =	vst v63  }
0x152: {  	_ =	swait.ge @p1 [sflag:s8], $0x800  }
0x153: {  	[sflag:s8] =	ssyncset.done @p1 $0x0  }
0x154: {  	s6 =	sadd.s32 @p1 $0x52D0, s6;
	[sflag:s8] =	ssyncadd.s32 @p1 $0xFFFFF800;
	s8 =	simm.s32 @p1 $0xAF50  }
0x155: {  	[spmem:s3] =	stream.indirect.scatter.add.f32 @p1 [tilespmem:s8], [sflag:$0x13], $0x10, s6, s7, $0xb8;
	[tilespmem:$0xC750] =	vst v63  }
0x156: {  	s6 =	simm.s32 @!p1 $0x12  }
0x157: {  	_ =	swait.ge @!p1 [sflag:s6], $0x800  }
0x158: {  	[sflag:s6] =	ssyncset.done @!p1 $0x0  }
0x159: {  	s7 =	sadd.s32 @!p1 $0x2F50, s1;
	[sflag:s6] =	ssyncadd.s32 @!p1 $0xFFFFF800;
	s6 =	simm.s32 @!p1 $0xA750  }
0x15a: {  	[tilespmem:s6], [sflag:$0x8] =	stream.indirect.gather @!p1 [hbm4b:s0+s5], $0x10, s7, s5, $0xb8;
	[tilespmem:$0xC750] =	vst v63  }
0x15b: {  	s6 =	simm.s32 @!p1 $0x9  }
0x15c: {  	_ =	swait.ge @!p1 [sflag:s6], $0x800  }
0x15d: {  	[sflag:s6] =	ssyncset.done @!p1 $0x0  }
0x15e: {  	s7 =	sadd.s32 @!p1 $0x52D0, s1;
	[sflag:s6] =	ssyncadd.s32 @!p1 $0xFFFFF800;
	s6 =	simm.s32 @!p1 $0xAF50  }
0x15f: {  	[spmem:s3] =	stream.indirect.scatter.add.f32 @!p1 [tilespmem:s6], [sflag:$0x13], $0x10, s7, s5, $0xb8;
	[tilespmem:$0xC750] =	vst v63  }
0x160: {  	s7 =	simm.s32 @!p1 $0x13  }
0x161: {  	_ =	swait.ge @!p1 [sflag:s7], $0x800  }
0x162: {  	[sflag:s7] =	ssyncset.done @!p1 $0x0  }
0x163: {  	[sflag:s7] =	ssyncadd.s32 @!p1 $0xFFFFF800;
	s7 =	sadd.s32 @!p1 $0x2FD0, s1  }
0x164: {  	[tilespmem:s6], [sflag:$0x9] =	stream.indirect.gather @!p1 [hbm4b:s0+s5], $0x10, s7, s5, $0xb8;
	[tilespmem:$0xC750] =	vst v63  }
0x165: {  	_ =	swait.ge [sflag:s30], $0x800  }
0x166: {  	s31 =	simm.s32 $0xB750;
	[sflag:s30] =	ssyncset.done $0x0  }
0x167: {  	s26 =	sadd.s32 $0x5350, s4;
	s6 =	simm.s32 @!p1 $0x14;
	[sflag:s30] =	ssyncadd.s32 $0xFFFFF800  }
0x168: {  	[spmem:s3] =	stream.indirect.scatter.add.f32 [tilespmem:s31], [sflag:$0x14], $0x10, s26, s17, $0xb8;
	[tilespmem:$0xC750] =	vst v63  }
0x169: {  	_ =	swait.ge @!p1 [sflag:s6], $0x800  }
0x16a: {  	[sflag:s6] =	ssyncset.done @!p1 $0x0  }
0x16b: {  	s1 =	sadd.s32 @!p1 $0x3050, s1;
	[sflag:s6] =	ssyncadd.s32 @!p1 $0xFFFFF800;
	s6 =	simm.s32 @!p1 $0xB750  }
0x16c: {  	[tilespmem:s6], [sflag:$0xA] =	stream.indirect.gather @!p1 [hbm4b:s0+s5], $0x10, s1, s5, $0xb8;
	[tilespmem:$0xC750] =	vst v63  }
0x16d: {  	_ =	swait.ge [sflag:s2], $0x800  }
0x16e: {  	[sflag:s2] =	ssyncset.done $0x0  }
0x16f: {  	s8 =	simm.s32 $0xC;
	s7 =	sadd.s32 $0x53D0, s4;
	[sflag:s2] =	ssyncadd.s32 $0xFFFFF800  }
0x170: {  	[spmem:s3] =	stream.indirect.scatter.add.f32 [tilespmem:s11], [sflag:$0x15], $0x10, s7, s17, $0xb8;
	[tilespmem:$0xC750] =	vst v63  }
0x171: {  	_ =	swait.ge [sflag:s8], $0x800  }
0x172: {  	[sflag:s8] =	ssyncset.done $0x0  }
0x173: {  	s9 =	simm.s32 $0xD;
	[sflag:s8] =	ssyncadd.s32 $0xFFFFF800  }
0x174: {  	_ =	swait.ge [sflag:s9], $0x800  }
0x175: {  	[sflag:s9] =	ssyncset.done $0x0  }
0x176: {  	s10 =	simm.s32 $0xE;
	[sflag:s9] =	ssyncadd.s32 $0xFFFFF800  }
0x177: {  	_ =	swait.ge [sflag:s10], $0x800  }
0x178: {  	[sflag:s10] =	ssyncset.done $0x0  }
0x179: {  	s11 =	simm.s32 $0xF;
	[sflag:s10] =	ssyncadd.s32 $0xFFFFF800  }
0x17a: {  	_ =	swait.ge [sflag:s11], $0x800  }
0x17b: {  	[sflag:s11] =	ssyncset.done $0x0  }
0x17c: {  	s13 =	simm.s32 $0x10;
	[sflag:s11] =	ssyncadd.s32 $0xFFFFF800  }
0x17d: {  	_ =	swait.ge [sflag:s13], $0x800  }
0x17e: {  	[sflag:s13] =	ssyncset.done $0x0  }
0x17f: {  	s14 =	simm.s32 $0x11;
	[sflag:s13] =	ssyncadd.s32 $0xFFFFF800  }
0x180: {  	_ =	swait.ge [sflag:s14], $0x800  }
0x181: {  	[sflag:s14] =	ssyncset.done $0x0  }
0x182: {  	s15 =	simm.s32 $0x12;
	[sflag:s14] =	ssyncadd.s32 $0xFFFFF800  }
0x183: {  	_ =	swait.ge [sflag:s15], $0x800  }
0x184: {  	[sflag:s15] =	ssyncset.done $0x0  }
0x185: {  	s16 =	simm.s32 $0x13;
	[sflag:s15] =	ssyncadd.s32 $0xFFFFF800  }
0x186: {  	_ =	swait.ge [sflag:s16], $0x800  }
0x187: {  	[sflag:s16] =	ssyncset.done $0x0  }
0x188: {  	s18 =	simm.s32 $0x14;
	[sflag:s16] =	ssyncadd.s32 $0xFFFFF800  }
0x189: {  	_ =	swait.ge [sflag:s18], $0x800  }
0x18a: {  	[sflag:s18] =	ssyncset.done $0x0  }
0x18b: {  	s19 =	simm.s32 $0x15;
	[sflag:s18] =	ssyncadd.s32 $0xFFFFF800  }
0x18c: {  	_ =	swait.ge [sflag:s19], $0x800  }
0x18d: {  	[sflag:s19] =	ssyncset.done $0x0  }
0x18e: {  	[sflag:s19] =	ssyncadd.s32 $0xFFFFF800  }
0x18f: {  	[bflag:$0x0] =	sbarrier.arrive $0xFFFF  }
0x190: {  	s20 =	rddreg [dreg:$0xa]  }
0x191: {  	s21 =	rddreg [dreg:$0xe]  }
0x192: {  	s11 =	simm.s32 $0x17;
	s22 =	rddreg [dreg:$0xf]  }
0x193: {  	[hbm:s20], [sflag:s21] =	dma.local [spmem:s22], $0x4E0  }
0x194: {  	_ =	swait.ge [sflag:s11], $0x4E0  }
0x195: {  	[sflag:s11] =	ssyncset.done $0x0;
	s4 =	rddreg [dreg:$0xb]  }
0x196: {  	s1 =	simm.s32 @!p0 $0x1C16;
	s5 =	rddreg [dreg:$0x10];
	[sflag:s11] =	ssyncadd.s32 $0xFFFFFB20  }
0x197: {  	[hbm:s4], [sflag:s1] =	dma.local @!p0 [spmem:s5], $0x20  }
0x198: {  	s1 =	simm.s32 @!p0 $0x16  }
0x199: {  	_ =	swait.ge @!p0 [sflag:s1], $0x20  }
0x19a: {  	s26 =	rddreg [dreg:$0xd]  }
0x19b: {  	s31 =	rddreg [dreg:$0xc];
	s5 =	sadd.s32 $0x1, s26  }
0x19c: {  	p1 =	sne.s32 s5, s31  }
.Ltmp1:
0x19d: {  	_ = 	snop;
	(pc) =	sbr.rel @p1 .LBB2_1-.Ltmp1, $3  }
0x19e: {  	_ =	sdelay $0x1  }
0x19f: {  	[sflag:s1] =	ssyncset.done @!p0 $0x0  }
0x1a0: {  	s12 =	simm.s32 $0xBF50;
	[sflag:s1] =	ssyncadd.s32 @!p0 $0xFFFFFFE0  }
0x1a1: {  	_ =	sfence.sel $0x180000  }
0x1a2: {  	[bflag:$0x0] =	sbarrier.arrive $0xFFFF  }
0x1a3: {  	_ =	strace $0x9000004D  }
0x1a4: {  	[bflag:$0x2] =	sbarrier.arrive $0xFFFF  }
0x1a5: {  	s0 =	rddreg [dreg:$0x3]  }
0x1a6: {  	s0 =	sadd.s32 @!p0 $0x100000, s0  }
0x1a7: {  	[sflag:s0] =	ssyncadd.tile.s32 @!p0 $0x1;
	_ =	shalt  }
.Lfunc_end2:
_tile_overlayer_lowered:
.L_overlay_start_2:
0x1a8: {  	(tag) =	ssettag $0x2  }
0x1a9: {  	s0 =	rddreg [dreg:$0x0];
	s2 =	stileid.u32  }
0x1aa: {  	s1 =	rddreg [dreg:$0x1];
	p0 =	sne.s32 s2, $0x0  }
0x1ab: {  	s3 =	rddreg [dreg:$0x2];
	[bflag:$0x3] =	sbarrier.arrive $0xFFFF;
	s2 =	simm.s32 @!p0 $0x1C01  }
0x1ac: {  	[timem:s3], [sflag:s2] =	dma.local @!p0 [hbm:s0], s1  }
0x1ad: {  	s0 =	simm.s32 @!p0 $0x1  }
0x1ae: {  	_ =	swait.ge @!p0 [sflag:s0], s1  }
0x1af: {  	s1 =	ssub.s32 @!p0 $0x0, s1;
	[sflag:s0] =	ssyncset.done @!p0 $0x0  }
0x1b0: {  	[sflag:s0] =	ssyncadd.s32 @!p0 s1  }
0x1b1: {  	[bflag:$0x3] =	sbarrier.arrive $0xFFFF  }
0x1b2: {  	_ =	shalt  }

// kernel: kernel.9.cloned.1.call-start
scs
__scs_entry_jumppad:
0x0: {  	(pc) =	sbr.rel $0x88, $3  }
0x1: {  	(tag) =	ssettag $0x0;
	lr =	simm.s32 $0x1  }
0x2: {  	[smem:$0x3F9B] =	sst lr;
	_ =	strace $0xD0000000  }
0x3: {  	_ = 	snop  }
0x4: {  	_ = 	snop  }
0x5: {  	_ = 	snop  }
0x6: {  	_ = 	snop  }
0x7: {  	_ = 	snop  }
__scs_overlays_trampoline_lowered:
0x8: {  	[smem:$0x3FAA] =	sst s0  }
0x9: {  	[smem:$0x3FAB] =	sst s1  }
0xa: {  	[smem:$0x3FAC] =	sst s2  }
0xb: {  	[smem:$0x3FAD] =	sst s3  }
0xc: {  	[smem:$0x3FAE] =	sst s4  }
0xd: {  	[smem:$0x3FAF] =	sst s5  }
0xe: {  	[smem:$0x3FB0] =	sst s6  }
0xf: {  	[smem:$0x3FB1] =	sst s7  }
0x10: {  	[smem:$0x3FB2] =	sst s8  }
0x11: {  	[smem:$0x3FB3] =	sst s9;
	s0 =	simm.s32 @!p0 $0x0  }
0x12: {  	s1 =	sld [smem:$0x3F99];
	s0 =	simm.s32 @p0 $0x1  }
0x13: {  	[smem:$0x3FB4] =	sst s0;
	s0 =	simm.s32 @!p1 $0x0  }
0x14: {  	s2 =	sld [smem:$0x3F98];
	s0 =	simm.s32 @p1 $0x1  }
0x15: {  	[smem:$0x3FB5] =	sst s0;
	s0 =	simm.s32 @!p2 $0x0  }
0x16: {  	s3 =	sld [smem:$0x3FDB];
	s0 =	simm.s32 @p2 $0x1  }
0x17: {  	s4 =	simm.s32 $0x1BF5;
	[smem:$0x3FB7] =	sst s0  }
0x18: {  	s0 =	sld [smem:$0x3F9A];
	_ =	swait.ge [sflag:s4], $0x0  }
0x19: {  	s7 =	sld [smem:$0x3F9B]  }
0x1a: {  	s8 =	sadd.s32 $0xFFFFE003, lr  }
0x1b: {  	s9 =	sadd.s32 $0xFFFFFEF7, lr;
	s5 =	simm.s32 $0xFFFFFFFF;
	p2 =	slt.u32 s8, $0xFFFFF086  }
0x1c: {  	p1 =	slt.u32 s9, $0xF7A;
	s5 =	simm.s32 @!p2 $0x0  }
0x1d: {  	s5 =	simm.s32 @p1 $0x1;
	p0 =	seq.s32 s7, s2  }
0x1e: {  	s7 =	smul.u32 @!p0 $0xF7A, s2;
	p2 =	seq.s32 @!p0 s5, $0x0  }
0x1f: {  	s9 =	smul.u32 $0xF7A, s1;
	s8 =	simm.s32 @!p0 $0x1BF5;
	p2 =	por !p2, p0  }
0x20: {  	[sflag:s8] =	ssyncset.s32 @!p0 $0xFFFFF086;
	s6 =	sadd.s32 @!p0 s3, s7;
	s7 =	simm.s32 @!p0 $0x108  }
0x21: {  	s3 =	sadd.s32 s3, s9;
	s6 =	sadd.s32 @!p0 $0x88, s6;
	s7 =	simm.s32 @p2 $0x1082  }
0x22: {  	[simem:s7], [sflag:s8] =	dma.local @!p0 [hbm:s6], $0xF7A  }
0x23: {  	s9 =	sor.u32 $0xD0000000, s2;
	s6 =	simm.s32 $0x108;
	_ =	swait.ge @!p0 [sflag:s8], $0x0  }
0x24: {  	s3 =	sadd.s32 $0x88, s3;
	s6 =	simm.s32 @!p1 $0x1082;
	[sflag:s4] =	ssyncset.s32 $0xFFFFF086  }
0x25: {  	[simem:s6], [sflag:s4] =	dma.local [hbm:s3], $0xF7A  }
0x26: {  	[smem:$0x3F9B] =	sst s1;
	(tag) =	ssettag s2;
	_ =	strace s9  }
0x27: {  	s1 =	sld [smem:$0x3FAB]  }
0x28: {  	s2 =	sld [smem:$0x3FAC]  }
0x29: {  	s4 =	sld [smem:$0x3FAE]  }
0x2a: {  	p0 =	seq.s32 s5, $0x0;
	s5 =	sld [smem:$0x3FAF]  }
0x2b: {  	s6 =	sld [smem:$0x3FB0]  }
0x2c: {  	s7 =	sld [smem:$0x3FB1]  }
0x2d: {  	s3 =	simm.s32 $0x108;
	s8 =	sld [smem:$0x3FB2]  }
0x2e: {  	s3 =	simm.s32 @!p0 $0x1082;
	s9 =	sld [smem:$0x3FB3]  }
0x2f: {  	lr =	sadd.s32 s0, s3;
	s0 =	sld [smem:$0x3FAA]  }
0x30: {  	s3 =	sld [smem:$0x3FAD]  }
0x31: {  	[smem:$0x3FB6] =	sst s10  }
0x32: {  	s10 =	sld [smem:$0x3FB4];
	_ =	sdelay $0x3  }
0x33: {  	p0 =	seq.s32 s10, $0x1;
	s10 =	sld [smem:$0x3FB6];
	_ =	sdelay $0x3  }
0x34: {  	[smem:$0x3FB6] =	sst s10  }
0x35: {  	s10 =	sld [smem:$0x3FB5];
	_ =	sdelay $0x3  }
0x36: {  	p1 =	seq.s32 s10, $0x1;
	s10 =	sld [smem:$0x3FB6];
	_ =	sdelay $0x3  }
0x37: {  	[smem:$0x3FB6] =	sst s10  }
0x38: {  	s10 =	sld [smem:$0x3FB7]  }
0x39: {  	_ = 	snop;
	(pc) =	sbr.ind lr, $3  }
0x3a: {  	_ = 	snop  }
0x3b: {  	_ = 	snop  }
0x3c: {  	p2 =	seq.s32 s10, $0x1;
	s10 =	sld [smem:$0x3FB6]  }
0x3d: {  	_ =	shalt  }
0x3e: {  	_ =	shalt  }
0x3f: {  	_ =	shalt  }
0x40: {  	_ =	shalt  }
0x41: {  	_ =	shalt  }
0x42: {  	_ =	shalt  }
0x43: {  	_ =	shalt  }
0x44: {  	_ =	shalt  }
0x45: {  	_ =	shalt  }
0x46: {  	_ =	shalt  }
0x47: {  	_ =	shalt  }
0x48: {  	_ =	shalt  }
0x49: {  	_ =	shalt  }
0x4a: {  	_ =	shalt  }
0x4b: {  	_ =	shalt  }
0x4c: {  	_ =	shalt  }
0x4d: {  	_ =	shalt  }
0x4e: {  	_ =	shalt  }
0x4f: {  	_ =	shalt  }
0x50: {  	_ =	shalt  }
0x51: {  	_ =	shalt  }
0x52: {  	_ =	shalt  }
0x53: {  	_ =	shalt  }
0x54: {  	_ =	shalt  }
0x55: {  	_ =	shalt  }
0x56: {  	_ =	shalt  }
0x57: {  	_ =	shalt  }
0x58: {  	_ =	shalt  }
0x59: {  	_ =	shalt  }
0x5a: {  	_ =	shalt  }
0x5b: {  	_ =	shalt  }
0x5c: {  	_ =	shalt  }
0x5d: {  	_ =	shalt  }
0x5e: {  	_ =	shalt  }
0x5f: {  	_ =	shalt  }
0x60: {  	_ =	shalt  }
0x61: {  	_ =	shalt  }
0x62: {  	_ =	shalt  }
0x63: {  	_ =	shalt  }
0x64: {  	_ =	shalt  }
0x65: {  	_ =	shalt  }
0x66: {  	_ =	shalt  }
0x67: {  	_ =	shalt  }
0x68: {  	_ =	shalt  }
0x69: {  	_ =	shalt  }
0x6a: {  	_ =	shalt  }
0x6b: {  	_ =	shalt  }
0x6c: {  	_ =	shalt  }
0x6d: {  	_ =	shalt  }
0x6e: {  	_ =	shalt  }
0x6f: {  	_ =	shalt  }
0x70: {  	_ =	shalt  }
0x71: {  	_ =	shalt  }
0x72: {  	_ =	shalt  }
0x73: {  	_ =	shalt  }
0x74: {  	_ =	shalt  }
0x75: {  	_ =	shalt  }
0x76: {  	_ =	shalt  }
0x77: {  	_ =	shalt  }
0x78: {  	_ =	shalt  }
0x79: {  	_ =	shalt  }
0x7a: {  	_ =	shalt  }
0x7b: {  	_ =	shalt  }
0x7c: {  	_ =	shalt  }
0x7d: {  	_ =	shalt  }
0x7e: {  	_ =	shalt  }
0x7f: {  	_ =	shalt  }
0x80: {  	_ =	shalt  }
0x81: {  	_ =	shalt  }
0x82: {  	_ =	shalt  }
0x83: {  	_ =	shalt  }
0x84: {  	_ =	shalt  }
0x85: {  	_ =	shalt  }
0x86: {  	_ =	shalt  }
0x87: {  	_ =	shalt  }
.Lfunc_end0:
.L_simem_size_0:
called_computation_lowered:
.L_overlay_start_0:
0x88: {  	s2 =	sld [smem:$0x3FD9]  }
0x89: {  	s3 =	sld [smem:$0x3FFE];
	_ =	sdelay $0x1  }
0x8a: {  	s1 =	srdreg.scid  }
0x8b: {  	s0 =	sand.u32 $0x1, s1  }
0x8c: {  	s17 =	sshll.u32 s0, $0xA;
	s2 =	sadd.s32 s3, s2  }
0x8d: {  	s2 =	sadd.s32 s2, s17  }
0x8e: {  	[smem:$0x3FC2] =	sst s2  }
0x8f: {  	_ = 	snop  }
0x90: {  	s2 =	sld [smem:$0x3FD0];
	(tm) =	ssettm $0x1  }
0x91: {  	s18 =	sld [smem:$0x3FFB];
	_ =	sdelay $0x3  }
0x92: {  	_ =	strace s18  }
0x93: {  	s3 =	sld [smem:$0x3FFC];
	_ =	sdelay $0x3  }
0x94: {  	_ =	strace s3  }
0x95: {  	s3 =	sld [smem:$0x3FFD];
	_ =	sdelay $0x3  }
0x96: {  	_ =	strace s3  }
0x97: {  	_ =	strace $0x8FFFFFFF  }
0x98: {  	s19 =	sld [smem:$0x3FDB];
	_ =	sdelay $0x1  }
0x99: {  	s4 =	simm.s32 $_scs_section_size  }
0x9a: {  	s5 =	simm.s32 $_size__tile_overlayer_lowered;
	s6 =	simm.s32 $_tile_overlayer_lowered  }
0x9b: {  	s22 =	simm.s32 $0x1BFF;
	s21 =	sshll.u32 s6, $0x1;
	s3 =	sadd.s32 s4, s19  }
0x9c: {  	s7 =	simm.s32 $0x0;
	s20 =	sshll.u32 s5, $0x1;
	s5 =	sadd.s32 s21, s3  }
0x9d: {  	[timem:s7], [sflag:s22] =	dma.local [hbm:s5], s20  }
0x9e: {  	_ =	swait.ge [sflag:s22], s20  }
0x9f: {  	s4 =	ssub.s32 $0x0, s20;
	[sflag:s22] =	ssyncset.done $0x0  }
0xa0: {  	[sflag:s22] =	ssyncadd.s32 s4;
	_ =	sdelay $0x1  }
0xa1: {  	s23 =	simm.s32 $0x1B8B  }
0xa2: {  	_ =	swait.ge [sflag:s23], $0x1  }
0xa3: {  	[sflag:s23] =	ssyncset.done $0x0  }
0xa4: {  	s25 =	simm.s32 $0x1B8E;
	s24 =	sld [smem:$0x3FFE];
	[sflag:s23] =	ssyncadd.s32 $0xFFFFFFFF  }
0xa5: {  	s26 =	simm.s32 $execute0_lowered;
	[smem:$0x3FD2] =	sst s25  }
0xa6: {  	s5 =	sshll.u32 s26, $0x1;
	_ =	strace $0x80000046;
	[dreg:$0x1] =	wrdreg $0xFFFFFFFF  }
0xa7: {  	s28 =	simm.s32 $_size_execute0_lowered;
	s3 =	sadd.s32 s3, s5;
	[dreg:$0x0] =	wrdreg $0x0  }
0xa8: {  	s5 =	sshll.u32 s28, $0x1;
	[dreg:$0x2] =	wrdreg s3  }
0xa9: {  	[dreg:$0x3] =	wrdreg s5  }
0xaa: {  	[dreg:$0x4] =	wrdreg $0xC0  }
0xab: {  	_ =	task [dreg:s7], $0x5FFFF  }
0xac: {  	[dreg:$0x1] =	wrdreg $0xFFFFFFFF  }
0xad: {  	[dreg:$0x0] =	wrdreg $0x60  }
0xae: {  	[dreg:$0x2] =	wrdreg s24  }
0xaf: {  	[dreg:$0x3] =	wrdreg s2  }
0xb0: {  	[dreg:$0x4] =	wrdreg $0x0  }
0xb1: {  	[dreg:$0x5] =	wrdreg $0x9  }
0xb2: {  	_ =	task.clear_ibuf [dreg:s7], $0x6FFFF;
	_ =	strace $0x90000046  }
0xb3: {  	s29 =	simm.s32 $0x9;
	_ =	strace $0x80000048  }
0xb4: {  	_ =	swait.ge [sflag:s29], $0x1  }
0xb5: {  	[sflag:s29] =	ssyncadd.s32 $0xFFFFFFFF  }
0xb6: {  	_ =	strace $0x90000048  }
0xb7: {  	_ =	sfence  }
0xb8: {  	s30 =	sld [smem:$0x0];
	_ =	sdelay $0x2  }
0xb9: {  	s31 =	sshll.u32 s1, $0xD;
	s1 =	sshrl.u32 s1, $0x2  }
0xba: {  	s3 =	sand.u32 $0x4000, s31;
	s1 =	sadd.s32 s1, s30  }
0xbb: {  	s0 =	sor.u32 s3, s0;
	s1 =	sshll.u32 s1, $0x11  }
0xbc: {  	s0 =	sor.u32 s1, s0  }
0xbd: {  	s0 =	sadd.s32 $0x8F2B, s0  }
0xbe: {  	[sflag:s0] =	ssyncadd.remote.s32 $0x1  }
0xbf: {  	_ =	sfence.sel $0xFFFF  }
0xc0: {  	[dreg:$0x0] =	wrdreg $0xFFFFFFFF;
	(pc) =	sbr.abs _section_cstart, $3  }
0xc1: {  	[dreg:$0x1] =	wrdreg $0xFFFFFFFF  }
0xc2: {  	_ =	task.clear_ibuf [dreg:s7], $0x2FFFF;
	_ =	strace $0x9FFFFFFF  }
0xc3: {  	(tm) =	ssettm $0x7FFFFFFF  }
tec
execute0_lowered:
.L_overlay_start_1:
0x0: {  	(tag) =	ssettag $0x1  }
0x1: {  	s3 =	rddreg [dreg:$0x0]  }
0x2: {  	s4 =	rddreg [dreg:$0x1];
	s0 =	srdreg.scid  }
0x3: {  	s1 =	rddreg [dreg:$0x2];
	s12 =	stileid.u32;
	s2 =	simm.s32 $0x0  }
0x4: {  	s10 =	simm.s32 $0x50;
	s11 =	simm.s32 $0x2990;
	s14 =	simm.s32 $0x0  }
0x5: {  	s5 =	sand.u32 $0x1, s0;
	s0 =	rddreg [dreg:$0x3];
	s6 =	sshll.u32 s12, $0x1  }
0x6: {  	s8 =	smul.u32 $0x280, s12;
	[smem:$0x7FF] =	sst s2;
	p0 =	sne.s32 s12, $0x0  }
0x7: {  	s12 =	sshll.u32 s12, $0x6;
	s7 =	smul.u32 $0x2800, s5;
	s6 =	sor.u32 s5, s6  }
0x8: {  	s5 =	ssub.s32 $0x2, s5;
	_ =	strace $0x80000047;
	s12 =	sor.u32 $0x1C02, s12  }
0x9: {  	s6 =	smul.u32 $0x4E2, s6;
	s9 =	sshrl.u32 s5, $0x1;
	s13 =	sadd.s32 s8, s1  }
0xa: {  	s7 =	sadd.s32 s8, s7;
	s5 =	ssub.s32 s5, s9;
	s8 =	simm.s32 $0x29E0  }
0xb: {  	s9 =	simm.s32 $0x2;
	s13 =	sshrl.u32 s13, $0x3;
	s3 =	sadd.s32 s6, s3  }
0xc: {  	s31 =	sshrl.u32 s7, $0x3;
	s5 =	smax.u32 s5, $0x1;
	s6 =	simm.s32 $0x280  }
0xd: {  	v0 =	vimm.f32 $1.000000000e+00;
	v1 =	vimm.f32 $0.0e+00;
	s7 =	simm.s32 $0x1;
	s3 =	sadd.s32 $0x2400, s3;
	s4 =	sadd.s32 s4, s31  }
.LBB2_1:
0xe: {  	[tilespmem:s6], [sflag:$0x1] =	stream.linear.gather [hbm4b:s3+s2], $0x2710, $0x38;
	[tilespmem:$0x51E0] =	vst v63  }
0xf: {  	_ =	swait.ge [sflag:s7], $0x2710  }
0x10: {  	[sflag:s7] =	ssyncset.done $0x0  }
0x11: {  	[sflag:s7] =	ssyncadd.s32 $0xFFFFD8F0  }
.Ltmp0:
0x12: {  	[tilespmem:$0x2990] =	vst v0;
	(pc) =	sbr.rel @p0 .LBB2_5-.Ltmp0, $4  }
0x13: {  	[tilespmem:$0x29A0] =	vst v0  }
0x14: {  	[tilespmem:$0x29B0] =	vst v0  }
0x15: {  	[tilespmem:$0x29C0] =	vst v0  }
0x16: {  	[tilespmem:$0x29D0] =	vst v0  }
0x17: {  	s15 =	simm.s32 $0x40;
	s16 =	simm.s32 $0x0  }
.LBB2_3:
0x18: {  	p1 =	sne.s32 s15, $0x9FC0;
	[tilespmem:s16+$0x29E0] =	vst v1;
	s16 =	smov.u32 s15;
	s15 =	sadd.s32 $0x40, s15  }
.Ltmp1:
0x19: {  	(pc) =	sbr.rel @p1 .LBB2_3-.Ltmp1, $2  }
0x1a: {  	_ =	sdelay $0x2  }
0x1b: {  	s16 =	sshra.s32 s16, $0x2  }
0x1c: {  	[tilespmem:s16+$0x29E0] =	vst v1  }
0x1d: {  	[spmem:s1] =	stream.linear.scatter [tilespmem:s8], [sflag:$0x2], $0x2800, $0x38;
	[tilespmem:$0x51E0] =	vst v63  }
0x1e: {  	_ =	swait.ge [sflag:s9], $0x2800  }
0x1f: {  	[sflag:s9] =	ssyncset.done $0x0  }
0x20: {  	[sflag:s9] =	ssyncadd.s32 $0xFFFFD800  }
.LBB2_5:
0x21: {  	[bflag:$0x0] =	sbarrier.arrive $0xFFFF;
	s15 =	simm.s32 $0x280  }
0x22: {  	[spmem:s1] =	stream.indirect.scatter.add.f32 [tilespmem:s11], [sflag:$0x1], $0x1, s15, s10, $0xb8;
	[tilespmem:$0x51E0] =	vst v63  }
0x23: {  	s22 =	simm.s32 $0x2D0  }
0x24: {  	[spmem:s1] =	stream.indirect.scatter.add.f32 [tilespmem:s11], [sflag:$0x1], $0x1, s22, s10, $0xb8;
	[tilespmem:$0x51E0] =	vst v63  }
0x25: {  	s23 =	simm.s32 $0x320  }
0x26: {  	[spmem:s1] =	stream.indirect.scatter.add.f32 [tilespmem:s11], [sflag:$0x1], $0x1, s23, s10, $0xb8;
	[tilespmem:$0x51E0] =	vst v63  }
0x27: {  	s24 =	simm.s32 $0x370  }
0x28: {  	[spmem:s1] =	stream.indirect.scatter.add.f32 [tilespmem:s11], [sflag:$0x1], $0x1, s24, s10, $0xb8;
	[tilespmem:$0x51E0] =	vst v63  }
0x29: {  	s25 =	simm.s32 $0x3C0  }
0x2a: {  	[spmem:s1] =	stream.indirect.scatter.add.f32 [tilespmem:s11], [sflag:$0x1], $0x1, s25, s10, $0xb8;
	[tilespmem:$0x51E0] =	vst v63  }
0x2b: {  	s26 =	simm.s32 $0x410  }
0x2c: {  	[spmem:s1] =	stream.indirect.scatter.add.f32 [tilespmem:s11], [sflag:$0x1], $0x1, s26, s10, $0xb8;
	[tilespmem:$0x51E0] =	vst v63  }
0x2d: {  	s28 =	simm.s32 $0x460  }
0x2e: {  	[spmem:s1] =	stream.indirect.scatter.add.f32 [tilespmem:s11], [sflag:$0x1], $0x1, s28, s10, $0xb8;
	[tilespmem:$0x51E0] =	vst v63  }
0x2f: {  	s29 =	simm.s32 $0x4B0  }
0x30: {  	[spmem:s1] =	stream.indirect.scatter.add.f32 [tilespmem:s11], [sflag:$0x1], $0x1, s29, s10, $0xb8;
	[tilespmem:$0x51E0] =	vst v63  }
0x31: {  	s30 =	simm.s32 $0x500  }
0x32: {  	[spmem:s1] =	stream.indirect.scatter.add.f32 [tilespmem:s11], [sflag:$0x1], $0x1, s30, s10, $0xb8;
	[tilespmem:$0x51E0] =	vst v63  }
0x33: {  	s31 =	simm.s32 $0x550  }
0x34: {  	[spmem:s1] =	stream.indirect.scatter.add.f32 [tilespmem:s11], [sflag:$0x1], $0x1, s31, s10, $0xb8;
	[tilespmem:$0x51E0] =	vst v63  }
0x35: {  	s16 =	simm.s32 $0x5A0  }
0x36: {  	[spmem:s1] =	stream.indirect.scatter.add.f32 [tilespmem:s11], [sflag:$0x1], $0x1, s16, s10, $0xb8;
	[tilespmem:$0x51E0] =	vst v63  }
0x37: {  	s17 =	simm.s32 $0x5F0  }
0x38: {  	[spmem:s1] =	stream.indirect.scatter.add.f32 [tilespmem:s11], [sflag:$0x1], $0x1, s17, s10, $0xb8;
	[tilespmem:$0x51E0] =	vst v63  }
0x39: {  	s18 =	simm.s32 $0x640  }
0x3a: {  	[spmem:s1] =	stream.indirect.scatter.add.f32 [tilespmem:s11], [sflag:$0x1], $0x1, s18, s10, $0xb8;
	[tilespmem:$0x51E0] =	vst v63  }
0x3b: {  	s19 =	simm.s32 $0x690  }
0x3c: {  	[spmem:s1] =	stream.indirect.scatter.add.f32 [tilespmem:s11], [sflag:$0x1], $0x1, s19, s10, $0xb8;
	[tilespmem:$0x51E0] =	vst v63  }
0x3d: {  	s20 =	simm.s32 $0x6E0  }
0x3e: {  	[spmem:s1] =	stream.indirect.scatter.add.f32 [tilespmem:s11], [sflag:$0x1], $0x1, s20, s10, $0xb8;
	[tilespmem:$0x51E0] =	vst v63  }
0x3f: {  	s21 =	simm.s32 $0x730  }
0x40: {  	[spmem:s1] =	stream.indirect.scatter.add.f32 [tilespmem:s11], [sflag:$0x1], $0x1, s21, s10, $0xb8;
	[tilespmem:$0x51E0] =	vst v63  }
0x41: {  	s22 =	simm.s32 $0x780  }
0x42: {  	[spmem:s1] =	stream.indirect.scatter.add.f32 [tilespmem:s11], [sflag:$0x1], $0x1, s22, s10, $0xb8;
	[tilespmem:$0x51E0] =	vst v63  }
0x43: {  	s23 =	simm.s32 $0x7D0  }
0x44: {  	[spmem:s1] =	stream.indirect.scatter.add.f32 [tilespmem:s11], [sflag:$0x1], $0x1, s23, s10, $0xb8;
	[tilespmem:$0x51E0] =	vst v63  }
0x45: {  	s24 =	simm.s32 $0x820  }
0x46: {  	[spmem:s1] =	stream.indirect.scatter.add.f32 [tilespmem:s11], [sflag:$0x1], $0x1, s24, s10, $0xb8;
	[tilespmem:$0x51E0] =	vst v63  }
0x47: {  	s25 =	simm.s32 $0x870  }
0x48: {  	[spmem:s1] =	stream.indirect.scatter.add.f32 [tilespmem:s11], [sflag:$0x1], $0x1, s25, s10, $0xb8;
	[tilespmem:$0x51E0] =	vst v63  }
0x49: {  	s26 =	simm.s32 $0x8C0  }
0x4a: {  	[spmem:s1] =	stream.indirect.scatter.add.f32 [tilespmem:s11], [sflag:$0x1], $0x1, s26, s10, $0xb8;
	[tilespmem:$0x51E0] =	vst v63  }
0x4b: {  	s28 =	simm.s32 $0x910  }
0x4c: {  	[spmem:s1] =	stream.indirect.scatter.add.f32 [tilespmem:s11], [sflag:$0x1], $0x1, s28, s10, $0xb8;
	[tilespmem:$0x51E0] =	vst v63  }
0x4d: {  	s29 =	simm.s32 $0x960  }
0x4e: {  	[spmem:s1] =	stream.indirect.scatter.add.f32 [tilespmem:s11], [sflag:$0x1], $0x1, s29, s10, $0xb8;
	[tilespmem:$0x51E0] =	vst v63  }
0x4f: {  	s30 =	simm.s32 $0x9B0  }
0x50: {  	[spmem:s1] =	stream.indirect.scatter.add.f32 [tilespmem:s11], [sflag:$0x1], $0x1, s30, s10, $0xb8;
	[tilespmem:$0x51E0] =	vst v63  }
0x51: {  	s31 =	simm.s32 $0xA00  }
0x52: {  	[spmem:s1] =	stream.indirect.scatter.add.f32 [tilespmem:s11], [sflag:$0x1], $0x1, s31, s10, $0xb8;
	[tilespmem:$0x51E0] =	vst v63  }
0x53: {  	_ =	swait.ge [sflag:s7], $0x50  }
0x54: {  	[sflag:s7] =	ssyncset.done $0x0  }
0x55: {  	[sflag:s7] =	ssyncadd.s32 $0xFFFFFFB0  }
0x56: {  	_ =	swait.ge [sflag:s7], $0x50  }
0x57: {  	[sflag:s7] =	ssyncset.done $0x0  }
0x58: {  	[sflag:s7] =	ssyncadd.s32 $0xFFFFFFB0  }
0x59: {  	_ =	swait.ge [sflag:s7], $0x50  }
0x5a: {  	[sflag:s7] =	ssyncset.done $0x0  }
0x5b: {  	[sflag:s7] =	ssyncadd.s32 $0xFFFFFFB0  }
0x5c: {  	_ =	swait.ge [sflag:s7], $0x50  }
0x5d: {  	[sflag:s7] =	ssyncset.done $0x0  }
0x5e: {  	[sflag:s7] =	ssyncadd.s32 $0xFFFFFFB0  }
0x5f: {  	_ =	swait.ge [sflag:s7], $0x50  }
0x60: {  	[sflag:s7] =	ssyncset.done $0x0  }
0x61: {  	[sflag:s7] =	ssyncadd.s32 $0xFFFFFFB0  }
0x62: {  	_ =	swait.ge [sflag:s7], $0x50  }
0x63: {  	[sflag:s7] =	ssyncset.done $0x0  }
0x64: {  	[sflag:s7] =	ssyncadd.s32 $0xFFFFFFB0  }
0x65: {  	_ =	swait.ge [sflag:s7], $0x50  }
0x66: {  	[sflag:s7] =	ssyncset.done $0x0  }
0x67: {  	[sflag:s7] =	ssyncadd.s32 $0xFFFFFFB0  }
0x68: {  	_ =	swait.ge [sflag:s7], $0x50  }
0x69: {  	[sflag:s7] =	ssyncset.done $0x0  }
0x6a: {  	[sflag:s7] =	ssyncadd.s32 $0xFFFFFFB0  }
0x6b: {  	_ =	swait.ge [sflag:s7], $0x50  }
0x6c: {  	[sflag:s7] =	ssyncset.done $0x0  }
0x6d: {  	[sflag:s7] =	ssyncadd.s32 $0xFFFFFFB0  }
0x6e: {  	_ =	swait.ge [sflag:s7], $0x50  }
0x6f: {  	[sflag:s7] =	ssyncset.done $0x0  }
0x70: {  	[sflag:s7] =	ssyncadd.s32 $0xFFFFFFB0  }
0x71: {  	_ =	swait.ge [sflag:s7], $0x50  }
0x72: {  	[sflag:s7] =	ssyncset.done $0x0  }
0x73: {  	[sflag:s7] =	ssyncadd.s32 $0xFFFFFFB0  }
0x74: {  	_ =	swait.ge [sflag:s7], $0x50  }
0x75: {  	[sflag:s7] =	ssyncset.done $0x0  }
0x76: {  	[sflag:s7] =	ssyncadd.s32 $0xFFFFFFB0  }
0x77: {  	_ =	swait.ge [sflag:s7], $0x50  }
0x78: {  	[sflag:s7] =	ssyncset.done $0x0  }
0x79: {  	[sflag:s7] =	ssyncadd.s32 $0xFFFFFFB0  }
0x7a: {  	_ =	swait.ge [sflag:s7], $0x50  }
0x7b: {  	[sflag:s7] =	ssyncset.done $0x0  }
0x7c: {  	[sflag:s7] =	ssyncadd.s32 $0xFFFFFFB0  }
0x7d: {  	_ =	swait.ge [sflag:s7], $0x50  }
0x7e: {  	[sflag:s7] =	ssyncset.done $0x0  }
0x7f: {  	[sflag:s7] =	ssyncadd.s32 $0xFFFFFFB0  }
0x80: {  	_ =	swait.ge [sflag:s7], $0x50  }
0x81: {  	[sflag:s7] =	ssyncset.done $0x0  }
0x82: {  	[sflag:s7] =	ssyncadd.s32 $0xFFFFFFB0  }
0x83: {  	_ =	swait.ge [sflag:s7], $0x50  }
0x84: {  	[sflag:s7] =	ssyncset.done $0x0  }
0x85: {  	[sflag:s7] =	ssyncadd.s32 $0xFFFFFFB0  }
0x86: {  	_ =	swait.ge [sflag:s7], $0x50  }
0x87: {  	[sflag:s7] =	ssyncset.done $0x0  }
0x88: {  	[sflag:s7] =	ssyncadd.s32 $0xFFFFFFB0  }
0x89: {  	_ =	swait.ge [sflag:s7], $0x50  }
0x8a: {  	[sflag:s7] =	ssyncset.done $0x0  }
0x8b: {  	[sflag:s7] =	ssyncadd.s32 $0xFFFFFFB0  }
0x8c: {  	_ =	swait.ge [sflag:s7], $0x50  }
0x8d: {  	[sflag:s7] =	ssyncset.done $0x0  }
0x8e: {  	[sflag:s7] =	ssyncadd.s32 $0xFFFFFFB0  }
0x8f: {  	_ =	swait.ge [sflag:s7], $0x50  }
0x90: {  	[sflag:s7] =	ssyncset.done $0x0  }
0x91: {  	[sflag:s7] =	ssyncadd.s32 $0xFFFFFFB0  }
0x92: {  	_ =	swait.ge [sflag:s7], $0x50  }
0x93: {  	[sflag:s7] =	ssyncset.done $0x0  }
0x94: {  	[sflag:s7] =	ssyncadd.s32 $0xFFFFFFB0  }
0x95: {  	_ =	swait.ge [sflag:s7], $0x50  }
0x96: {  	[sflag:s7] =	ssyncset.done $0x0  }
0x97: {  	[sflag:s7] =	ssyncadd.s32 $0xFFFFFFB0  }
0x98: {  	_ =	swait.ge [sflag:s7], $0x50  }
0x99: {  	[sflag:s7] =	ssyncset.done $0x0  }
0x9a: {  	[sflag:s7] =	ssyncadd.s32 $0xFFFFFFB0  }
0x9b: {  	_ =	swait.ge [sflag:s7], $0x50  }
0x9c: {  	s17 =	simm.s32 $0x7D0;
	s18 =	simm.s32 $0x3E80;
	[sflag:s7] =	ssyncset.done $0x0  }
.LBB2_6:
0x9d: {  	s19 =	sadd.s32 $0x280, s17  }
0x9e: {  	[sflag:s7] =	ssyncadd.s32 $0xFFFFFFB0;
	s16 =	smov.u32 s18;
	s15 =	sadd.s32 $0x1F40, s18  }
0x9f: {  	[spmem:s1] =	stream.indirect.scatter.add.f32 [tilespmem:s11], [sflag:$0x1], $0x1, s19, s10, $0xb8;
	[tilespmem:$0x51E0] =	vst v63  }
0xa0: {  	p1 =	sne.s32 s18, $0x7D00;
	s18 =	sadd.s32 $0x2D0, s17  }
0xa1: {  	[spmem:s1] =	stream.indirect.scatter.add.f32 [tilespmem:s11], [sflag:$0x1], $0x1, s18, s10, $0xb8;
	[tilespmem:$0x51E0] =	vst v63  }
0xa2: {  	s18 =	sadd.s32 $0x320, s17  }
0xa3: {  	[spmem:s1] =	stream.indirect.scatter.add.f32 [tilespmem:s11], [sflag:$0x1], $0x1, s18, s10, $0xb8;
	[tilespmem:$0x51E0] =	vst v63  }
0xa4: {  	s18 =	sadd.s32 $0x370, s17  }
0xa5: {  	[spmem:s1] =	stream.indirect.scatter.add.f32 [tilespmem:s11], [sflag:$0x1], $0x1, s18, s10, $0xb8;
	[tilespmem:$0x51E0] =	vst v63  }
0xa6: {  	s18 =	sadd.s32 $0x3C0, s17  }
0xa7: {  	[spmem:s1] =	stream.indirect.scatter.add.f32 [tilespmem:s11], [sflag:$0x1], $0x1, s18, s10, $0xb8;
	[tilespmem:$0x51E0] =	vst v63  }
0xa8: {  	s18 =	sadd.s32 $0x410, s17  }
0xa9: {  	[spmem:s1] =	stream.indirect.scatter.add.f32 [tilespmem:s11], [sflag:$0x1], $0x1, s18, s10, $0xb8;
	[tilespmem:$0x51E0] =	vst v63  }
0xaa: {  	s18 =	sadd.s32 $0x460, s17  }
0xab: {  	[spmem:s1] =	stream.indirect.scatter.add.f32 [tilespmem:s11], [sflag:$0x1], $0x1, s18, s10, $0xb8;
	[tilespmem:$0x51E0] =	vst v63  }
0xac: {  	s18 =	sadd.s32 $0x4B0, s17  }
0xad: {  	[spmem:s1] =	stream.indirect.scatter.add.f32 [tilespmem:s11], [sflag:$0x1], $0x1, s18, s10, $0xb8;
	[tilespmem:$0x51E0] =	vst v63  }
0xae: {  	s18 =	sadd.s32 $0x500, s17  }
0xaf: {  	[spmem:s1] =	stream.indirect.scatter.add.f32 [tilespmem:s11], [sflag:$0x1], $0x1, s18, s10, $0xb8;
	[tilespmem:$0x51E0] =	vst v63  }
0xb0: {  	s18 =	sadd.s32 $0x550, s17  }
0xb1: {  	[spmem:s1] =	stream.indirect.scatter.add.f32 [tilespmem:s11], [sflag:$0x1], $0x1, s18, s10, $0xb8;
	[tilespmem:$0x51E0] =	vst v63  }
0xb2: {  	s18 =	sadd.s32 $0x5A0, s17  }
0xb3: {  	[spmem:s1] =	stream.indirect.scatter.add.f32 [tilespmem:s11], [sflag:$0x1], $0x1, s18, s10, $0xb8;
	[tilespmem:$0x51E0] =	vst v63  }
0xb4: {  	s18 =	sadd.s32 $0x5F0, s17  }
0xb5: {  	[spmem:s1] =	stream.indirect.scatter.add.f32 [tilespmem:s11], [sflag:$0x1], $0x1, s18, s10, $0xb8;
	[tilespmem:$0x51E0] =	vst v63  }
0xb6: {  	s18 =	sadd.s32 $0x640, s17  }
0xb7: {  	[spmem:s1] =	stream.indirect.scatter.add.f32 [tilespmem:s11], [sflag:$0x1], $0x1, s18, s10, $0xb8;
	[tilespmem:$0x51E0] =	vst v63  }
0xb8: {  	s18 =	sadd.s32 $0x690, s17  }
0xb9: {  	[spmem:s1] =	stream.indirect.scatter.add.f32 [tilespmem:s11], [sflag:$0x1], $0x1, s18, s10, $0xb8;
	[tilespmem:$0x51E0] =	vst v63  }
0xba: {  	s18 =	sadd.s32 $0x6E0, s17  }
0xbb: {  	[spmem:s1] =	stream.indirect.scatter.add.f32 [tilespmem:s11], [sflag:$0x1], $0x1, s18, s10, $0xb8;
	[tilespmem:$0x51E0] =	vst v63  }
0xbc: {  	s18 =	sadd.s32 $0x730, s17  }
0xbd: {  	[spmem:s1] =	stream.indirect.scatter.add.f32 [tilespmem:s11], [sflag:$0x1], $0x1, s18, s10, $0xb8;
	[tilespmem:$0x51E0] =	vst v63  }
0xbe: {  	s18 =	sadd.s32 $0x780, s17  }
0xbf: {  	[spmem:s1] =	stream.indirect.scatter.add.f32 [tilespmem:s11], [sflag:$0x1], $0x1, s18, s10, $0xb8;
	[tilespmem:$0x51E0] =	vst v63  }
0xc0: {  	s18 =	sadd.s32 $0x7D0, s17  }
0xc1: {  	[spmem:s1] =	stream.indirect.scatter.add.f32 [tilespmem:s11], [sflag:$0x1], $0x1, s18, s10, $0xb8;
	[tilespmem:$0x51E0] =	vst v63  }
0xc2: {  	s18 =	sadd.s32 $0x820, s17  }
0xc3: {  	[spmem:s1] =	stream.indirect.scatter.add.f32 [tilespmem:s11], [sflag:$0x1], $0x1, s18, s10, $0xb8;
	[tilespmem:$0x51E0] =	vst v63  }
0xc4: {  	s18 =	sadd.s32 $0x870, s17  }
0xc5: {  	[spmem:s1] =	stream.indirect.scatter.add.f32 [tilespmem:s11], [sflag:$0x1], $0x1, s18, s10, $0xb8;
	[tilespmem:$0x51E0] =	vst v63  }
0xc6: {  	s18 =	sadd.s32 $0x8C0, s17  }
0xc7: {  	[spmem:s1] =	stream.indirect.scatter.add.f32 [tilespmem:s11], [sflag:$0x1], $0x1, s18, s10, $0xb8;
	[tilespmem:$0x51E0] =	vst v63  }
0xc8: {  	s18 =	sadd.s32 $0x910, s17  }
0xc9: {  	[spmem:s1] =	stream.indirect.scatter.add.f32 [tilespmem:s11], [sflag:$0x1], $0x1, s18, s10, $0xb8;
	[tilespmem:$0x51E0] =	vst v63  }
0xca: {  	s18 =	sadd.s32 $0x960, s17  }
0xcb: {  	[spmem:s1] =	stream.indirect.scatter.add.f32 [tilespmem:s11], [sflag:$0x1], $0x1, s18, s10, $0xb8;
	[tilespmem:$0x51E0] =	vst v63  }
0xcc: {  	s18 =	sadd.s32 $0x9B0, s17  }
0xcd: {  	[spmem:s1] =	stream.indirect.scatter.add.f32 [tilespmem:s11], [sflag:$0x1], $0x1, s18, s10, $0xb8;
	[tilespmem:$0x51E0] =	vst v63  }
0xce: {  	s17 =	sadd.s32 $0xA00, s17  }
0xcf: {  	[spmem:s1] =	stream.indirect.scatter.add.f32 [tilespmem:s11], [sflag:$0x1], $0x1, s17, s10, $0xb8;
	[tilespmem:$0x51E0] =	vst v63  }
0xd0: {  	_ =	swait.ge [sflag:s7], $0x50  }
0xd1: {  	[sflag:s7] =	ssyncset.done $0x0  }
0xd2: {  	[sflag:s7] =	ssyncadd.s32 $0xFFFFFFB0  }
0xd3: {  	_ =	swait.ge [sflag:s7], $0x50  }
0xd4: {  	[sflag:s7] =	ssyncset.done $0x0  }
0xd5: {  	[sflag:s7] =	ssyncadd.s32 $0xFFFFFFB0  }
0xd6: {  	_ =	swait.ge [sflag:s7], $0x50  }
0xd7: {  	[sflag:s7] =	ssyncset.done $0x0  }
0xd8: {  	[sflag:s7] =	ssyncadd.s32 $0xFFFFFFB0  }
0xd9: {  	_ =	swait.ge [sflag:s7], $0x50  }
0xda: {  	[sflag:s7] =	ssyncset.done $0x0  }
0xdb: {  	[sflag:s7] =	ssyncadd.s32 $0xFFFFFFB0  }
0xdc: {  	_ =	swait.ge [sflag:s7], $0x50  }
0xdd: {  	[sflag:s7] =	ssyncset.done $0x0  }
0xde: {  	[sflag:s7] =	ssyncadd.s32 $0xFFFFFFB0  }
0xdf: {  	_ =	swait.ge [sflag:s7], $0x50  }
0xe0: {  	[sflag:s7] =	ssyncset.done $0x0  }
0xe1: {  	[sflag:s7] =	ssyncadd.s32 $0xFFFFFFB0  }
0xe2: {  	_ =	swait.ge [sflag:s7], $0x50  }
0xe3: {  	[sflag:s7] =	ssyncset.done $0x0  }
0xe4: {  	[sflag:s7] =	ssyncadd.s32 $0xFFFFFFB0  }
0xe5: {  	_ =	swait.ge [sflag:s7], $0x50  }
0xe6: {  	[sflag:s7] =	ssyncset.done $0x0  }
0xe7: {  	[sflag:s7] =	ssyncadd.s32 $0xFFFFFFB0  }
0xe8: {  	_ =	swait.ge [sflag:s7], $0x50  }
0xe9: {  	[sflag:s7] =	ssyncset.done $0x0  }
0xea: {  	[sflag:s7] =	ssyncadd.s32 $0xFFFFFFB0  }
0xeb: {  	_ =	swait.ge [sflag:s7], $0x50  }
0xec: {  	[sflag:s7] =	ssyncset.done $0x0  }
0xed: {  	[sflag:s7] =	ssyncadd.s32 $0xFFFFFFB0  }
0xee: {  	_ =	swait.ge [sflag:s7], $0x50  }
0xef: {  	[sflag:s7] =	ssyncset.done $0x0  }
0xf0: {  	[sflag:s7] =	ssyncadd.s32 $0xFFFFFFB0  }
0xf1: {  	_ =	swait.ge [sflag:s7], $0x50  }
0xf2: {  	[sflag:s7] =	ssyncset.done $0x0  }
0xf3: {  	[sflag:s7] =	ssyncadd.s32 $0xFFFFFFB0  }
0xf4: {  	_ =	swait.ge [sflag:s7], $0x50  }
0xf5: {  	[sflag:s7] =	ssyncset.done $0x0  }
0xf6: {  	[sflag:s7] =	ssyncadd.s32 $0xFFFFFFB0  }
0xf7: {  	_ =	swait.ge [sflag:s7], $0x50  }
0xf8: {  	[sflag:s7] =	ssyncset.done $0x0  }
0xf9: {  	[sflag:s7] =	ssyncadd.s32 $0xFFFFFFB0  }
0xfa: {  	_ =	swait.ge [sflag:s7], $0x50  }
0xfb: {  	[sflag:s7] =	ssyncset.done $0x0  }
0xfc: {  	[sflag:s7] =	ssyncadd.s32 $0xFFFFFFB0  }
0xfd: {  	_ =	swait.ge [sflag:s7], $0x50  }
0xfe: {  	[sflag:s7] =	ssyncset.done $0x0  }
0xff: {  	[sflag:s7] =	ssyncadd.s32 $0xFFFFFFB0  }
0x100: {  	_ =	swait.ge [sflag:s7], $0x50  }
0x101: {  	[sflag:s7] =	ssyncset.done $0x0  }
0x102: {  	[sflag:s7] =	ssyncadd.s32 $0xFFFFFFB0  }
0x103: {  	_ =	swait.ge [sflag:s7], $0x50  }
0x104: {  	[sflag:s7] =	ssyncset.done $0x0  }
0x105: {  	[sflag:s7] =	ssyncadd.s32 $0xFFFFFFB0  }
0x106: {  	_ =	swait.ge [sflag:s7], $0x50  }
0x107: {  	[sflag:s7] =	ssyncset.done $0x0  }
0x108: {  	[sflag:s7] =	ssyncadd.s32 $0xFFFFFFB0  }
0x109: {  	_ =	swait.ge [sflag:s7], $0x50  }
0x10a: {  	[sflag:s7] =	ssyncset.done $0x0  }
0x10b: {  	[sflag:s7] =	ssyncadd.s32 $0xFFFFFFB0  }
0x10c: {  	_ =	swait.ge [sflag:s7], $0x50  }
0x10d: {  	[sflag:s7] =	ssyncset.done $0x0  }
0x10e: {  	[sflag:s7] =	ssyncadd.s32 $0xFFFFFFB0  }
0x10f: {  	_ =	swait.ge [sflag:s7], $0x50  }
0x110: {  	[sflag:s7] =	ssyncset.done $0x0  }
0x111: {  	[sflag:s7] =	ssyncadd.s32 $0xFFFFFFB0  }
0x112: {  	_ =	swait.ge [sflag:s7], $0x50  }
0x113: {  	[sflag:s7] =	ssyncset.done $0x0  }
0x114: {  	[sflag:s7] =	ssyncadd.s32 $0xFFFFFFB0  }
.Ltmp2:
0x115: {  	_ =	swait.ge [sflag:s7], $0x50;
	(pc) =	sbr.rel @p1 .LBB2_6-.Ltmp2, $4  }
0x116: {  	[sflag:s7] =	ssyncset.done $0x0  }
0x117: {  	[sflag:s7] =	ssyncadd.s32 $0xFFFFFFB0  }
0x118: {  	_ =	swait.ge [sflag:s7], $0x50  }
0x119: {  	s18 =	smov.u32 s15;
	s17 =	sshra.s32 s16, $0x2;
	[sflag:s7] =	ssyncset.done $0x0  }
0x11a: {  	s15 =	sadd.s32 $0x280, s17;
	[sflag:s7] =	ssyncadd.s32 $0xFFFFFFB0  }
0x11b: {  	[spmem:s1] =	stream.indirect.scatter.add.f32 [tilespmem:s11], [sflag:$0x1], $0x1, s15, s10, $0xb8;
	[tilespmem:$0x51E0] =	vst v63  }
0x11c: {  	s21 =	sadd.s32 $0x2D0, s17  }
0x11d: {  	[spmem:s1] =	stream.indirect.scatter.add.f32 [tilespmem:s11], [sflag:$0x1], $0x1, s21, s10, $0xb8;
	[tilespmem:$0x51E0] =	vst v63  }
0x11e: {  	s22 =	sadd.s32 $0x320, s17  }
0x11f: {  	[spmem:s1] =	stream.indirect.scatter.add.f32 [tilespmem:s11], [sflag:$0x1], $0x1, s22, s10, $0xb8;
	[tilespmem:$0x51E0] =	vst v63  }
0x120: {  	s23 =	sadd.s32 $0x370, s17  }
0x121: {  	[spmem:s1] =	stream.indirect.scatter.add.f32 [tilespmem:s11], [sflag:$0x1], $0x1, s23, s10, $0xb8;
	[tilespmem:$0x51E0] =	vst v63  }
0x122: {  	s24 =	sadd.s32 $0x3C0, s17  }
0x123: {  	[spmem:s1] =	stream.indirect.scatter.add.f32 [tilespmem:s11], [sflag:$0x1], $0x1, s24, s10, $0xb8;
	[tilespmem:$0x51E0] =	vst v63  }
0x124: {  	s25 =	sadd.s32 $0x410, s17  }
0x125: {  	[spmem:s1] =	stream.indirect.scatter.add.f32 [tilespmem:s11], [sflag:$0x1], $0x1, s25, s10, $0xb8;
	[tilespmem:$0x51E0] =	vst v63  }
0x126: {  	s26 =	sadd.s32 $0x460, s17  }
0x127: {  	[spmem:s1] =	stream.indirect.scatter.add.f32 [tilespmem:s11], [sflag:$0x1], $0x1, s26, s10, $0xb8;
	[tilespmem:$0x51E0] =	vst v63  }
0x128: {  	s28 =	sadd.s32 $0x4B0, s17  }
0x129: {  	[spmem:s1] =	stream.indirect.scatter.add.f32 [tilespmem:s11], [sflag:$0x1], $0x1, s28, s10, $0xb8;
	[tilespmem:$0x51E0] =	vst v63  }
0x12a: {  	s29 =	sadd.s32 $0x500, s17  }
0x12b: {  	[spmem:s1] =	stream.indirect.scatter.add.f32 [tilespmem:s11], [sflag:$0x1], $0x1, s29, s10, $0xb8;
	[tilespmem:$0x51E0] =	vst v63  }
0x12c: {  	s30 =	sadd.s32 $0x550, s17  }
0x12d: {  	[spmem:s1] =	stream.indirect.scatter.add.f32 [tilespmem:s11], [sflag:$0x1], $0x1, s30, s10, $0xb8;
	[tilespmem:$0x51E0] =	vst v63  }
0x12e: {  	s31 =	sadd.s32 $0x5A0, s17  }
0x12f: {  	[spmem:s1] =	stream.indirect.scatter.add.f32 [tilespmem:s11], [sflag:$0x1], $0x1, s31, s10, $0xb8;
	[tilespmem:$0x51E0] =	vst v63  }
0x130: {  	s16 =	sadd.s32 $0x5F0, s17  }
0x131: {  	[spmem:s1] =	stream.indirect.scatter.add.f32 [tilespmem:s11], [sflag:$0x1], $0x1, s16, s10, $0xb8;
	[tilespmem:$0x51E0] =	vst v63  }
0x132: {  	s18 =	sadd.s32 $0x640, s17  }
0x133: {  	[spmem:s1] =	stream.indirect.scatter.add.f32 [tilespmem:s11], [sflag:$0x1], $0x1, s18, s10, $0xb8;
	[tilespmem:$0x51E0] =	vst v63  }
0x134: {  	s19 =	sadd.s32 $0x690, s17  }
0x135: {  	[spmem:s1] =	stream.indirect.scatter.add.f32 [tilespmem:s11], [sflag:$0x1], $0x1, s19, s10, $0xb8;
	[tilespmem:$0x51E0] =	vst v63  }
0x136: {  	s20 =	sadd.s32 $0x6E0, s17  }
0x137: {  	[spmem:s1] =	stream.indirect.scatter.add.f32 [tilespmem:s11], [sflag:$0x1], $0x1, s20, s10, $0xb8;
	[tilespmem:$0x51E0] =	vst v63  }
0x138: {  	s21 =	sadd.s32 $0x730, s17  }
0x139: {  	[spmem:s1] =	stream.indirect.scatter.add.f32 [tilespmem:s11], [sflag:$0x1], $0x1, s21, s10, $0xb8;
	[tilespmem:$0x51E0] =	vst v63  }
0x13a: {  	s22 =	sadd.s32 $0x780, s17  }
0x13b: {  	[spmem:s1] =	stream.indirect.scatter.add.f32 [tilespmem:s11], [sflag:$0x1], $0x1, s22, s10, $0xb8;
	[tilespmem:$0x51E0] =	vst v63  }
0x13c: {  	s23 =	sadd.s32 $0x7D0, s17  }
0x13d: {  	[spmem:s1] =	stream.indirect.scatter.add.f32 [tilespmem:s11], [sflag:$0x1], $0x1, s23, s10, $0xb8;
	[tilespmem:$0x51E0] =	vst v63  }
0x13e: {  	s24 =	sadd.s32 $0x820, s17  }
0x13f: {  	[spmem:s1] =	stream.indirect.scatter.add.f32 [tilespmem:s11], [sflag:$0x1], $0x1, s24, s10, $0xb8;
	[tilespmem:$0x51E0] =	vst v63  }
0x140: {  	s25 =	sadd.s32 $0x870, s17  }
0x141: {  	[spmem:s1] =	stream.indirect.scatter.add.f32 [tilespmem:s11], [sflag:$0x1], $0x1, s25, s10, $0xb8;
	[tilespmem:$0x51E0] =	vst v63  }
0x142: {  	s26 =	sadd.s32 $0x8C0, s17  }
0x143: {  	[spmem:s1] =	stream.indirect.scatter.add.f32 [tilespmem:s11], [sflag:$0x1], $0x1, s26, s10, $0xb8;
	[tilespmem:$0x51E0] =	vst v63  }
0x144: {  	s28 =	sadd.s32 $0x910, s17  }
0x145: {  	[spmem:s1] =	stream.indirect.scatter.add.f32 [tilespmem:s11], [sflag:$0x1], $0x1, s28, s10, $0xb8;
	[tilespmem:$0x51E0] =	vst v63  }
0x146: {  	s29 =	sadd.s32 $0x960, s17  }
0x147: {  	[spmem:s1] =	stream.indirect.scatter.add.f32 [tilespmem:s11], [sflag:$0x1], $0x1, s29, s10, $0xb8;
	[tilespmem:$0x51E0] =	vst v63  }
0x148: {  	s30 =	sadd.s32 $0x9B0, s17  }
0x149: {  	[spmem:s1] =	stream.indirect.scatter.add.f32 [tilespmem:s11], [sflag:$0x1], $0x1, s30, s10, $0xb8;
	[tilespmem:$0x51E0] =	vst v63  }
0x14a: {  	s31 =	sadd.s32 $0xA00, s17  }
0x14b: {  	[spmem:s1] =	stream.indirect.scatter.add.f32 [tilespmem:s11], [sflag:$0x1], $0x1, s31, s10, $0xb8;
	[tilespmem:$0x51E0] =	vst v63  }
0x14c: {  	_ =	swait.ge [sflag:s7], $0x50  }
0x14d: {  	[sflag:s7] =	ssyncset.done $0x0  }
0x14e: {  	[sflag:s7] =	ssyncadd.s32 $0xFFFFFFB0  }
0x14f: {  	_ =	swait.ge [sflag:s7], $0x50  }
0x150: {  	[sflag:s7] =	ssyncset.done $0x0  }
0x151: {  	[sflag:s7] =	ssyncadd.s32 $0xFFFFFFB0  }
0x152: {  	_ =	swait.ge [sflag:s7], $0x50  }
0x153: {  	[sflag:s7] =	ssyncset.done $0x0  }
0x154: {  	[sflag:s7] =	ssyncadd.s32 $0xFFFFFFB0  }
0x155: {  	_ =	swait.ge [sflag:s7], $0x50  }
0x156: {  	[sflag:s7] =	ssyncset.done $0x0  }
0x157: {  	[sflag:s7] =	ssyncadd.s32 $0xFFFFFFB0  }
0x158: {  	_ =	swait.ge [sflag:s7], $0x50  }
0x159: {  	[sflag:s7] =	ssyncset.done $0x0  }
0x15a: {  	[sflag:s7] =	ssyncadd.s32 $0xFFFFFFB0  }
0x15b: {  	_ =	swait.ge [sflag:s7], $0x50  }
0x15c: {  	[sflag:s7] =	ssyncset.done $0x0  }
0x15d: {  	[sflag:s7] =	ssyncadd.s32 $0xFFFFFFB0  }
0x15e: {  	_ =	swait.ge [sflag:s7], $0x50  }
0x15f: {  	[sflag:s7] =	ssyncset.done $0x0  }
0x160: {  	[sflag:s7] =	ssyncadd.s32 $0xFFFFFFB0  }
0x161: {  	_ =	swait.ge [sflag:s7], $0x50  }
0x162: {  	[sflag:s7] =	ssyncset.done $0x0  }
0x163: {  	[sflag:s7] =	ssyncadd.s32 $0xFFFFFFB0  }
0x164: {  	_ =	swait.ge [sflag:s7], $0x50  }
0x165: {  	[sflag:s7] =	ssyncset.done $0x0  }
0x166: {  	[sflag:s7] =	ssyncadd.s32 $0xFFFFFFB0  }
0x167: {  	_ =	swait.ge [sflag:s7], $0x50  }
0x168: {  	[sflag:s7] =	ssyncset.done $0x0  }
0x169: {  	[sflag:s7] =	ssyncadd.s32 $0xFFFFFFB0  }
0x16a: {  	_ =	swait.ge [sflag:s7], $0x50  }
0x16b: {  	[sflag:s7] =	ssyncset.done $0x0  }
0x16c: {  	[sflag:s7] =	ssyncadd.s32 $0xFFFFFFB0  }
0x16d: {  	_ =	swait.ge [sflag:s7], $0x50  }
0x16e: {  	[sflag:s7] =	ssyncset.done $0x0  }
0x16f: {  	[sflag:s7] =	ssyncadd.s32 $0xFFFFFFB0  }
0x170: {  	_ =	swait.ge [sflag:s7], $0x50  }
0x171: {  	[sflag:s7] =	ssyncset.done $0x0  }
0x172: {  	[sflag:s7] =	ssyncadd.s32 $0xFFFFFFB0  }
0x173: {  	_ =	swait.ge [sflag:s7], $0x50  }
0x174: {  	[sflag:s7] =	ssyncset.done $0x0  }
0x175: {  	[sflag:s7] =	ssyncadd.s32 $0xFFFFFFB0  }
0x176: {  	_ =	swait.ge [sflag:s7], $0x50  }
0x177: {  	[sflag:s7] =	ssyncset.done $0x0  }
0x178: {  	[sflag:s7] =	ssyncadd.s32 $0xFFFFFFB0  }
0x179: {  	_ =	swait.ge [sflag:s7], $0x50  }
0x17a: {  	[sflag:s7] =	ssyncset.done $0x0  }
0x17b: {  	[sflag:s7] =	ssyncadd.s32 $0xFFFFFFB0  }
0x17c: {  	_ =	swait.ge [sflag:s7], $0x50  }
0x17d: {  	[sflag:s7] =	ssyncset.done $0x0  }
0x17e: {  	[sflag:s7] =	ssyncadd.s32 $0xFFFFFFB0  }
0x17f: {  	_ =	swait.ge [sflag:s7], $0x50  }
0x180: {  	[sflag:s7] =	ssyncset.done $0x0  }
0x181: {  	[sflag:s7] =	ssyncadd.s32 $0xFFFFFFB0  }
0x182: {  	_ =	swait.ge [sflag:s7], $0x50  }
0x183: {  	[sflag:s7] =	ssyncset.done $0x0  }
0x184: {  	[sflag:s7] =	ssyncadd.s32 $0xFFFFFFB0  }
0x185: {  	_ =	swait.ge [sflag:s7], $0x50  }
0x186: {  	[sflag:s7] =	ssyncset.done $0x0  }
0x187: {  	[sflag:s7] =	ssyncadd.s32 $0xFFFFFFB0  }
0x188: {  	_ =	swait.ge [sflag:s7], $0x50  }
0x189: {  	[sflag:s7] =	ssyncset.done $0x0  }
0x18a: {  	[sflag:s7] =	ssyncadd.s32 $0xFFFFFFB0  }
0x18b: {  	_ =	swait.ge [sflag:s7], $0x50  }
0x18c: {  	[sflag:s7] =	ssyncset.done $0x0  }
0x18d: {  	[sflag:s7] =	ssyncadd.s32 $0xFFFFFFB0  }
0x18e: {  	_ =	swait.ge [sflag:s7], $0x50  }
0x18f: {  	[sflag:s7] =	ssyncset.done $0x0  }
0x190: {  	[sflag:s7] =	ssyncadd.s32 $0xFFFFFFB0  }
0x191: {  	_ =	swait.ge [sflag:s7], $0x50  }
0x192: {  	[sflag:s7] =	ssyncset.done $0x0  }
0x193: {  	[sflag:s7] =	ssyncadd.s32 $0xFFFFFFB0  }
0x194: {  	_ =	swait.ge [sflag:s7], $0x50  }
0x195: {  	s14 =	sadd.s32 $0x1, s14;
	[sflag:s7] =	ssyncset.done $0x0  }
0x196: {  	p1 =	sne.s32 s14, s5;
	[sflag:s7] =	ssyncadd.s32 $0xFFFFFFB0  }
.Ltmp3:
0x197: {  	[bflag:$0x0] =	sbarrier.arrive $0xFFFF;
	(pc) =	sbr.rel @p1 .LBB2_1-.Ltmp3, $4  }
0x198: {  	[hbm:s4], [sflag:s12] =	dma.local [spmem:s13], $0x50  }
0x199: {  	_ =	swait.ge [sflag:s9], $0x50  }
0x19a: {  	[sflag:s9] =	ssyncset.done $0x0  }
0x19b: {  	[sflag:s9] =	ssyncadd.s32 $0xFFFFFFB0  }
0x19c: {  	_ =	sfence.sel $0x180000  }
0x19d: {  	[bflag:$0x0] =	sbarrier.arrive $0xFFFF  }
0x19e: {  	_ =	strace $0x90000047  }
0x19f: {  	s0 =	sadd.s32 @!p0 $0x100000, s0;
	[bflag:$0x2] =	sbarrier.arrive $0xFFFF  }
0x1a0: {  	[sflag:s0] =	ssyncadd.tile.s32 @!p0 $0x1;
	_ =	shalt  }
.Lfunc_end2:
_tile_overlayer_lowered:
.L_overlay_start_2:
0x1a1: {  	(tag) =	ssettag $0x2  }
0x1a2: {  	s0 =	rddreg [dreg:$0x0];
	s2 =	stileid.u32  }
0x1a3: {  	s1 =	rddreg [dreg:$0x1];
	p0 =	sne.s32 s2, $0x0  }
0x1a4: {  	s3 =	rddreg [dreg:$0x2];
	[bflag:$0x3] =	sbarrier.arrive $0xFFFF;
	s2 =	simm.s32 @!p0 $0x1C01  }
0x1a5: {  	[timem:s3], [sflag:s2] =	dma.local @!p0 [hbm:s0], s1  }
0x1a6: {  	s0 =	simm.s32 @!p0 $0x1  }
0x1a7: {  	_ =	swait.ge @!p0 [sflag:s0], s1  }
0x1a8: {  	s1 =	ssub.s32 @!p0 $0x0, s1;
	[sflag:s0] =	ssyncset.done @!p0 $0x0  }
0x1a9: {  	[sflag:s0] =	ssyncadd.s32 @!p0 s1  }
0x1aa: {  	[bflag:$0x3] =	sbarrier.arrive $0xFFFF  }
0x1ab: {  	_ =	shalt  }

</sc_bundles>
